<compile_context>
chip_gen: v7x
topology: tpu7x:2x2x1
jax: 0.10.2.dev20260603
libtpu: 0.0.44.dev20260713+nightly
codegen_flags: <defaults>
</compile_context>

<pallas_src>
import functools

import jax
import jax.numpy as jnp
from jax import lax
from jax.experimental import pallas as pl
from jax.experimental.pallas import tpu as pltpu
from jax.experimental.pallas import tpu_sc as plsc

N = 10000
D = 128
T = 7
E = 45714

TILES = 16
CHUNK_A = 96
CHUNK_D = 64
EPT = 2880
N_CH_A = EPT // CHUNK_A
N_CH_D = EPT // CHUNK_D
EPAD = TILES * EPT
PAD = EPAD - E
NPAD = 10112
RPT = NPAD // TILES
T6A = N_CH_A // 2
T6D = N_CH_D // 2

_mesh = plsc.VectorSubcoreMesh(core_axis_name="c", subcore_axis_name="s",
                               num_cores=2, num_subcores=TILES)


def _phase_params(c, phase, n_ch_full, t6_split):
    if phase < 3:
        t_idx = 3 * c + phase
        return t_idx, t_idx, 0 * c, n_ch_full
    t_idx = jnp.int32(6)
    slot = 6 + c
    ch_lo = c * t6_split
    n_ch = jnp.where(c == 0, t6_split, n_ch_full - t6_split)
    return t_idx, slot, ch_lo, n_ch


@functools.partial(
    pl.kernel,
    out_type=(
        jax.ShapeDtypeStruct((8, NPAD, D), jnp.float32),
        jax.ShapeDtypeStruct((8 * TILES * NPAD,), jnp.float32),
    ),
    mesh=_mesh,
    scratch_types=[
        pltpu.VMEM((EPT,), jnp.int32),
        pltpu.VMEM((N_CH_A, CHUNK_A), jnp.int32),
        pltpu.VMEM((NPAD,), jnp.float32),
        pltpu.VMEM((CHUNK_A, D), jnp.float32),
        pltpu.VMEM((CHUNK_A, D), jnp.float32),
        pltpu.VMEM_SHARED((NPAD, D), jnp.float32),
        pltpu.SemaphoreType.DMA,
        pltpu.SemaphoreType.DMA,
    ],
    compiler_params=pltpu.CompilerParams(needs_layout_passes=False),
)
def _sc_aggregate(x_hbm, ei_hbm, ds_hbm, agg_out, deg_out,
                  src_all, dst2d, hist_v, rows_a, rows_b, agg_sh,
                  gsem_a, gsem_b):
    c = lax.axis_index("c")
    s = lax.axis_index("s")

    def _zero_hist(i, carry):
        hist_v[pl.ds(i * 16, 16)] = jnp.zeros((16,), jnp.float32)
        return carry

    lax.fori_loop(0, NPAD // 16, _zero_hist, 0)
    ones16 = jnp.ones((16,), jnp.float32)

    def _zero_rows(i, carry):
        z16 = jnp.zeros((16,), jnp.float32)
        for j in range(D // 16):
            rows_a[i, pl.ds(j * 16, 16)] = z16
        return carry

    tile_base = s * EPT
    row_base = s * RPT

    for phase in range(4):
        t_idx, slot, ch_lo, n_ch = _phase_params(c, phase, N_CH_A, T6A)

        pltpu.sync_copy(
            ei_hbm.at[pl.ds((t_idx * 2) * EPAD + tile_base, EPT)], src_all)
        pltpu.sync_copy(ds_hbm.at[t_idx, s], dst2d)

        lax.fori_loop(0, CHUNK_A, _zero_rows, 0)
        off = 0
        while off < RPT:
            rr = min(CHUNK_A, RPT - off)
            pltpu.sync_copy(rows_a.at[pl.ds(0, rr), :],
                            agg_sh.at[pl.ds(row_base + off, rr), :])
            off += rr
        plsc.subcore_barrier()

        def _gather(ci, rows_k, gsem_k):
            idx = src_all.at[pl.ds((ch_lo + ci) * CHUNK_A, CHUNK_A)]
            pltpu.async_copy(x_hbm.at[idx], rows_k, gsem_k)

        _gather(0, rows_a, gsem_a)

        def _pair(j, carry):
            for k, rows_k, gsem_k, gsem_n in ((0, rows_a, gsem_a, gsem_b),
                                              (1, rows_b, gsem_b, gsem_a)):
                ci = 2 * j + k
                rows_n = rows_b if k == 0 else rows_a

                @pl.when(ci < n_ch)
                def _():
                    @pl.when(ci + 1 < n_ch)
                    def _():
                        _gather(ci + 1, rows_n, gsem_n)
                    for g in range(CHUNK_A // 16):
                        idx16 = dst2d[ch_lo + ci, pl.ds(g * 16, 16)]
                        plsc.addupdate_scatter(hist_v, [idx16], ones16)
                    pltpu.make_async_copy(x_hbm.at[src_all.at[pl.ds(0, CHUNK_A)]],
                                          rows_k, gsem_k).wait()
                    pltpu.sync_copy(rows_k, agg_sh.at[dst2d.at[ch_lo + ci]],
                                    add=True)
            return carry

        lax.fori_loop(0, (n_ch + 1) // 2, _pair, 0)
        plsc.subcore_barrier()

        pltpu.sync_copy(hist_v,
                        deg_out.at[pl.ds((slot * TILES + s) * NPAD, NPAD)])
        if phase < 3:
            lax.fori_loop(0, NPAD // 16, _zero_hist, 0)
        pltpu.sync_copy(agg_sh.at[pl.ds(row_base, RPT), :],
                        agg_out.at[slot, pl.ds(row_base, RPT), :])


ROWS_BLK = 400


def _tc_degred_body(deg_ref, out_ref):
    dsum = jnp.sum(deg_ref[...], axis=1)
    out_ref[...] = dsum.T


def _tc_degred(deg):
    return pl.pallas_call(
        _tc_degred_body,
        grid=(NPAD // 128,),
        in_specs=[pl.BlockSpec((8, TILES, 128), lambda i: (0, 0, i))],
        out_specs=pl.BlockSpec((128, 8), lambda i: (i, 0)),
        out_shape=jax.ShapeDtypeStruct((NPAD, 8), jnp.float32),
    )(deg)


def _tc_body(agg_ref, deg_ref, w_ref, b_ref, out_ref):
    deg = deg_ref[...]
    acc = jnp.zeros((ROWS_BLK, D), jnp.float32)
    for t in range(T):
        if t == 6:
            a = agg_ref[6] + agg_ref[7]
            dg = deg[:, 6] + deg[:, 7]
        else:
            a = agg_ref[t]
            dg = deg[:, t]
        h = a / jnp.maximum(dg, 1.0)[:, None]
        acc += jnp.dot(h, w_ref[t], preferred_element_type=jnp.float32)
    bias = jnp.sum(b_ref[...], axis=0)
    out_ref[...] = (acc + bias) * (1.0 / T)


def _tc_combine(agg, deg, W, b):
    return pl.pallas_call(
        _tc_body,
        grid=(N // ROWS_BLK,),
        in_specs=[
            pl.BlockSpec((8, ROWS_BLK, D), lambda i: (0, i, 0)),
            pl.BlockSpec((ROWS_BLK, 8), lambda i: (i, 0)),
            pl.BlockSpec((T, D, D), lambda i: (0, 0, 0)),
            pl.BlockSpec((T, D), lambda i: (0, 0)),
        ],
        out_specs=pl.BlockSpec((ROWS_BLK, D), lambda i: (i, 0)),
        out_shape=jax.ShapeDtypeStruct((N, D), jnp.float32),
    )(agg, deg, W, b)


def kernel(x, edge_index_0, edge_index_1, edge_index_2, edge_index_3,
           edge_index_4, edge_index_5, edge_index_6, W, b):
    ei = jnp.stack([edge_index_0, edge_index_1, edge_index_2, edge_index_3,
                    edge_index_4, edge_index_5, edge_index_6], axis=0)
    ar = jnp.arange(PAD, dtype=jnp.int32)
    pad_src = (ar * 997) % N
    pad_dst = N + (ar % (NPAD - N))
    pad = jnp.stack([pad_src, pad_dst], axis=0)[None]
    ei_pad = jnp.concatenate(
        [ei, jnp.broadcast_to(pad, (T, 2, PAD))], axis=2).reshape(-1)
    ds_resh = ei_pad.reshape(T, 2, TILES, N_CH_A, CHUNK_A)[:, 1]
    agg, deg = _sc_aggregate(x, ei_pad, ds_resh)
    deg = _tc_degred(deg.reshape(8, TILES, NPAD))
    return _tc_combine(agg, deg, W, b)

# --- scband reference (transcript-rebuilt; emitter-appended) ---
"""Pipeline reference for scband-switch-gnn-54631984005526 (READ-ONLY COPY).

The authoritative reference and input builder live on the scoring server;
editing this copy changes nothing except your own understanding.
"""

import jax, jax.numpy as jnp
import numpy as np

N = 10000
D = 128
T = 7
E = 45714


def setup_inputs(seed: int = 0) -> dict:
    key = jax.random.key(seed)
    ks = jax.random.split(key, T + 3)
    inp = {}
    inp["x"] = jax.random.normal(ks[0], (N, D), dtype=jnp.float32)
    for t in range(T):
        inp[f"edge_index_{t}"] = jax.random.randint(ks[1 + t], (2, E), 0, N, dtype=jnp.int32)
    inp["W"] = jax.random.normal(ks[T + 1], (T, D, D), dtype=jnp.float32) * (1.0 / np.sqrt(D))
    inp["b"] = jnp.zeros((T, D), dtype=jnp.float32)
    return inp


def _gnn_one_type(x, edge_index, W_t, b_t):
    # mean-aggregating message passing followed by a linear transform
    src = edge_index[0]
    dst = edge_index[1]
    msg = jnp.take(x, src, axis=0)                              # gather [E, D]
    agg = jax.ops.segment_sum(msg, dst, num_segments=N)         # scatter-add [N, D]
    deg = jax.ops.segment_sum(jnp.ones((msg.shape[0],), x.dtype), dst, num_segments=N)
    h = agg / jnp.clip(deg, 1.0)[:, None]                       # mean aggregation
    return h @ W_t + b_t


def reference(x, edge_index_0, edge_index_1, edge_index_2, edge_index_3,
              edge_index_4, edge_index_5, edge_index_6, W, b):
    edge_indices = [edge_index_0, edge_index_1, edge_index_2, edge_index_3,
                    edge_index_4, edge_index_5, edge_index_6]
    type_messages = []
    for t, ei in enumerate(edge_indices):
        type_messages.append(_gnn_one_type(x, ei, W[t], b[t]))
    x_agg = sum(type_messages) / len(type_messages)
    return x_agg

if __name__ == "__main__":
    import jax
    _d = setup_inputs()
    print(jax.jit(kernel)(*tuple(_d.values())))

</pallas_src>

<mosaic_0001>
#map = affine_map<(d0, d1) -> (0, 0)>
#map1 = affine_map<(d0, d1) -> (0)>
#map2 = affine_map<(d0, d1) -> (0, 0, 0, 0)>
#map3 = affine_map<(d0, d1) -> (0, 0, 0)>
module attributes {stable_mosaic.version = 14 : i64} {
  func.func @_sc_aggregate(%arg0: i32, %arg1: i32, %arg2: memref<10000x128xf32, #tpu.memory_space<hbm>>, %arg3: memref<645120xi32, #tpu.memory_space<hbm>>, %arg4: memref<7x16x30x96xi32, #tpu.memory_space<hbm>>, %arg5: memref<8x10112x128xf32, #tpu.memory_space<hbm>>, %arg6: memref<1294336xf32, #tpu.memory_space<hbm>>, %arg7: memref<2880xi32, #tpu.memory_space<vmem>>, %arg8: memref<30x96xi32, #tpu.memory_space<vmem>>, %arg9: memref<10112xf32, #tpu.memory_space<vmem>>, %arg10: memref<96x128xf32, #tpu.memory_space<vmem>>, %arg11: memref<96x128xf32, #tpu.memory_space<vmem>>, %arg12: memref<10112x128xf32, #tpu.memory_space<vmem_shared>>, %arg13: memref<!tpu.dma_semaphore, #tpu.memory_space<semaphore_mem>>, %arg14: memref<!tpu.dma_semaphore, #tpu.memory_space<semaphore_mem>>) attributes {dimension_semantics = [#tpu.dimension_semantics<core_parallel>, #tpu.dimension_semantics<subcore_parallel>], iteration_bounds = array<i64: 2, 16>, scalar_prefetch = 0 : i64, scratch_operands = 8 : i64, tpu.core_type = #tpu.core_type<sc_vector_subcore>, window_params = [{transform_indices = #map}, {transform_indices = #map1}, {transform_indices = #map2}, {transform_indices = #map3}, {transform_indices = #map1}]} {
    %scan3A = arith.constant 0 : i32
    %scan3A_0 = arith.constant 0 : i32
    %scan3A_1 = arith.constant 632 : i32
    %scan3A_2 = arith.addi %scan3A_0, %scan3A_1 : i32
    %scan3A_3 = arith.constant 1 : i32
    scf.for %scan3A_256 = %scan3A_0 to %scan3A_2 step %scan3A_3  : i32 {
      %broadcast_in_dim3A_257 = arith.constant 0.000000e+00 : f32
      %broadcast_in_dim3A_258 = vector.broadcast %broadcast_in_dim3A_257 : f32 to vector<16xf32>
      %mul3A_259 = arith.constant 16 : i32
      %mul3A_260 = arith.muli %scan3A_256, %mul3A_259 : i32
      %swap3A = arith.index_cast %mul3A_260 : i32 to index
      %swap3A_261 = tpu.vector_load %arg9[%swap3A] {strides = array<i32>} : memref<10112xf32, #tpu.memory_space<vmem>>, vector<16xf32>,
      tpu.vector_store %arg9[%swap3A], %broadcast_in_dim3A_258 {strides = array<i32>} : memref<10112xf32, #tpu.memory_space<vmem>>, vector<16xf32>,
    }
    %scan3A_4 = arith.constant 632 : i32
    %broadcast_in_dim3A = arith.constant 1.000000e+00 : f32
    %broadcast_in_dim3A_5 = vector.broadcast %broadcast_in_dim3A : f32 to vector<16xf32>
    %mul3A = arith.constant 2880 : i32
    %mul3A_6 = arith.muli %arg1, %mul3A : i32
    %mul3A_7 = arith.constant 632 : i32
    %mul3A_8 = arith.muli %arg1, %mul3A_7 : i32
    %mul3A_9 = arith.constant 3 : i32
    %mul3A_10 = arith.muli %mul3A_9, %arg0 : i32
    %add3A = arith.constant 0 : i32
    %add3A_11 = arith.addi %mul3A_10, %add3A : i32
    %mul3A_12 = arith.constant 0 : i32
    %mul3A_13 = arith.muli %mul3A_12, %arg0 : i32
    %mul3A_14 = arith.constant 2 : i32
    %mul3A_15 = arith.muli %add3A_11, %mul3A_14 : i32
    %mul3A_16 = arith.constant 46080 : i32
    %mul3A_17 = arith.muli %mul3A_15, %mul3A_16 : i32
    %add3A_18 = arith.addi %mul3A_17, %mul3A_6 : i32
    "tpu.region"() ({
      %run_scoped3A_256 = tpu.sem_alloc : memref<!tpu.dma_semaphore, #tpu.memory_space<semaphore_mem>>
      %dma_start3A_257 = tpu.memref_slice %arg3[%add3A_18] : memref<645120xi32, #tpu.memory_space<hbm>> -> memref<2880xi32, #tpu.memory_space<hbm>>
      %dma_start3A_258 = tpu.memref_slice %arg3[%add3A_18] : memref<645120xi32, #tpu.memory_space<hbm>> -> memref<2880xi32, #tpu.memory_space<hbm>>
      tpu.enqueue_dma source(%dma_start3A_258 : memref<2880xi32, #tpu.memory_space<hbm>>) target(%arg7 : memref<2880xi32, #tpu.memory_space<vmem>>) target_semaphore(%run_scoped3A_256 : memref<!tpu.dma_semaphore, #tpu.memory_space<semaphore_mem>>)
      %dma_wait3A = tpu.memref_slice %arg3[%add3A_18] : memref<645120xi32, #tpu.memory_space<hbm>> -> memref<2880xi32, #tpu.memory_space<hbm>>
      %dma_wait3A_259 = tpu.memref_slice %arg3[%add3A_18] : memref<645120xi32, #tpu.memory_space<hbm>> -> memref<2880xi32, #tpu.memory_space<hbm>>
      tpu.wait_dma2 semaphore(%run_scoped3A_256 : memref<!tpu.dma_semaphore, #tpu.memory_space<semaphore_mem>>) src(%dma_wait3A_259 : memref<2880xi32, #tpu.memory_space<hbm>>) dst(%arg7 : memref<2880xi32, #tpu.memory_space<vmem>>)
      tpu.yield
    }) : () -> ()
    "tpu.region"() ({
      %run_scoped3A_256 = tpu.sem_alloc : memref<!tpu.dma_semaphore, #tpu.memory_space<semaphore_mem>>
      %dma_start3A_257 = arith.constant 0 : i32
      %dma_start3A_258 = arith.constant 0 : i32
      %dma_start3A_259 = tpu.memref_slice %arg4[%add3A_11, %arg1, %dma_start3A_257, %dma_start3A_258] : memref<7x16x30x96xi32, #tpu.memory_space<hbm>> -> memref<1x1x30x96xi32, #tpu.memory_space<hbm>>
      %dma_start3A_260 = tpu.memref_squeeze %dma_start3A_259 : memref<1x1x30x96xi32, #tpu.memory_space<hbm>> -> memref<30x96xi32, #tpu.memory_space<hbm>>
      %dma_start3A_261 = arith.constant 0 : i32
      %dma_start3A_262 = arith.constant 0 : i32
      %dma_start3A_263 = tpu.memref_slice %arg4[%add3A_11, %arg1, %dma_start3A_261, %dma_start3A_262] : memref<7x16x30x96xi32, #tpu.memory_space<hbm>> -> memref<1x1x30x96xi32, #tpu.memory_space<hbm>>
      %dma_start3A_264 = tpu.memref_squeeze %dma_start3A_263 : memref<1x1x30x96xi32, #tpu.memory_space<hbm>> -> memref<30x96xi32, #tpu.memory_space<hbm>>
      tpu.enqueue_dma source(%dma_start3A_264 : memref<30x96xi32, #tpu.memory_space<hbm>>) target(%arg8 : memref<30x96xi32, #tpu.memory_space<vmem>>) target_semaphore(%run_scoped3A_256 : memref<!tpu.dma_semaphore, #tpu.memory_space<semaphore_mem>>)
      %dma_wait3A = arith.constant 0 : i32
      %dma_wait3A_265 = arith.constant 0 : i32
      %dma_wait3A_266 = tpu.memref_slice %arg4[%add3A_11, %arg1, %dma_wait3A, %dma_wait3A_265] : memref<7x16x30x96xi32, #tpu.memory_space<hbm>> -> memref<1x1x30x96xi32, #tpu.memory_space<hbm>>
      %dma_wait3A_267 = tpu.memref_squeeze %dma_wait3A_266 : memref<1x1x30x96xi32, #tpu.memory_space<hbm>> -> memref<30x96xi32, #tpu.memory_space<hbm>>
      %dma_wait3A_268 = arith.constant 0 : i32
      %dma_wait3A_269 = arith.constant 0 : i32
      %dma_wait3A_270 = tpu.memref_slice %arg4[%add3A_11, %arg1, %dma_wait3A_268, %dma_wait3A_269] : memref<7x16x30x96xi32, #tpu.memory_space<hbm>> -> memref<1x1x30x96xi32, #tpu.memory_space<hbm>>
      %dma_wait3A_271 = tpu.memref_squeeze %dma_wait3A_270 : memref<1x1x30x96xi32, #tpu.memory_space<hbm>> -> memref<30x96xi32, #tpu.memory_space<hbm>>
      tpu.wait_dma2 semaphore(%run_scoped3A_256 : memref<!tpu.dma_semaphore, #tpu.memory_space<semaphore_mem>>) src(%dma_wait3A_271 : memref<30x96xi32, #tpu.memory_space<hbm>>) dst(%arg8 : memref<30x96xi32, #tpu.memory_space<vmem>>)
      tpu.yield
    }) : () -> ()
    %scan3A_19 = arith.constant 0 : i32
    %scan3A_20 = arith.constant 0 : i32
    %scan3A_21 = arith.constant 96 : i32
    %scan3A_22 = arith.addi %scan3A_20, %scan3A_21 : i32
    %scan3A_23 = arith.constant 1 : i32
    scf.for %scan3A_256 = %scan3A_20 to %scan3A_22 step %scan3A_23  : i32 {
      %broadcast_in_dim3A_257 = arith.constant 0.000000e+00 : f32
      %broadcast_in_dim3A_258 = vector.broadcast %broadcast_in_dim3A_257 : f32 to vector<16xf32>
      %swap3A = arith.index_cast %scan3A_256 : i32 to index
      %swap3A_259 = arith.constant 0 : index
      %swap3A_260 = tpu.vector_load %arg10[%swap3A, %swap3A_259] {strides = array<i32>} : memref<96x128xf32, #tpu.memory_space<vmem>>, vector<16xf32>,
      tpu.vector_store %arg10[%swap3A, %swap3A_259], %broadcast_in_dim3A_258 {strides = array<i32>} : memref<96x128xf32, #tpu.memory_space<vmem>>, vector<16xf32>,
      %swap3A_261 = arith.index_cast %scan3A_256 : i32 to index
      %swap3A_262 = arith.constant 16 : index
      %swap3A_263 = tpu.vector_load %arg10[%swap3A_261, %swap3A_262] {strides = array<i32>} : memref<96x128xf32, #tpu.memory_space<vmem>>, vector<16xf32>,
      tpu.vector_store %arg10[%swap3A_261, %swap3A_262], %broadcast_in_dim3A_258 {strides = array<i32>} : memref<96x128xf32, #tpu.memory_space<vmem>>, vector<16xf32>,
      %swap3A_264 = arith.index_cast %scan3A_256 : i32 to index
      %swap3A_265 = arith.constant 32 : index
      %swap3A_266 = tpu.vector_load %arg10[%swap3A_264, %swap3A_265] {strides = array<i32>} : memref<96x128xf32, #tpu.memory_space<vmem>>, vector<16xf32>,
      tpu.vector_store %arg10[%swap3A_264, %swap3A_265], %broadcast_in_dim3A_258 {strides = array<i32>} : memref<96x128xf32, #tpu.memory_space<vmem>>, vector<16xf32>,
      %swap3A_267 = arith.index_cast %scan3A_256 : i32 to index
      %swap3A_268 = arith.constant 48 : index
      %swap3A_269 = tpu.vector_load %arg10[%swap3A_267, %swap3A_268] {strides = array<i32>} : memref<96x128xf32, #tpu.memory_space<vmem>>, vector<16xf32>,
      tpu.vector_store %arg10[%swap3A_267, %swap3A_268], %broadcast_in_dim3A_258 {strides = array<i32>} : memref<96x128xf32, #tpu.memory_space<vmem>>, vector<16xf32>,
      %swap3A_270 = arith.index_cast %scan3A_256 : i32 to index
      %swap3A_271 = arith.constant 64 : index
      %swap3A_272 = tpu.vector_load %arg10[%swap3A_270, %swap3A_271] {strides = array<i32>} : memref<96x128xf32, #tpu.memory_space<vmem>>, vector<16xf32>,
      tpu.vector_store %arg10[%swap3A_270, %swap3A_271], %broadcast_in_dim3A_258 {strides = array<i32>} : memref<96x128xf32, #tpu.memory_space<vmem>>, vector<16xf32>,
      %swap3A_273 = arith.index_cast %scan3A_256 : i32 to index
      %swap3A_274 = arith.constant 80 : index
      %swap3A_275 = tpu.vector_load %arg10[%swap3A_273, %swap3A_274] {strides = array<i32>} : memref<96x128xf32, #tpu.memory_space<vmem>>, vector<16xf32>,
      tpu.vector_store %arg10[%swap3A_273, %swap3A_274], %broadcast_in_dim3A_258 {strides = array<i32>} : memref<96x128xf32, #tpu.memory_space<vmem>>, vector<16xf32>,
      %swap3A_276 = arith.index_cast %scan3A_256 : i32 to index
      %swap3A_277 = arith.constant 96 : index
      %swap3A_278 = tpu.vector_load %arg10[%swap3A_276, %swap3A_277] {strides = array<i32>} : memref<96x128xf32, #tpu.memory_space<vmem>>, vector<16xf32>,
      tpu.vector_store %arg10[%swap3A_276, %swap3A_277], %broadcast_in_dim3A_258 {strides = array<i32>} : memref<96x128xf32, #tpu.memory_space<vmem>>, vector<16xf32>,
      %swap3A_279 = arith.index_cast %scan3A_256 : i32 to index
      %swap3A_280 = arith.constant 112 : index
      %swap3A_281 = tpu.vector_load %arg10[%swap3A_279, %swap3A_280] {strides = array<i32>} : memref<96x128xf32, #tpu.memory_space<vmem>>, vector<16xf32>,
      tpu.vector_store %arg10[%swap3A_279, %swap3A_280], %broadcast_in_dim3A_258 {strides = array<i32>} : memref<96x128xf32, #tpu.memory_space<vmem>>, vector<16xf32>,
    }
    %scan3A_24 = arith.constant 96 : i32
    %add3A_25 = arith.constant 0 : i32
    %add3A_26 = arith.addi %mul3A_8, %add3A_25 : i32
    "tpu.region"() ({
      %run_scoped3A_256 = tpu.sem_alloc : memref<!tpu.dma_semaphore, #tpu.memory_space<semaphore_mem>>
      %dma_start3A_257 = arith.constant 0 : i32
      %dma_start3A_258 = arith.constant 0 : i32
      %dma_start3A_259 = tpu.memref_slice %arg10[%dma_start3A_257, %dma_start3A_258] : memref<96x128xf32, #tpu.memory_space<vmem>> -> memref<96x128xf32, #tpu.memory_space<vmem>>
      %dma_start3A_260 = arith.constant 0 : i32
      %dma_start3A_261 = tpu.memref_slice %arg12[%add3A_26, %dma_start3A_260] : memref<10112x128xf32, #tpu.memory_space<vmem_shared>> -> memref<96x128xf32, #tpu.memory_space<vmem_shared>>
      %dma_start3A_262 = arith.constant 0 : i32
      %dma_start3A_263 = tpu.memref_slice %arg12[%add3A_26, %dma_start3A_262] : memref<10112x128xf32, #tpu.memory_space<vmem_shared>> -> memref<96x128xf32, #tpu.memory_space<vmem_shared>>
      %dma_start3A_264 = arith.constant 0 : i32
      %dma_start3A_265 = arith.constant 0 : i32
      %dma_start3A_266 = tpu.memref_slice %arg10[%dma_start3A_264, %dma_start3A_265] : memref<96x128xf32, #tpu.memory_space<vmem>> -> memref<96x128xf32, #tpu.memory_space<vmem>>
      tpu.enqueue_dma source(%dma_start3A_266 : memref<96x128xf32, #tpu.memory_space<vmem>>) target(%dma_start3A_263 : memref<96x128xf32, #tpu.memory_space<vmem_shared>>) target_semaphore(%run_scoped3A_256 : memref<!tpu.dma_semaphore, #tpu.memory_space<semaphore_mem>>)
      %dma_wait3A = arith.constant 0 : i32
      %dma_wait3A_267 = arith.constant 0 : i32
      %dma_wait3A_268 = tpu.memref_slice %arg10[%dma_wait3A, %dma_wait3A_267] : memref<96x128xf32, #tpu.memory_space<vmem>> -> memref<96x128xf32, #tpu.memory_space<vmem>>
      %dma_wait3A_269 = arith.constant 0 : i32
      %dma_wait3A_270 = tpu.memref_slice %arg12[%add3A_26, %dma_wait3A_269] : memref<10112x128xf32, #tpu.memory_space<vmem_shared>> -> memref<96x128xf32, #tpu.memory_space<vmem_shared>>
      %dma_wait3A_271 = arith.constant 0 : i32
      %dma_wait3A_272 = tpu.memref_slice %arg12[%add3A_26, %dma_wait3A_271] : memref<10112x128xf32, #tpu.memory_space<vmem_shared>> -> memref<96x128xf32, #tpu.memory_space<vmem_shared>>
      %dma_wait3A_273 = arith.constant 0 : i32
      %dma_wait3A_274 = arith.constant 0 : i32
      %dma_wait3A_275 = tpu.memref_slice %arg10[%dma_wait3A_273, %dma_wait3A_274] : memref<96x128xf32, #tpu.memory_space<vmem>> -> memref<96x128xf32, #tpu.memory_space<vmem>>
      tpu.wait_dma2 semaphore(%run_scoped3A_256 : memref<!tpu.dma_semaphore, #tpu.memory_space<semaphore_mem>>) src(%dma_wait3A_275 : memref<96x128xf32, #tpu.memory_space<vmem>>) dst(%dma_wait3A_272 : memref<96x128xf32, #tpu.memory_space<vmem_shared>>)
      tpu.yield
    }) : () -> ()
    %add3A_27 = arith.constant 96 : i32
    %add3A_28 = arith.addi %mul3A_8, %add3A_27 : i32
    "tpu.region"() ({
      %run_scoped3A_256 = tpu.sem_alloc : memref<!tpu.dma_semaphore, #tpu.memory_space<semaphore_mem>>
      %dma_start3A_257 = arith.constant 0 : i32
      %dma_start3A_258 = arith.constant 0 : i32
      %dma_start3A_259 = tpu.memref_slice %arg10[%dma_start3A_257, %dma_start3A_258] : memref<96x128xf32, #tpu.memory_space<vmem>> -> memref<96x128xf32, #tpu.memory_space<vmem>>
      %dma_start3A_260 = arith.constant 0 : i32
      %dma_start3A_261 = tpu.memref_slice %arg12[%add3A_28, %dma_start3A_260] : memref<10112x128xf32, #tpu.memory_space<vmem_shared>> -> memref<96x128xf32, #tpu.memory_space<vmem_shared>>
      %dma_start3A_262 = arith.constant 0 : i32
      %dma_start3A_263 = tpu.memref_slice %arg12[%add3A_28, %dma_start3A_262] : memref<10112x128xf32, #tpu.memory_space<vmem_shared>> -> memref<96x128xf32, #tpu.memory_space<vmem_shared>>
      %dma_start3A_264 = arith.constant 0 : i32
      %dma_start3A_265 = arith.constant 0 : i32
      %dma_start3A_266 = tpu.memref_slice %arg10[%dma_start3A_264, %dma_start3A_265] : memref<96x128xf32, #tpu.memory_space<vmem>> -> memref<96x128xf32, #tpu.memory_space<vmem>>
      tpu.enqueue_dma source(%dma_start3A_266 : memref<96x128xf32, #tpu.memory_space<vmem>>) target(%dma_start3A_263 : memref<96x128xf32, #tpu.memory_space<vmem_shared>>) target_semaphore(%run_scoped3A_256 : memref<!tpu.dma_semaphore, #tpu.memory_space<semaphore_mem>>)
      %dma_wait3A = arith.constant 0 : i32
      %dma_wait3A_267 = arith.constant 0 : i32
      %dma_wait3A_268 = tpu.memref_slice %arg10[%dma_wait3A, %dma_wait3A_267] : memref<96x128xf32, #tpu.memory_space<vmem>> -> memref<96x128xf32, #tpu.memory_space<vmem>>
      %dma_wait3A_269 = arith.constant 0 : i32
      %dma_wait3A_270 = tpu.memref_slice %arg12[%add3A_28, %dma_wait3A_269] : memref<10112x128xf32, #tpu.memory_space<vmem_shared>> -> memref<96x128xf32, #tpu.memory_space<vmem_shared>>
      %dma_wait3A_271 = arith.constant 0 : i32
      %dma_wait3A_272 = tpu.memref_slice %arg12[%add3A_28, %dma_wait3A_271] : memref<10112x128xf32, #tpu.memory_space<vmem_shared>> -> memref<96x128xf32, #tpu.memory_space<vmem_shared>>
      %dma_wait3A_273 = arith.constant 0 : i32
      %dma_wait3A_274 = arith.constant 0 : i32
      %dma_wait3A_275 = tpu.memref_slice %arg10[%dma_wait3A_273, %dma_wait3A_274] : memref<96x128xf32, #tpu.memory_space<vmem>> -> memref<96x128xf32, #tpu.memory_space<vmem>>
      tpu.wait_dma2 semaphore(%run_scoped3A_256 : memref<!tpu.dma_semaphore, #tpu.memory_space<semaphore_mem>>) src(%dma_wait3A_275 : memref<96x128xf32, #tpu.memory_space<vmem>>) dst(%dma_wait3A_272 : memref<96x128xf32, #tpu.memory_space<vmem_shared>>)
      tpu.yield
    }) : () -> ()
    %add3A_29 = arith.constant 192 : i32
    %add3A_30 = arith.addi %mul3A_8, %add3A_29 : i32
    "tpu.region"() ({
      %run_scoped3A_256 = tpu.sem_alloc : memref<!tpu.dma_semaphore, #tpu.memory_space<semaphore_mem>>
      %dma_start3A_257 = arith.constant 0 : i32
      %dma_start3A_258 = arith.constant 0 : i32
      %dma_start3A_259 = tpu.memref_slice %arg10[%dma_start3A_257, %dma_start3A_258] : memref<96x128xf32, #tpu.memory_space<vmem>> -> memref<96x128xf32, #tpu.memory_space<vmem>>
      %dma_start3A_260 = arith.constant 0 : i32
      %dma_start3A_261 = tpu.memref_slice %arg12[%add3A_30, %dma_start3A_260] : memref<10112x128xf32, #tpu.memory_space<vmem_shared>> -> memref<96x128xf32, #tpu.memory_space<vmem_shared>>
      %dma_start3A_262 = arith.constant 0 : i32
      %dma_start3A_263 = tpu.memref_slice %arg12[%add3A_30, %dma_start3A_262] : memref<10112x128xf32, #tpu.memory_space<vmem_shared>> -> memref<96x128xf32, #tpu.memory_space<vmem_shared>>
      %dma_start3A_264 = arith.constant 0 : i32
      %dma_start3A_265 = arith.constant 0 : i32
      %dma_start3A_266 = tpu.memref_slice %arg10[%dma_start3A_264, %dma_start3A_265] : memref<96x128xf32, #tpu.memory_space<vmem>> -> memref<96x128xf32, #tpu.memory_space<vmem>>
      tpu.enqueue_dma source(%dma_start3A_266 : memref<96x128xf32, #tpu.memory_space<vmem>>) target(%dma_start3A_263 : memref<96x128xf32, #tpu.memory_space<vmem_shared>>) target_semaphore(%run_scoped3A_256 : memref<!tpu.dma_semaphore, #tpu.memory_space<semaphore_mem>>)
      %dma_wait3A = arith.constant 0 : i32
      %dma_wait3A_267 = arith.constant 0 : i32
      %dma_wait3A_268 = tpu.memref_slice %arg10[%dma_wait3A, %dma_wait3A_267] : memref<96x128xf32, #tpu.memory_space<vmem>> -> memref<96x128xf32, #tpu.memory_space<vmem>>
      %dma_wait3A_269 = arith.constant 0 : i32
      %dma_wait3A_270 = tpu.memref_slice %arg12[%add3A_30, %dma_wait3A_269] : memref<10112x128xf32, #tpu.memory_space<vmem_shared>> -> memref<96x128xf32, #tpu.memory_space<vmem_shared>>
      %dma_wait3A_271 = arith.constant 0 : i32
      %dma_wait3A_272 = tpu.memref_slice %arg12[%add3A_30, %dma_wait3A_271] : memref<10112x128xf32, #tpu.memory_space<vmem_shared>> -> memref<96x128xf32, #tpu.memory_space<vmem_shared>>
      %dma_wait3A_273 = arith.constant 0 : i32
      %dma_wait3A_274 = arith.constant 0 : i32
      %dma_wait3A_275 = tpu.memref_slice %arg10[%dma_wait3A_273, %dma_wait3A_274] : memref<96x128xf32, #tpu.memory_space<vmem>> -> memref<96x128xf32, #tpu.memory_space<vmem>>
      tpu.wait_dma2 semaphore(%run_scoped3A_256 : memref<!tpu.dma_semaphore, #tpu.memory_space<semaphore_mem>>) src(%dma_wait3A_275 : memref<96x128xf32, #tpu.memory_space<vmem>>) dst(%dma_wait3A_272 : memref<96x128xf32, #tpu.memory_space<vmem_shared>>)
      tpu.yield
    }) : () -> ()
    %add3A_31 = arith.constant 288 : i32
    %add3A_32 = arith.addi %mul3A_8, %add3A_31 : i32
    "tpu.region"() ({
      %run_scoped3A_256 = tpu.sem_alloc : memref<!tpu.dma_semaphore, #tpu.memory_space<semaphore_mem>>
      %dma_start3A_257 = arith.constant 0 : i32
      %dma_start3A_258 = arith.constant 0 : i32
      %dma_start3A_259 = tpu.memref_slice %arg10[%dma_start3A_257, %dma_start3A_258] : memref<96x128xf32, #tpu.memory_space<vmem>> -> memref<96x128xf32, #tpu.memory_space<vmem>>
      %dma_start3A_260 = arith.constant 0 : i32
      %dma_start3A_261 = tpu.memref_slice %arg12[%add3A_32, %dma_start3A_260] : memref<10112x128xf32, #tpu.memory_space<vmem_shared>> -> memref<96x128xf32, #tpu.memory_space<vmem_shared>>
      %dma_start3A_262 = arith.constant 0 : i32
      %dma_start3A_263 = tpu.memref_slice %arg12[%add3A_32, %dma_start3A_262] : memref<10112x128xf32, #tpu.memory_space<vmem_shared>> -> memref<96x128xf32, #tpu.memory_space<vmem_shared>>
      %dma_start3A_264 = arith.constant 0 : i32
      %dma_start3A_265 = arith.constant 0 : i32
      %dma_start3A_266 = tpu.memref_slice %arg10[%dma_start3A_264, %dma_start3A_265] : memref<96x128xf32, #tpu.memory_space<vmem>> -> memref<96x128xf32, #tpu.memory_space<vmem>>
      tpu.enqueue_dma source(%dma_start3A_266 : memref<96x128xf32, #tpu.memory_space<vmem>>) target(%dma_start3A_263 : memref<96x128xf32, #tpu.memory_space<vmem_shared>>) target_semaphore(%run_scoped3A_256 : memref<!tpu.dma_semaphore, #tpu.memory_space<semaphore_mem>>)
      %dma_wait3A = arith.constant 0 : i32
      %dma_wait3A_267 = arith.constant 0 : i32
      %dma_wait3A_268 = tpu.memref_slice %arg10[%dma_wait3A, %dma_wait3A_267] : memref<96x128xf32, #tpu.memory_space<vmem>> -> memref<96x128xf32, #tpu.memory_space<vmem>>
      %dma_wait3A_269 = arith.constant 0 : i32
      %dma_wait3A_270 = tpu.memref_slice %arg12[%add3A_32, %dma_wait3A_269] : memref<10112x128xf32, #tpu.memory_space<vmem_shared>> -> memref<96x128xf32, #tpu.memory_space<vmem_shared>>
      %dma_wait3A_271 = arith.constant 0 : i32
      %dma_wait3A_272 = tpu.memref_slice %arg12[%add3A_32, %dma_wait3A_271] : memref<10112x128xf32, #tpu.memory_space<vmem_shared>> -> memref<96x128xf32, #tpu.memory_space<vmem_shared>>
      %dma_wait3A_273 = arith.constant 0 : i32
      %dma_wait3A_274 = arith.constant 0 : i32
      %dma_wait3A_275 = tpu.memref_slice %arg10[%dma_wait3A_273, %dma_wait3A_274] : memref<96x128xf32, #tpu.memory_space<vmem>> -> memref<96x128xf32, #tpu.memory_space<vmem>>
      tpu.wait_dma2 semaphore(%run_scoped3A_256 : memref<!tpu.dma_semaphore, #tpu.memory_space<semaphore_mem>>) src(%dma_wait3A_275 : memref<96x128xf32, #tpu.memory_space<vmem>>) dst(%dma_wait3A_272 : memref<96x128xf32, #tpu.memory_space<vmem_shared>>)
      tpu.yield
    }) : () -> ()
    %add3A_33 = arith.constant 384 : i32
    %add3A_34 = arith.addi %mul3A_8, %add3A_33 : i32
    "tpu.region"() ({
      %run_scoped3A_256 = tpu.sem_alloc : memref<!tpu.dma_semaphore, #tpu.memory_space<semaphore_mem>>
      %dma_start3A_257 = arith.constant 0 : i32
      %dma_start3A_258 = arith.constant 0 : i32
      %dma_start3A_259 = tpu.memref_slice %arg10[%dma_start3A_257, %dma_start3A_258] : memref<96x128xf32, #tpu.memory_space<vmem>> -> memref<96x128xf32, #tpu.memory_space<vmem>>
      %dma_start3A_260 = arith.constant 0 : i32
      %dma_start3A_261 = tpu.memref_slice %arg12[%add3A_34, %dma_start3A_260] : memref<10112x128xf32, #tpu.memory_space<vmem_shared>> -> memref<96x128xf32, #tpu.memory_space<vmem_shared>>
      %dma_start3A_262 = arith.constant 0 : i32
      %dma_start3A_263 = tpu.memref_slice %arg12[%add3A_34, %dma_start3A_262] : memref<10112x128xf32, #tpu.memory_space<vmem_shared>> -> memref<96x128xf32, #tpu.memory_space<vmem_shared>>
      %dma_start3A_264 = arith.constant 0 : i32
      %dma_start3A_265 = arith.constant 0 : i32
      %dma_start3A_266 = tpu.memref_slice %arg10[%dma_start3A_264, %dma_start3A_265] : memref<96x128xf32, #tpu.memory_space<vmem>> -> memref<96x128xf32, #tpu.memory_space<vmem>>
      tpu.enqueue_dma source(%dma_start3A_266 : memref<96x128xf32, #tpu.memory_space<vmem>>) target(%dma_start3A_263 : memref<96x128xf32, #tpu.memory_space<vmem_shared>>) target_semaphore(%run_scoped3A_256 : memref<!tpu.dma_semaphore, #tpu.memory_space<semaphore_mem>>)
      %dma_wait3A = arith.constant 0 : i32
      %dma_wait3A_267 = arith.constant 0 : i32
      %dma_wait3A_268 = tpu.memref_slice %arg10[%dma_wait3A, %dma_wait3A_267] : memref<96x128xf32, #tpu.memory_space<vmem>> -> memref<96x128xf32, #tpu.memory_space<vmem>>
      %dma_wait3A_269 = arith.constant 0 : i32
      %dma_wait3A_270 = tpu.memref_slice %arg12[%add3A_34, %dma_wait3A_269] : memref<10112x128xf32, #tpu.memory_space<vmem_shared>> -> memref<96x128xf32, #tpu.memory_space<vmem_shared>>
      %dma_wait3A_271 = arith.constant 0 : i32
      %dma_wait3A_272 = tpu.memref_slice %arg12[%add3A_34, %dma_wait3A_271] : memref<10112x128xf32, #tpu.memory_space<vmem_shared>> -> memref<96x128xf32, #tpu.memory_space<vmem_shared>>
      %dma_wait3A_273 = arith.constant 0 : i32
      %dma_wait3A_274 = arith.constant 0 : i32
      %dma_wait3A_275 = tpu.memref_slice %arg10[%dma_wait3A_273, %dma_wait3A_274] : memref<96x128xf32, #tpu.memory_space<vmem>> -> memref<96x128xf32, #tpu.memory_space<vmem>>
      tpu.wait_dma2 semaphore(%run_scoped3A_256 : memref<!tpu.dma_semaphore, #tpu.memory_space<semaphore_mem>>) src(%dma_wait3A_275 : memref<96x128xf32, #tpu.memory_space<vmem>>) dst(%dma_wait3A_272 : memref<96x128xf32, #tpu.memory_space<vmem_shared>>)
      tpu.yield
    }) : () -> ()
    %add3A_35 = arith.constant 480 : i32
    %add3A_36 = arith.addi %mul3A_8, %add3A_35 : i32
    "tpu.region"() ({
      %run_scoped3A_256 = tpu.sem_alloc : memref<!tpu.dma_semaphore, #tpu.memory_space<semaphore_mem>>
      %dma_start3A_257 = arith.constant 0 : i32
      %dma_start3A_258 = arith.constant 0 : i32
      %dma_start3A_259 = tpu.memref_slice %arg10[%dma_start3A_257, %dma_start3A_258] : memref<96x128xf32, #tpu.memory_space<vmem>> -> memref<96x128xf32, #tpu.memory_space<vmem>>
      %dma_start3A_260 = arith.constant 0 : i32
      %dma_start3A_261 = tpu.memref_slice %arg12[%add3A_36, %dma_start3A_260] : memref<10112x128xf32, #tpu.memory_space<vmem_shared>> -> memref<96x128xf32, #tpu.memory_space<vmem_shared>>
      %dma_start3A_262 = arith.constant 0 : i32
      %dma_start3A_263 = tpu.memref_slice %arg12[%add3A_36, %dma_start3A_262] : memref<10112x128xf32, #tpu.memory_space<vmem_shared>> -> memref<96x128xf32, #tpu.memory_space<vmem_shared>>
      %dma_start3A_264 = arith.constant 0 : i32
      %dma_start3A_265 = arith.constant 0 : i32
      %dma_start3A_266 = tpu.memref_slice %arg10[%dma_start3A_264, %dma_start3A_265] : memref<96x128xf32, #tpu.memory_space<vmem>> -> memref<96x128xf32, #tpu.memory_space<vmem>>
      tpu.enqueue_dma source(%dma_start3A_266 : memref<96x128xf32, #tpu.memory_space<vmem>>) target(%dma_start3A_263 : memref<96x128xf32, #tpu.memory_space<vmem_shared>>) target_semaphore(%run_scoped3A_256 : memref<!tpu.dma_semaphore, #tpu.memory_space<semaphore_mem>>)
      %dma_wait3A = arith.constant 0 : i32
      %dma_wait3A_267 = arith.constant 0 : i32
      %dma_wait3A_268 = tpu.memref_slice %arg10[%dma_wait3A, %dma_wait3A_267] : memref<96x128xf32, #tpu.memory_space<vmem>> -> memref<96x128xf32, #tpu.memory_space<vmem>>
      %dma_wait3A_269 = arith.constant 0 : i32
      %dma_wait3A_270 = tpu.memref_slice %arg12[%add3A_36, %dma_wait3A_269] : memref<10112x128xf32, #tpu.memory_space<vmem_shared>> -> memref<96x128xf32, #tpu.memory_space<vmem_shared>>
      %dma_wait3A_271 = arith.constant 0 : i32
      %dma_wait3A_272 = tpu.memref_slice %arg12[%add3A_36, %dma_wait3A_271] : memref<10112x128xf32, #tpu.memory_space<vmem_shared>> -> memref<96x128xf32, #tpu.memory_space<vmem_shared>>
      %dma_wait3A_273 = arith.constant 0 : i32
      %dma_wait3A_274 = arith.constant 0 : i32
      %dma_wait3A_275 = tpu.memref_slice %arg10[%dma_wait3A_273, %dma_wait3A_274] : memref<96x128xf32, #tpu.memory_space<vmem>> -> memref<96x128xf32, #tpu.memory_space<vmem>>
      tpu.wait_dma2 semaphore(%run_scoped3A_256 : memref<!tpu.dma_semaphore, #tpu.memory_space<semaphore_mem>>) src(%dma_wait3A_275 : memref<96x128xf32, #tpu.memory_space<vmem>>) dst(%dma_wait3A_272 : memref<96x128xf32, #tpu.memory_space<vmem_shared>>)
      tpu.yield
    }) : () -> ()
    %add3A_37 = arith.constant 576 : i32
    %add3A_38 = arith.addi %mul3A_8, %add3A_37 : i32
    "tpu.region"() ({
      %run_scoped3A_256 = tpu.sem_alloc : memref<!tpu.dma_semaphore, #tpu.memory_space<semaphore_mem>>
      %dma_start3A_257 = arith.constant 0 : i32
      %dma_start3A_258 = arith.constant 0 : i32
      %dma_start3A_259 = tpu.memref_slice %arg10[%dma_start3A_257, %dma_start3A_258] : memref<96x128xf32, #tpu.memory_space<vmem>> -> memref<56x128xf32, #tpu.memory_space<vmem>>
      %dma_start3A_260 = arith.constant 0 : i32
      %dma_start3A_261 = tpu.memref_slice %arg12[%add3A_38, %dma_start3A_260] : memref<10112x128xf32, #tpu.memory_space<vmem_shared>> -> memref<56x128xf32, #tpu.memory_space<vmem_shared>>
      %dma_start3A_262 = arith.constant 0 : i32
      %dma_start3A_263 = tpu.memref_slice %arg12[%add3A_38, %dma_start3A_262] : memref<10112x128xf32, #tpu.memory_space<vmem_shared>> -> memref<56x128xf32, #tpu.memory_space<vmem_shared>>
      %dma_start3A_264 = arith.constant 0 : i32
      %dma_start3A_265 = arith.constant 0 : i32
      %dma_start3A_266 = tpu.memref_slice %arg10[%dma_start3A_264, %dma_start3A_265] : memref<96x128xf32, #tpu.memory_space<vmem>> -> memref<56x128xf32, #tpu.memory_space<vmem>>
      tpu.enqueue_dma source(%dma_start3A_266 : memref<56x128xf32, #tpu.memory_space<vmem>>) target(%dma_start3A_263 : memref<56x128xf32, #tpu.memory_space<vmem_shared>>) target_semaphore(%run_scoped3A_256 : memref<!tpu.dma_semaphore, #tpu.memory_space<semaphore_mem>>)
      %dma_wait3A = arith.constant 0 : i32
      %dma_wait3A_267 = arith.constant 0 : i32
      %dma_wait3A_268 = tpu.memref_slice %arg10[%dma_wait3A, %dma_wait3A_267] : memref<96x128xf32, #tpu.memory_space<vmem>> -> memref<56x128xf32, #tpu.memory_space<vmem>>
      %dma_wait3A_269 = arith.constant 0 : i32
      %dma_wait3A_270 = tpu.memref_slice %arg12[%add3A_38, %dma_wait3A_269] : memref<10112x128xf32, #tpu.memory_space<vmem_shared>> -> memref<56x128xf32, #tpu.memory_space<vmem_shared>>
      %dma_wait3A_271 = arith.constant 0 : i32
      %dma_wait3A_272 = tpu.memref_slice %arg12[%add3A_38, %dma_wait3A_271] : memref<10112x128xf32, #tpu.memory_space<vmem_shared>> -> memref<56x128xf32, #tpu.memory_space<vmem_shared>>
      %dma_wait3A_273 = arith.constant 0 : i32
      %dma_wait3A_274 = arith.constant 0 : i32
      %dma_wait3A_275 = tpu.memref_slice %arg10[%dma_wait3A_273, %dma_wait3A_274] : memref<96x128xf32, #tpu.memory_space<vmem>> -> memref<56x128xf32, #tpu.memory_space<vmem>>
      tpu.wait_dma2 semaphore(%run_scoped3A_256 : memref<!tpu.dma_semaphore, #tpu.memory_space<semaphore_mem>>) src(%dma_wait3A_275 : memref<56x128xf32, #tpu.memory_space<vmem>>) dst(%dma_wait3A_272 : memref<56x128xf32, #tpu.memory_space<vmem_shared>>)
      tpu.yield
    }) : () -> ()
    %barrier3A = arith.constant 0 : index
    tpu.barrier barrier_id(%barrier3A)
    %add3A_39 = arith.constant 0 : i32
    %add3A_40 = arith.addi %mul3A_13, %add3A_39 : i32
    %mul3A_41 = arith.constant 96 : i32
    %mul3A_42 = arith.muli %add3A_40, %mul3A_41 : i32
    %dma_start3A = tpu.memref_slice %arg7[%mul3A_42] : memref<2880xi32, #tpu.memory_space<vmem>> -> memref<96xi32, #tpu.memory_space<vmem>>
    %dma_start3A_43 = arith.constant 0 : i32
    %dma_start3A_44 = arith.constant 0 : i32
    %dma_start3A_45 = tpu.memref_slice %arg2[%dma_start3A_43, %dma_start3A_44] : memref<10000x128xf32, #tpu.memory_space<hbm>> -> memref<10000x128xf32, #tpu.memory_space<hbm>>
    tpu.enqueue_indirect_dma source(%dma_start3A_45 : memref<10000x128xf32, #tpu.memory_space<hbm>>) target(%arg10 : memref<96x128xf32, #tpu.memory_space<vmem>>) offsets(%dma_start3A : memref<96xi32, #tpu.memory_space<vmem>>) semaphore(%arg13 : memref<!tpu.dma_semaphore, #tpu.memory_space<semaphore_mem>>)
    %scan3A_46 = arith.constant 0 : i32
    %scan3A_47 = arith.constant 0 : i32
    %scan3A_48 = arith.constant 15 : i32
    %scan3A_49 = arith.addi %scan3A_47, %scan3A_48 : i32
    %scan3A_50 = arith.constant 1 : i32
    scf.for %scan3A_256 = %scan3A_47 to %scan3A_49 step %scan3A_50  : i32 {
      %mul3A_257 = arith.constant 2 : i32
      %mul3A_258 = arith.muli %mul3A_257, %scan3A_256 : i32
      %add3A_259 = arith.constant 0 : i32
      %add3A_260 = arith.addi %mul3A_258, %add3A_259 : i32
      %lt3A = arith.constant 30 : i32
      %lt3A_261 = arith.cmpi slt, %add3A_260, %lt3A : i32
      %convert_element_type3A = arith.extui %lt3A_261 : i1 to i32
      %cond3A = arith.constant 0 : i32
      %cond3A_262 = arith.cmpi ne, %convert_element_type3A, %cond3A : i32
      scf.if %cond3A_262 {
        %add3A_272 = arith.constant 1 : i32
        %add3A_273 = arith.addi %add3A_260, %add3A_272 : i32
        %lt3A_274 = arith.constant 30 : i32
        %lt3A_275 = arith.cmpi slt, %add3A_273, %lt3A_274 : i32
        %convert_element_type3A_276 = arith.extui %lt3A_275 : i1 to i32
        %cond3A_277 = arith.constant 0 : i32
        %cond3A_278 = arith.cmpi ne, %convert_element_type3A_276, %cond3A_277 : i32
        scf.if %cond3A_278 {
          %add3A_307 = arith.constant 1 : i32
          %add3A_308 = arith.addi %add3A_260, %add3A_307 : i32
          %add3A_309 = arith.addi %mul3A_13, %add3A_308 : i32
          %mul3A_310 = arith.constant 96 : i32
          %mul3A_311 = arith.muli %add3A_309, %mul3A_310 : i32
          %dma_start3A_312 = tpu.memref_slice %arg7[%mul3A_311] : memref<2880xi32, #tpu.memory_space<vmem>> -> memref<96xi32, #tpu.memory_space<vmem>>
          %dma_start3A_313 = arith.constant 0 : i32
          %dma_start3A_314 = arith.constant 0 : i32
          %dma_start3A_315 = tpu.memref_slice %arg2[%dma_start3A_313, %dma_start3A_314] : memref<10000x128xf32, #tpu.memory_space<hbm>> -> memref<10000x128xf32, #tpu.memory_space<hbm>>
          tpu.enqueue_indirect_dma source(%dma_start3A_315 : memref<10000x128xf32, #tpu.memory_space<hbm>>) target(%arg11 : memref<96x128xf32, #tpu.memory_space<vmem>>) offsets(%dma_start3A_312 : memref<96xi32, #tpu.memory_space<vmem>>) semaphore(%arg14 : memref<!tpu.dma_semaphore, #tpu.memory_space<semaphore_mem>>)
        } else {
        }
        %add3A_279 = arith.addi %mul3A_13, %add3A_260 : i32
        %get3A = arith.index_cast %add3A_279 : i32 to index
        %get3A_280 = arith.constant 0 : index
        %get3A_281 = tpu.vector_load %arg8[%get3A, %get3A_280] {strides = array<i32>} : memref<30x96xi32, #tpu.memory_space<vmem>>, vector<16xi32>,
        tpu.vector_store_idx %arg9[%get3A_281], %broadcast_in_dim3A_5 {add = true} : memref<10112xf32, #tpu.memory_space<vmem>>[vector<16xi32>], vector<16xf32>,
        %add3A_282 = arith.addi %mul3A_13, %add3A_260 : i32
        %get3A_283 = arith.index_cast %add3A_282 : i32 to index
        %get3A_284 = arith.constant 16 : index
        %get3A_285 = tpu.vector_load %arg8[%get3A_283, %get3A_284] {strides = array<i32>} : memref<30x96xi32, #tpu.memory_space<vmem>>, vector<16xi32>,
        tpu.vector_store_idx %arg9[%get3A_285], %broadcast_in_dim3A_5 {add = true} : memref<10112xf32, #tpu.memory_space<vmem>>[vector<16xi32>], vector<16xf32>,
        %add3A_286 = arith.addi %mul3A_13, %add3A_260 : i32
        %get3A_287 = arith.index_cast %add3A_286 : i32 to index
        %get3A_288 = arith.constant 32 : index
        %get3A_289 = tpu.vector_load %arg8[%get3A_287, %get3A_288] {strides = array<i32>} : memref<30x96xi32, #tpu.memory_space<vmem>>, vector<16xi32>,
        tpu.vector_store_idx %arg9[%get3A_289], %broadcast_in_dim3A_5 {add = true} : memref<10112xf32, #tpu.memory_space<vmem>>[vector<16xi32>], vector<16xf32>,
        %add3A_290 = arith.addi %mul3A_13, %add3A_260 : i32
        %get3A_291 = arith.index_cast %add3A_290 : i32 to index
        %get3A_292 = arith.constant 48 : index
        %get3A_293 = tpu.vector_load %arg8[%get3A_291, %get3A_292] {strides = array<i32>} : memref<30x96xi32, #tpu.memory_space<vmem>>, vector<16xi32>,
        tpu.vector_store_idx %arg9[%get3A_293], %broadcast_in_dim3A_5 {add = true} : memref<10112xf32, #tpu.memory_space<vmem>>[vector<16xi32>], vector<16xf32>,
        %add3A_294 = arith.addi %mul3A_13, %add3A_260 : i32
        %get3A_295 = arith.index_cast %add3A_294 : i32 to index
        %get3A_296 = arith.constant 64 : index
        %get3A_297 = tpu.vector_load %arg8[%get3A_295, %get3A_296] {strides = array<i32>} : memref<30x96xi32, #tpu.memory_space<vmem>>, vector<16xi32>,
        tpu.vector_store_idx %arg9[%get3A_297], %broadcast_in_dim3A_5 {add = true} : memref<10112xf32, #tpu.memory_space<vmem>>[vector<16xi32>], vector<16xf32>,
        %add3A_298 = arith.addi %mul3A_13, %add3A_260 : i32
        %get3A_299 = arith.index_cast %add3A_298 : i32 to index
        %get3A_300 = arith.constant 80 : index
        %get3A_301 = tpu.vector_load %arg8[%get3A_299, %get3A_300] {strides = array<i32>} : memref<30x96xi32, #tpu.memory_space<vmem>>, vector<16xi32>,
        tpu.vector_store_idx %arg9[%get3A_301], %broadcast_in_dim3A_5 {add = true} : memref<10112xf32, #tpu.memory_space<vmem>>[vector<16xi32>], vector<16xf32>,
        %dma_wait3A = arith.constant 0 : i32
        %dma_wait3A_302 = tpu.memref_slice %arg7[%dma_wait3A] : memref<2880xi32, #tpu.memory_space<vmem>> -> memref<96xi32, #tpu.memory_space<vmem>>
        %dma_wait3A_303 = arith.constant 0 : i32
        %dma_wait3A_304 = arith.constant 0 : i32
        %dma_wait3A_305 = tpu.memref_slice %arg2[%dma_wait3A_303, %dma_wait3A_304] : memref<10000x128xf32, #tpu.memory_space<hbm>> -> memref<10000x128xf32, #tpu.memory_space<hbm>>
        tpu.wait_indirect_dma semaphore(%arg13 : memref<!tpu.dma_semaphore, #tpu.memory_space<semaphore_mem>>) src(%dma_wait3A_305 : memref<10000x128xf32, #tpu.memory_space<hbm>>) dst(%arg10 : memref<96x128xf32, #tpu.memory_space<vmem>>)
        %add3A_306 = arith.addi %mul3A_13, %add3A_260 : i32
        "tpu.region"() ({
          %run_scoped3A_307 = tpu.sem_alloc : memref<!tpu.dma_semaphore, #tpu.memory_space<semaphore_mem>>
          %dma_start3A_308 = arith.constant 0 : i32
          %dma_start3A_309 = tpu.memref_slice %arg8[%add3A_306, %dma_start3A_308] : memref<30x96xi32, #tpu.memory_space<vmem>> -> memref<1x96xi32, #tpu.memory_space<vmem>>
          %dma_start3A_310 = tpu.memref_squeeze %dma_start3A_309 : memref<1x96xi32, #tpu.memory_space<vmem>> -> memref<96xi32, #tpu.memory_space<vmem>>
          %dma_start3A_311 = arith.constant 0 : i32
          %dma_start3A_312 = arith.constant 0 : i32
          %dma_start3A_313 = tpu.memref_slice %arg12[%dma_start3A_311, %dma_start3A_312] : memref<10112x128xf32, #tpu.memory_space<vmem_shared>> -> memref<10112x128xf32, #tpu.memory_space<vmem_shared>>
          tpu.enqueue_indirect_dma source(%arg10 : memref<96x128xf32, #tpu.memory_space<vmem>>) target(%dma_start3A_313 : memref<10112x128xf32, #tpu.memory_space<vmem_shared>>) offsets(%dma_start3A_310 : memref<96xi32, #tpu.memory_space<vmem>>) semaphore(%run_scoped3A_307 : memref<!tpu.dma_semaphore, #tpu.memory_space<semaphore_mem>>) {add = true}
          %dma_wait3A_314 = arith.constant 0 : i32
          %dma_wait3A_315 = tpu.memref_slice %arg8[%add3A_306, %dma_wait3A_314] : memref<30x96xi32, #tpu.memory_space<vmem>> -> memref<1x96xi32, #tpu.memory_space<vmem>>
          %dma_wait3A_316 = tpu.memref_squeeze %dma_wait3A_315 : memref<1x96xi32, #tpu.memory_space<vmem>> -> memref<96xi32, #tpu.memory_space<vmem>>
          %dma_wait3A_317 = arith.constant 0 : i32
          %dma_wait3A_318 = arith.constant 0 : i32
          %dma_wait3A_319 = tpu.memref_slice %arg12[%dma_wait3A_317, %dma_wait3A_318] : memref<10112x128xf32, #tpu.memory_space<vmem_shared>> -> memref<10112x128xf32, #tpu.memory_space<vmem_shared>>
          tpu.wait_indirect_dma semaphore(%run_scoped3A_307 : memref<!tpu.dma_semaphore, #tpu.memory_space<semaphore_mem>>) src(%arg10 : memref<96x128xf32, #tpu.memory_space<vmem>>) dst(%dma_wait3A_319 : memref<10112x128xf32, #tpu.memory_space<vmem_shared>>)
          tpu.yield
        }) : () -> ()
      } else {
      }
      %mul3A_263 = arith.constant 2 : i32
      %mul3A_264 = arith.muli %mul3A_263, %scan3A_256 : i32
      %add3A_265 = arith.constant 1 : i32
      %add3A_266 = arith.addi %mul3A_264, %add3A_265 : i32
      %lt3A_267 = arith.constant 30 : i32
      %lt3A_268 = arith.cmpi slt, %add3A_266, %lt3A_267 : i32
      %convert_element_type3A_269 = arith.extui %lt3A_268 : i1 to i32
      %cond3A_270 = arith.constant 0 : i32
      %cond3A_271 = arith.cmpi ne, %convert_element_type3A_269, %cond3A_270 : i32
      scf.if %cond3A_271 {
        %add3A_272 = arith.constant 1 : i32
        %add3A_273 = arith.addi %add3A_266, %add3A_272 : i32
        %lt3A_274 = arith.constant 30 : i32
        %lt3A_275 = arith.cmpi slt, %add3A_273, %lt3A_274 : i32
        %convert_element_type3A_276 = arith.extui %lt3A_275 : i1 to i32
        %cond3A_277 = arith.constant 0 : i32
        %cond3A_278 = arith.cmpi ne, %convert_element_type3A_276, %cond3A_277 : i32
        scf.if %cond3A_278 {
          %add3A_307 = arith.constant 1 : i32
          %add3A_308 = arith.addi %add3A_266, %add3A_307 : i32
          %add3A_309 = arith.addi %mul3A_13, %add3A_308 : i32
          %mul3A_310 = arith.constant 96 : i32
          %mul3A_311 = arith.muli %add3A_309, %mul3A_310 : i32
          %dma_start3A_312 = tpu.memref_slice %arg7[%mul3A_311] : memref<2880xi32, #tpu.memory_space<vmem>> -> memref<96xi32, #tpu.memory_space<vmem>>
          %dma_start3A_313 = arith.constant 0 : i32
          %dma_start3A_314 = arith.constant 0 : i32
          %dma_start3A_315 = tpu.memref_slice %arg2[%dma_start3A_313, %dma_start3A_314] : memref<10000x128xf32, #tpu.memory_space<hbm>> -> memref<10000x128xf32, #tpu.memory_space<hbm>>
          tpu.enqueue_indirect_dma source(%dma_start3A_315 : memref<10000x128xf32, #tpu.memory_space<hbm>>) target(%arg10 : memref<96x128xf32, #tpu.memory_space<vmem>>) offsets(%dma_start3A_312 : memref<96xi32, #tpu.memory_space<vmem>>) semaphore(%arg13 : memref<!tpu.dma_semaphore, #tpu.memory_space<semaphore_mem>>)
        } else {
        }
        %add3A_279 = arith.addi %mul3A_13, %add3A_266 : i32
        %get3A = arith.index_cast %add3A_279 : i32 to index
        %get3A_280 = arith.constant 0 : index
        %get3A_281 = tpu.vector_load %arg8[%get3A, %get3A_280] {strides = array<i32>} : memref<30x96xi32, #tpu.memory_space<vmem>>, vector<16xi32>,
        tpu.vector_store_idx %arg9[%get3A_281], %broadcast_in_dim3A_5 {add = true} : memref<10112xf32, #tpu.memory_space<vmem>>[vector<16xi32>], vector<16xf32>,
        %add3A_282 = arith.addi %mul3A_13, %add3A_266 : i32
        %get3A_283 = arith.index_cast %add3A_282 : i32 to index
        %get3A_284 = arith.constant 16 : index
        %get3A_285 = tpu.vector_load %arg8[%get3A_283, %get3A_284] {strides = array<i32>} : memref<30x96xi32, #tpu.memory_space<vmem>>, vector<16xi32>,
        tpu.vector_store_idx %arg9[%get3A_285], %broadcast_in_dim3A_5 {add = true} : memref<10112xf32, #tpu.memory_space<vmem>>[vector<16xi32>], vector<16xf32>,
        %add3A_286 = arith.addi %mul3A_13, %add3A_266 : i32
        %get3A_287 = arith.index_cast %add3A_286 : i32 to index
        %get3A_288 = arith.constant 32 : index
        %get3A_289 = tpu.vector_load %arg8[%get3A_287, %get3A_288] {strides = array<i32>} : memref<30x96xi32, #tpu.memory_space<vmem>>, vector<16xi32>,
        tpu.vector_store_idx %arg9[%get3A_289], %broadcast_in_dim3A_5 {add = true} : memref<10112xf32, #tpu.memory_space<vmem>>[vector<16xi32>], vector<16xf32>,
        %add3A_290 = arith.addi %mul3A_13, %add3A_266 : i32
        %get3A_291 = arith.index_cast %add3A_290 : i32 to index
        %get3A_292 = arith.constant 48 : index
        %get3A_293 = tpu.vector_load %arg8[%get3A_291, %get3A_292] {strides = array<i32>} : memref<30x96xi32, #tpu.memory_space<vmem>>, vector<16xi32>,
        tpu.vector_store_idx %arg9[%get3A_293], %broadcast_in_dim3A_5 {add = true} : memref<10112xf32, #tpu.memory_space<vmem>>[vector<16xi32>], vector<16xf32>,
        %add3A_294 = arith.addi %mul3A_13, %add3A_266 : i32
        %get3A_295 = arith.index_cast %add3A_294 : i32 to index
        %get3A_296 = arith.constant 64 : index
        %get3A_297 = tpu.vector_load %arg8[%get3A_295, %get3A_296] {strides = array<i32>} : memref<30x96xi32, #tpu.memory_space<vmem>>, vector<16xi32>,
        tpu.vector_store_idx %arg9[%get3A_297], %broadcast_in_dim3A_5 {add = true} : memref<10112xf32, #tpu.memory_space<vmem>>[vector<16xi32>], vector<16xf32>,
        %add3A_298 = arith.addi %mul3A_13, %add3A_266 : i32
        %get3A_299 = arith.index_cast %add3A_298 : i32 to index
        %get3A_300 = arith.constant 80 : index
        %get3A_301 = tpu.vector_load %arg8[%get3A_299, %get3A_300] {strides = array<i32>} : memref<30x96xi32, #tpu.memory_space<vmem>>, vector<16xi32>,
        tpu.vector_store_idx %arg9[%get3A_301], %broadcast_in_dim3A_5 {add = true} : memref<10112xf32, #tpu.memory_space<vmem>>[vector<16xi32>], vector<16xf32>,
        %dma_wait3A = arith.constant 0 : i32
        %dma_wait3A_302 = tpu.memref_slice %arg7[%dma_wait3A] : memref<2880xi32, #tpu.memory_space<vmem>> -> memref<96xi32, #tpu.memory_space<vmem>>
        %dma_wait3A_303 = arith.constant 0 : i32
        %dma_wait3A_304 = arith.constant 0 : i32
        %dma_wait3A_305 = tpu.memref_slice %arg2[%dma_wait3A_303, %dma_wait3A_304] : memref<10000x128xf32, #tpu.memory_space<hbm>> -> memref<10000x128xf32, #tpu.memory_space<hbm>>
        tpu.wait_indirect_dma semaphore(%arg14 : memref<!tpu.dma_semaphore, #tpu.memory_space<semaphore_mem>>) src(%dma_wait3A_305 : memref<10000x128xf32, #tpu.memory_space<hbm>>) dst(%arg11 : memref<96x128xf32, #tpu.memory_space<vmem>>)
        %add3A_306 = arith.addi %mul3A_13, %add3A_266 : i32
        "tpu.region"() ({
          %run_scoped3A_307 = tpu.sem_alloc : memref<!tpu.dma_semaphore, #tpu.memory_space<semaphore_mem>>
          %dma_start3A_308 = arith.constant 0 : i32
          %dma_start3A_309 = tpu.memref_slice %arg8[%add3A_306, %dma_start3A_308] : memref<30x96xi32, #tpu.memory_space<vmem>> -> memref<1x96xi32, #tpu.memory_space<vmem>>
          %dma_start3A_310 = tpu.memref_squeeze %dma_start3A_309 : memref<1x96xi32, #tpu.memory_space<vmem>> -> memref<96xi32, #tpu.memory_space<vmem>>
          %dma_start3A_311 = arith.constant 0 : i32
          %dma_start3A_312 = arith.constant 0 : i32
          %dma_start3A_313 = tpu.memref_slice %arg12[%dma_start3A_311, %dma_start3A_312] : memref<10112x128xf32, #tpu.memory_space<vmem_shared>> -> memref<10112x128xf32, #tpu.memory_space<vmem_shared>>
          tpu.enqueue_indirect_dma source(%arg11 : memref<96x128xf32, #tpu.memory_space<vmem>>) target(%dma_start3A_313 : memref<10112x128xf32, #tpu.memory_space<vmem_shared>>) offsets(%dma_start3A_310 : memref<96xi32, #tpu.memory_space<vmem>>) semaphore(%run_scoped3A_307 : memref<!tpu.dma_semaphore, #tpu.memory_space<semaphore_mem>>) {add = true}
          %dma_wait3A_314 = arith.constant 0 : i32
          %dma_wait3A_315 = tpu.memref_slice %arg8[%add3A_306, %dma_wait3A_314] : memref<30x96xi32, #tpu.memory_space<vmem>> -> memref<1x96xi32, #tpu.memory_space<vmem>>
          %dma_wait3A_316 = tpu.memref_squeeze %dma_wait3A_315 : memref<1x96xi32, #tpu.memory_space<vmem>> -> memref<96xi32, #tpu.memory_space<vmem>>
          %dma_wait3A_317 = arith.constant 0 : i32
          %dma_wait3A_318 = arith.constant 0 : i32
          %dma_wait3A_319 = tpu.memref_slice %arg12[%dma_wait3A_317, %dma_wait3A_318] : memref<10112x128xf32, #tpu.memory_space<vmem_shared>> -> memref<10112x128xf32, #tpu.memory_space<vmem_shared>>
          tpu.wait_indirect_dma semaphore(%run_scoped3A_307 : memref<!tpu.dma_semaphore, #tpu.memory_space<semaphore_mem>>) src(%arg11 : memref<96x128xf32, #tpu.memory_space<vmem>>) dst(%dma_wait3A_319 : memref<10112x128xf32, #tpu.memory_space<vmem_shared>>)
          tpu.yield
        }) : () -> ()
      } else {
      }
    }
    %scan3A_51 = arith.constant 15 : i32
    %barrier3A_52 = arith.constant 0 : index
    tpu.barrier barrier_id(%barrier3A_52)
    %mul3A_53 = arith.constant 16 : i32
    %mul3A_54 = arith.muli %add3A_11, %mul3A_53 : i32
    %add3A_55 = arith.addi %mul3A_54, %arg1 : i32
    %mul3A_56 = arith.constant 10112 : i32
    %mul3A_57 = arith.muli %add3A_55, %mul3A_56 : i32
    "tpu.region"() ({
      %run_scoped3A_256 = tpu.sem_alloc : memref<!tpu.dma_semaphore, #tpu.memory_space<semaphore_mem>>
      %dma_start3A_257 = tpu.memref_slice %arg6[%mul3A_57] : memref<1294336xf32, #tpu.memory_space<hbm>> -> memref<10112xf32, #tpu.memory_space<hbm>>
      %dma_start3A_258 = tpu.memref_slice %arg6[%mul3A_57] : memref<1294336xf32, #tpu.memory_space<hbm>> -> memref<10112xf32, #tpu.memory_space<hbm>>
      tpu.enqueue_dma source(%arg9 : memref<10112xf32, #tpu.memory_space<vmem>>) target(%dma_start3A_258 : memref<10112xf32, #tpu.memory_space<hbm>>) target_semaphore(%run_scoped3A_256 : memref<!tpu.dma_semaphore, #tpu.memory_space<semaphore_mem>>)
      %dma_wait3A = tpu.memref_slice %arg6[%mul3A_57] : memref<1294336xf32, #tpu.memory_space<hbm>> -> memref<10112xf32, #tpu.memory_space<hbm>>
      %dma_wait3A_259 = tpu.memref_slice %arg6[%mul3A_57] : memref<1294336xf32, #tpu.memory_space<hbm>> -> memref<10112xf32, #tpu.memory_space<hbm>>
      tpu.wait_dma2 semaphore(%run_scoped3A_256 : memref<!tpu.dma_semaphore, #tpu.memory_space<semaphore_mem>>) src(%arg9 : memref<10112xf32, #tpu.memory_space<vmem>>) dst(%dma_wait3A_259 : memref<10112xf32, #tpu.memory_space<hbm>>)
      tpu.yield
    }) : () -> ()
    %scan3A_58 = arith.constant 0 : i32
    %scan3A_59 = arith.constant 0 : i32
    %scan3A_60 = arith.constant 632 : i32
    %scan3A_61 = arith.addi %scan3A_59, %scan3A_60 : i32
    %scan3A_62 = arith.constant 1 : i32
    scf.for %scan3A_256 = %scan3A_59 to %scan3A_61 step %scan3A_62  : i32 {
      %broadcast_in_dim3A_257 = arith.constant 0.000000e+00 : f32
      %broadcast_in_dim3A_258 = vector.broadcast %broadcast_in_dim3A_257 : f32 to vector<16xf32>
      %mul3A_259 = arith.constant 16 : i32
      %mul3A_260 = arith.muli %scan3A_256, %mul3A_259 : i32
      %swap3A = arith.index_cast %mul3A_260 : i32 to index
      %swap3A_261 = tpu.vector_load %arg9[%swap3A] {strides = array<i32>} : memref<10112xf32, #tpu.memory_space<vmem>>, vector<16xf32>,
      tpu.vector_store %arg9[%swap3A], %broadcast_in_dim3A_258 {strides = array<i32>} : memref<10112xf32, #tpu.memory_space<vmem>>, vector<16xf32>,
    }
    %scan3A_63 = arith.constant 632 : i32
    "tpu.region"() ({
      %run_scoped3A_256 = tpu.sem_alloc : memref<!tpu.dma_semaphore, #tpu.memory_space<semaphore_mem>>
      %dma_start3A_257 = arith.constant 0 : i32
      %dma_start3A_258 = tpu.memref_slice %arg5[%add3A_11, %mul3A_8, %dma_start3A_257] : memref<8x10112x128xf32, #tpu.memory_space<hbm>> -> memref<1x632x128xf32, #tpu.memory_space<hbm>>
      %dma_start3A_259 = tpu.memref_squeeze %dma_start3A_258 : memref<1x632x128xf32, #tpu.memory_space<hbm>> -> memref<632x128xf32, #tpu.memory_space<hbm>>
      %dma_start3A_260 = arith.constant 0 : i32
      %dma_start3A_261 = tpu.memref_slice %arg12[%mul3A_8, %dma_start3A_260] : memref<10112x128xf32, #tpu.memory_space<vmem_shared>> -> memref<632x128xf32, #tpu.memory_space<vmem_shared>>
      tpu.enqueue_dma source(%dma_start3A_261 : memref<632x128xf32, #tpu.memory_space<vmem_shared>>) target(%dma_start3A_259 : memref<632x128xf32, #tpu.memory_space<hbm>>) target_semaphore(%run_scoped3A_256 : memref<!tpu.dma_semaphore, #tpu.memory_space<semaphore_mem>>)
      %dma_wait3A = arith.constant 0 : i32
      %dma_wait3A_262 = tpu.memref_slice %arg5[%add3A_11, %mul3A_8, %dma_wait3A] : memref<8x10112x128xf32, #tpu.memory_space<hbm>> -> memref<1x632x128xf32, #tpu.memory_space<hbm>>
      %dma_wait3A_263 = tpu.memref_squeeze %dma_wait3A_262 : memref<1x632x128xf32, #tpu.memory_space<hbm>> -> memref<632x128xf32, #tpu.memory_space<hbm>>
      %dma_wait3A_264 = arith.constant 0 : i32
      %dma_wait3A_265 = tpu.memref_slice %arg12[%mul3A_8, %dma_wait3A_264] : memref<10112x128xf32, #tpu.memory_space<vmem_shared>> -> memref<632x128xf32, #tpu.memory_space<vmem_shared>>
      tpu.wait_dma2 semaphore(%run_scoped3A_256 : memref<!tpu.dma_semaphore, #tpu.memory_space<semaphore_mem>>) src(%dma_wait3A_265 : memref<632x128xf32, #tpu.memory_space<vmem_shared>>) dst(%dma_wait3A_263 : memref<632x128xf32, #tpu.memory_space<hbm>>)
      tpu.yield
    }) : () -> ()
    %mul3A_64 = arith.constant 3 : i32
    %mul3A_65 = arith.muli %mul3A_64, %arg0 : i32
    %add3A_66 = arith.constant 1 : i32
    %add3A_67 = arith.addi %mul3A_65, %add3A_66 : i32
    %mul3A_68 = arith.constant 0 : i32
    %mul3A_69 = arith.muli %mul3A_68, %arg0 : i32
    %mul3A_70 = arith.constant 2 : i32
    %mul3A_71 = arith.muli %add3A_67, %mul3A_70 : i32
    %mul3A_72 = arith.constant 46080 : i32
    %mul3A_73 = arith.muli %mul3A_71, %mul3A_72 : i32
    %add3A_74 = arith.addi %mul3A_73, %mul3A_6 : i32
    "tpu.region"() ({
      %run_scoped3A_256 = tpu.sem_alloc : memref<!tpu.dma_semaphore, #tpu.memory_space<semaphore_mem>>
      %dma_start3A_257 = tpu.memref_slice %arg3[%add3A_74] : memref<645120xi32, #tpu.memory_space<hbm>> -> memref<2880xi32, #tpu.memory_space<hbm>>
      %dma_start3A_258 = tpu.memref_slice %arg3[%add3A_74] : memref<645120xi32, #tpu.memory_space<hbm>> -> memref<2880xi32, #tpu.memory_space<hbm>>
      tpu.enqueue_dma source(%dma_start3A_258 : memref<2880xi32, #tpu.memory_space<hbm>>) target(%arg7 : memref<2880xi32, #tpu.memory_space<vmem>>) target_semaphore(%run_scoped3A_256 : memref<!tpu.dma_semaphore, #tpu.memory_space<semaphore_mem>>)
      %dma_wait3A = tpu.memref_slice %arg3[%add3A_74] : memref<645120xi32, #tpu.memory_space<hbm>> -> memref<2880xi32, #tpu.memory_space<hbm>>
      %dma_wait3A_259 = tpu.memref_slice %arg3[%add3A_74] : memref<645120xi32, #tpu.memory_space<hbm>> -> memref<2880xi32, #tpu.memory_space<hbm>>
      tpu.wait_dma2 semaphore(%run_scoped3A_256 : memref<!tpu.dma_semaphore, #tpu.memory_space<semaphore_mem>>) src(%dma_wait3A_259 : memref<2880xi32, #tpu.memory_space<hbm>>) dst(%arg7 : memref<2880xi32, #tpu.memory_space<vmem>>)
      tpu.yield
    }) : () -> ()
    "tpu.region"() ({
      %run_scoped3A_256 = tpu.sem_alloc : memref<!tpu.dma_semaphore, #tpu.memory_space<semaphore_mem>>
      %dma_start3A_257 = arith.constant 0 : i32
      %dma_start3A_258 = arith.constant 0 : i32
      %dma_start3A_259 = tpu.memref_slice %arg4[%add3A_67, %arg1, %dma_start3A_257, %dma_start3A_258] : memref<7x16x30x96xi32, #tpu.memory_space<hbm>> -> memref<1x1x30x96xi32, #tpu.memory_space<hbm>>
      %dma_start3A_260 = tpu.memref_squeeze %dma_start3A_259 : memref<1x1x30x96xi32, #tpu.memory_space<hbm>> -> memref<30x96xi32, #tpu.memory_space<hbm>>
      %dma_start3A_261 = arith.constant 0 : i32
      %dma_start3A_262 = arith.constant 0 : i32
      %dma_start3A_263 = tpu.memref_slice %arg4[%add3A_67, %arg1, %dma_start3A_261, %dma_start3A_262] : memref<7x16x30x96xi32, #tpu.memory_space<hbm>> -> memref<1x1x30x96xi32, #tpu.memory_space<hbm>>
      %dma_start3A_264 = tpu.memref_squeeze %dma_start3A_263 : memref<1x1x30x96xi32, #tpu.memory_space<hbm>> -> memref<30x96xi32, #tpu.memory_space<hbm>>
      tpu.enqueue_dma source(%dma_start3A_264 : memref<30x96xi32, #tpu.memory_space<hbm>>) target(%arg8 : memref<30x96xi32, #tpu.memory_space<vmem>>) target_semaphore(%run_scoped3A_256 : memref<!tpu.dma_semaphore, #tpu.memory_space<semaphore_mem>>)
      %dma_wait3A = arith.constant 0 : i32
      %dma_wait3A_265 = arith.constant 0 : i32
      %dma_wait3A_266 = tpu.memref_slice %arg4[%add3A_67, %arg1, %dma_wait3A, %dma_wait3A_265] : memref<7x16x30x96xi32, #tpu.memory_space<hbm>> -> memref<1x1x30x96xi32, #tpu.memory_space<hbm>>
      %dma_wait3A_267 = tpu.memref_squeeze %dma_wait3A_266 : memref<1x1x30x96xi32, #tpu.memory_space<hbm>> -> memref<30x96xi32, #tpu.memory_space<hbm>>
      %dma_wait3A_268 = arith.constant 0 : i32
      %dma_wait3A_269 = arith.constant 0 : i32
      %dma_wait3A_270 = tpu.memref_slice %arg4[%add3A_67, %arg1, %dma_wait3A_268, %dma_wait3A_269] : memref<7x16x30x96xi32, #tpu.memory_space<hbm>> -> memref<1x1x30x96xi32, #tpu.memory_space<hbm>>
      %dma_wait3A_271 = tpu.memref_squeeze %dma_wait3A_270 : memref<1x1x30x96xi32, #tpu.memory_space<hbm>> -> memref<30x96xi32, #tpu.memory_space<hbm>>
      tpu.wait_dma2 semaphore(%run_scoped3A_256 : memref<!tpu.dma_semaphore, #tpu.memory_space<semaphore_mem>>) src(%dma_wait3A_271 : memref<30x96xi32, #tpu.memory_space<hbm>>) dst(%arg8 : memref<30x96xi32, #tpu.memory_space<vmem>>)
      tpu.yield
    }) : () -> ()
    %scan3A_75 = arith.constant 0 : i32
    %scan3A_76 = arith.constant 0 : i32
    %scan3A_77 = arith.constant 96 : i32
    %scan3A_78 = arith.addi %scan3A_76, %scan3A_77 : i32
    %scan3A_79 = arith.constant 1 : i32
    scf.for %scan3A_256 = %scan3A_76 to %scan3A_78 step %scan3A_79  : i32 {
      %broadcast_in_dim3A_257 = arith.constant 0.000000e+00 : f32
      %broadcast_in_dim3A_258 = vector.broadcast %broadcast_in_dim3A_257 : f32 to vector<16xf32>
      %swap3A = arith.index_cast %scan3A_256 : i32 to index
      %swap3A_259 = arith.constant 0 : index
      %swap3A_260 = tpu.vector_load %arg10[%swap3A, %swap3A_259] {strides = array<i32>} : memref<96x128xf32, #tpu.memory_space<vmem>>, vector<16xf32>,
      tpu.vector_store %arg10[%swap3A, %swap3A_259], %broadcast_in_dim3A_258 {strides = array<i32>} : memref<96x128xf32, #tpu.memory_space<vmem>>, vector<16xf32>,
      %swap3A_261 = arith.index_cast %scan3A_256 : i32 to index
      %swap3A_262 = arith.constant 16 : index
      %swap3A_263 = tpu.vector_load %arg10[%swap3A_261, %swap3A_262] {strides = array<i32>} : memref<96x128xf32, #tpu.memory_space<vmem>>, vector<16xf32>,
      tpu.vector_store %arg10[%swap3A_261, %swap3A_262], %broadcast_in_dim3A_258 {strides = array<i32>} : memref<96x128xf32, #tpu.memory_space<vmem>>, vector<16xf32>,
      %swap3A_264 = arith.index_cast %scan3A_256 : i32 to index
      %swap3A_265 = arith.constant 32 : index
      %swap3A_266 = tpu.vector_load %arg10[%swap3A_264, %swap3A_265] {strides = array<i32>} : memref<96x128xf32, #tpu.memory_space<vmem>>, vector<16xf32>,
      tpu.vector_store %arg10[%swap3A_264, %swap3A_265], %broadcast_in_dim3A_258 {strides = array<i32>} : memref<96x128xf32, #tpu.memory_space<vmem>>, vector<16xf32>,
      %swap3A_267 = arith.index_cast %scan3A_256 : i32 to index
      %swap3A_268 = arith.constant 48 : index
      %swap3A_269 = tpu.vector_load %arg10[%swap3A_267, %swap3A_268] {strides = array<i32>} : memref<96x128xf32, #tpu.memory_space<vmem>>, vector<16xf32>,
      tpu.vector_store %arg10[%swap3A_267, %swap3A_268], %broadcast_in_dim3A_258 {strides = array<i32>} : memref<96x128xf32, #tpu.memory_space<vmem>>, vector<16xf32>,
      %swap3A_270 = arith.index_cast %scan3A_256 : i32 to index
      %swap3A_271 = arith.constant 64 : index
      %swap3A_272 = tpu.vector_load %arg10[%swap3A_270, %swap3A_271] {strides = array<i32>} : memref<96x128xf32, #tpu.memory_space<vmem>>, vector<16xf32>,
      tpu.vector_store %arg10[%swap3A_270, %swap3A_271], %broadcast_in_dim3A_258 {strides = array<i32>} : memref<96x128xf32, #tpu.memory_space<vmem>>, vector<16xf32>,
      %swap3A_273 = arith.index_cast %scan3A_256 : i32 to index
      %swap3A_274 = arith.constant 80 : index
      %swap3A_275 = tpu.vector_load %arg10[%swap3A_273, %swap3A_274] {strides = array<i32>} : memref<96x128xf32, #tpu.memory_space<vmem>>, vector<16xf32>,
      tpu.vector_store %arg10[%swap3A_273, %swap3A_274], %broadcast_in_dim3A_258 {strides = array<i32>} : memref<96x128xf32, #tpu.memory_space<vmem>>, vector<16xf32>,
      %swap3A_276 = arith.index_cast %scan3A_256 : i32 to index
      %swap3A_277 = arith.constant 96 : index
      %swap3A_278 = tpu.vector_load %arg10[%swap3A_276, %swap3A_277] {strides = array<i32>} : memref<96x128xf32, #tpu.memory_space<vmem>>, vector<16xf32>,
      tpu.vector_store %arg10[%swap3A_276, %swap3A_277], %broadcast_in_dim3A_258 {strides = array<i32>} : memref<96x128xf32, #tpu.memory_space<vmem>>, vector<16xf32>,
      %swap3A_279 = arith.index_cast %scan3A_256 : i32 to index
      %swap3A_280 = arith.constant 112 : index
      %swap3A_281 = tpu.vector_load %arg10[%swap3A_279, %swap3A_280] {strides = array<i32>} : memref<96x128xf32, #tpu.memory_space<vmem>>, vector<16xf32>,
      tpu.vector_store %arg10[%swap3A_279, %swap3A_280], %broadcast_in_dim3A_258 {strides = array<i32>} : memref<96x128xf32, #tpu.memory_space<vmem>>, vector<16xf32>,
    }
    %scan3A_80 = arith.constant 96 : i32
    %add3A_81 = arith.constant 0 : i32
    %add3A_82 = arith.addi %mul3A_8, %add3A_81 : i32
    "tpu.region"() ({
      %run_scoped3A_256 = tpu.sem_alloc : memref<!tpu.dma_semaphore, #tpu.memory_space<semaphore_mem>>
      %dma_start3A_257 = arith.constant 0 : i32
      %dma_start3A_258 = arith.constant 0 : i32
      %dma_start3A_259 = tpu.memref_slice %arg10[%dma_start3A_257, %dma_start3A_258] : memref<96x128xf32, #tpu.memory_space<vmem>> -> memref<96x128xf32, #tpu.memory_space<vmem>>
      %dma_start3A_260 = arith.constant 0 : i32
      %dma_start3A_261 = tpu.memref_slice %arg12[%add3A_82, %dma_start3A_260] : memref<10112x128xf32, #tpu.memory_space<vmem_shared>> -> memref<96x128xf32, #tpu.memory_space<vmem_shared>>
      %dma_start3A_262 = arith.constant 0 : i32
      %dma_start3A_263 = tpu.memref_slice %arg12[%add3A_82, %dma_start3A_262] : memref<10112x128xf32, #tpu.memory_space<vmem_shared>> -> memref<96x128xf32, #tpu.memory_space<vmem_shared>>
      %dma_start3A_264 = arith.constant 0 : i32
      %dma_start3A_265 = arith.constant 0 : i32
      %dma_start3A_266 = tpu.memref_slice %arg10[%dma_start3A_264, %dma_start3A_265] : memref<96x128xf32, #tpu.memory_space<vmem>> -> memref<96x128xf32, #tpu.memory_space<vmem>>
      tpu.enqueue_dma source(%dma_start3A_266 : memref<96x128xf32, #tpu.memory_space<vmem>>) target(%dma_start3A_263 : memref<96x128xf32, #tpu.memory_space<vmem_shared>>) target_semaphore(%run_scoped3A_256 : memref<!tpu.dma_semaphore, #tpu.memory_space<semaphore_mem>>)
      %dma_wait3A = arith.constant 0 : i32
      %dma_wait3A_267 = arith.constant 0 : i32
      %dma_wait3A_268 = tpu.memref_slice %arg10[%dma_wait3A, %dma_wait3A_267] : memref<96x128xf32, #tpu.memory_space<vmem>> -> memref<96x128xf32, #tpu.memory_space<vmem>>
      %dma_wait3A_269 = arith.constant 0 : i32
      %dma_wait3A_270 = tpu.memref_slice %arg12[%add3A_82, %dma_wait3A_269] : memref<10112x128xf32, #tpu.memory_space<vmem_shared>> -> memref<96x128xf32, #tpu.memory_space<vmem_shared>>
      %dma_wait3A_271 = arith.constant 0 : i32
      %dma_wait3A_272 = tpu.memref_slice %arg12[%add3A_82, %dma_wait3A_271] : memref<10112x128xf32, #tpu.memory_space<vmem_shared>> -> memref<96x128xf32, #tpu.memory_space<vmem_shared>>
      %dma_wait3A_273 = arith.constant 0 : i32
      %dma_wait3A_274 = arith.constant 0 : i32
      %dma_wait3A_275 = tpu.memref_slice %arg10[%dma_wait3A_273, %dma_wait3A_274] : memref<96x128xf32, #tpu.memory_space<vmem>> -> memref<96x128xf32, #tpu.memory_space<vmem>>
      tpu.wait_dma2 semaphore(%run_scoped3A_256 : memref<!tpu.dma_semaphore, #tpu.memory_space<semaphore_mem>>) src(%dma_wait3A_275 : memref<96x128xf32, #tpu.memory_space<vmem>>) dst(%dma_wait3A_272 : memref<96x128xf32, #tpu.memory_space<vmem_shared>>)
      tpu.yield
    }) : () -> ()
    %add3A_83 = arith.constant 96 : i32
    %add3A_84 = arith.addi %mul3A_8, %add3A_83 : i32
    "tpu.region"() ({
      %run_scoped3A_256 = tpu.sem_alloc : memref<!tpu.dma_semaphore, #tpu.memory_space<semaphore_mem>>
      %dma_start3A_257 = arith.constant 0 : i32
      %dma_start3A_258 = arith.constant 0 : i32
      %dma_start3A_259 = tpu.memref_slice %arg10[%dma_start3A_257, %dma_start3A_258] : memref<96x128xf32, #tpu.memory_space<vmem>> -> memref<96x128xf32, #tpu.memory_space<vmem>>
      %dma_start3A_260 = arith.constant 0 : i32
      %dma_start3A_261 = tpu.memref_slice %arg12[%add3A_84, %dma_start3A_260] : memref<10112x128xf32, #tpu.memory_space<vmem_shared>> -> memref<96x128xf32, #tpu.memory_space<vmem_shared>>
      %dma_start3A_262 = arith.constant 0 : i32
      %dma_start3A_263 = tpu.memref_slice %arg12[%add3A_84, %dma_start3A_262] : memref<10112x128xf32, #tpu.memory_space<vmem_shared>> -> memref<96x128xf32, #tpu.memory_space<vmem_shared>>
      %dma_start3A_264 = arith.constant 0 : i32
      %dma_start3A_265 = arith.constant 0 : i32
      %dma_start3A_266 = tpu.memref_slice %arg10[%dma_start3A_264, %dma_start3A_265] : memref<96x128xf32, #tpu.memory_space<vmem>> -> memref<96x128xf32, #tpu.memory_space<vmem>>
      tpu.enqueue_dma source(%dma_start3A_266 : memref<96x128xf32, #tpu.memory_space<vmem>>) target(%dma_start3A_263 : memref<96x128xf32, #tpu.memory_space<vmem_shared>>) target_semaphore(%run_scoped3A_256 : memref<!tpu.dma_semaphore, #tpu.memory_space<semaphore_mem>>)
      %dma_wait3A = arith.constant 0 : i32
      %dma_wait3A_267 = arith.constant 0 : i32
      %dma_wait3A_268 = tpu.memref_slice %arg10[%dma_wait3A, %dma_wait3A_267] : memref<96x128xf32, #tpu.memory_space<vmem>> -> memref<96x128xf32, #tpu.memory_space<vmem>>
      %dma_wait3A_269 = arith.constant 0 : i32
      %dma_wait3A_270 = tpu.memref_slice %arg12[%add3A_84, %dma_wait3A_269] : memref<10112x128xf32, #tpu.memory_space<vmem_shared>> -> memref<96x128xf32, #tpu.memory_space<vmem_shared>>
      %dma_wait3A_271 = arith.constant 0 : i32
      %dma_wait3A_272 = tpu.memref_slice %arg12[%add3A_84, %dma_wait3A_271] : memref<10112x128xf32, #tpu.memory_space<vmem_shared>> -> memref<96x128xf32, #tpu.memory_space<vmem_shared>>
      %dma_wait3A_273 = arith.constant 0 : i32
      %dma_wait3A_274 = arith.constant 0 : i32
      %dma_wait3A_275 = tpu.memref_slice %arg10[%dma_wait3A_273, %dma_wait3A_274] : memref<96x128xf32, #tpu.memory_space<vmem>> -> memref<96x128xf32, #tpu.memory_space<vmem>>
      tpu.wait_dma2 semaphore(%run_scoped3A_256 : memref<!tpu.dma_semaphore, #tpu.memory_space<semaphore_mem>>) src(%dma_wait3A_275 : memref<96x128xf32, #tpu.memory_space<vmem>>) dst(%dma_wait3A_272 : memref<96x128xf32, #tpu.memory_space<vmem_shared>>)
      tpu.yield
    }) : () -> ()
    %add3A_85 = arith.constant 192 : i32
    %add3A_86 = arith.addi %mul3A_8, %add3A_85 : i32
    "tpu.region"() ({
      %run_scoped3A_256 = tpu.sem_alloc : memref<!tpu.dma_semaphore, #tpu.memory_space<semaphore_mem>>
      %dma_start3A_257 = arith.constant 0 : i32
      %dma_start3A_258 = arith.constant 0 : i32
      %dma_start3A_259 = tpu.memref_slice %arg10[%dma_start3A_257, %dma_start3A_258] : memref<96x128xf32, #tpu.memory_space<vmem>> -> memref<96x128xf32, #tpu.memory_space<vmem>>
      %dma_start3A_260 = arith.constant 0 : i32
      %dma_start3A_261 = tpu.memref_slice %arg12[%add3A_86, %dma_start3A_260] : memref<10112x128xf32, #tpu.memory_space<vmem_shared>> -> memref<96x128xf32, #tpu.memory_space<vmem_shared>>
      %dma_start3A_262 = arith.constant 0 : i32
      %dma_start3A_263 = tpu.memref_slice %arg12[%add3A_86, %dma_start3A_262] : memref<10112x128xf32, #tpu.memory_space<vmem_shared>> -> memref<96x128xf32, #tpu.memory_space<vmem_shared>>
      %dma_start3A_264 = arith.constant 0 : i32
      %dma_start3A_265 = arith.constant 0 : i32
      %dma_start3A_266 = tpu.memref_slice %arg10[%dma_start3A_264, %dma_start3A_265] : memref<96x128xf32, #tpu.memory_space<vmem>> -> memref<96x128xf32, #tpu.memory_space<vmem>>
      tpu.enqueue_dma source(%dma_start3A_266 : memref<96x128xf32, #tpu.memory_space<vmem>>) target(%dma_start3A_263 : memref<96x128xf32, #tpu.memory_space<vmem_shared>>) target_semaphore(%run_scoped3A_256 : memref<!tpu.dma_semaphore, #tpu.memory_space<semaphore_mem>>)
      %dma_wait3A = arith.constant 0 : i32
      %dma_wait3A_267 = arith.constant 0 : i32
      %dma_wait3A_268 = tpu.memref_slice %arg10[%dma_wait3A, %dma_wait3A_267] : memref<96x128xf32, #tpu.memory_space<vmem>> -> memref<96x128xf32, #tpu.memory_space<vmem>>
      %dma_wait3A_269 = arith.constant 0 : i32
      %dma_wait3A_270 = tpu.memref_slice %arg12[%add3A_86, %dma_wait3A_269] : memref<10112x128xf32, #tpu.memory_space<vmem_shared>> -> memref<96x128xf32, #tpu.memory_space<vmem_shared>>
      %dma_wait3A_271 = arith.constant 0 : i32
      %dma_wait3A_272 = tpu.memref_slice %arg12[%add3A_86, %dma_wait3A_271] : memref<10112x128xf32, #tpu.memory_space<vmem_shared>> -> memref<96x128xf32, #tpu.memory_space<vmem_shared>>
      %dma_wait3A_273 = arith.constant 0 : i32
      %dma_wait3A_274 = arith.constant 0 : i32
      %dma_wait3A_275 = tpu.memref_slice %arg10[%dma_wait3A_273, %dma_wait3A_274] : memref<96x128xf32, #tpu.memory_space<vmem>> -> memref<96x128xf32, #tpu.memory_space<vmem>>
      tpu.wait_dma2 semaphore(%run_scoped3A_256 : memref<!tpu.dma_semaphore, #tpu.memory_space<semaphore_mem>>) src(%dma_wait3A_275 : memref<96x128xf32, #tpu.memory_space<vmem>>) dst(%dma_wait3A_272 : memref<96x128xf32, #tpu.memory_space<vmem_shared>>)
      tpu.yield
    }) : () -> ()
    %add3A_87 = arith.constant 288 : i32
    %add3A_88 = arith.addi %mul3A_8, %add3A_87 : i32
    "tpu.region"() ({
      %run_scoped3A_256 = tpu.sem_alloc : memref<!tpu.dma_semaphore, #tpu.memory_space<semaphore_mem>>
      %dma_start3A_257 = arith.constant 0 : i32
      %dma_start3A_258 = arith.constant 0 : i32
      %dma_start3A_259 = tpu.memref_slice %arg10[%dma_start3A_257, %dma_start3A_258] : memref<96x128xf32, #tpu.memory_space<vmem>> -> memref<96x128xf32, #tpu.memory_space<vmem>>
      %dma_start3A_260 = arith.constant 0 : i32
      %dma_start3A_261 = tpu.memref_slice %arg12[%add3A_88, %dma_start3A_260] : memref<10112x128xf32, #tpu.memory_space<vmem_shared>> -> memref<96x128xf32, #tpu.memory_space<vmem_shared>>
      %dma_start3A_262 = arith.constant 0 : i32
      %dma_start3A_263 = tpu.memref_slice %arg12[%add3A_88, %dma_start3A_262] : memref<10112x128xf32, #tpu.memory_space<vmem_shared>> -> memref<96x128xf32, #tpu.memory_space<vmem_shared>>
      %dma_start3A_264 = arith.constant 0 : i32
      %dma_start3A_265 = arith.constant 0 : i32
      %dma_start3A_266 = tpu.memref_slice %arg10[%dma_start3A_264, %dma_start3A_265] : memref<96x128xf32, #tpu.memory_space<vmem>> -> memref<96x128xf32, #tpu.memory_space<vmem>>
      tpu.enqueue_dma source(%dma_start3A_266 : memref<96x128xf32, #tpu.memory_space<vmem>>) target(%dma_start3A_263 : memref<96x128xf32, #tpu.memory_space<vmem_shared>>) target_semaphore(%run_scoped3A_256 : memref<!tpu.dma_semaphore, #tpu.memory_space<semaphore_mem>>)
      %dma_wait3A = arith.constant 0 : i32
      %dma_wait3A_267 = arith.constant 0 : i32
      %dma_wait3A_268 = tpu.memref_slice %arg10[%dma_wait3A, %dma_wait3A_267] : memref<96x128xf32, #tpu.memory_space<vmem>> -> memref<96x128xf32, #tpu.memory_space<vmem>>
      %dma_wait3A_269 = arith.constant 0 : i32
      %dma_wait3A_270 = tpu.memref_slice %arg12[%add3A_88, %dma_wait3A_269] : memref<10112x128xf32, #tpu.memory_space<vmem_shared>> -> memref<96x128xf32, #tpu.memory_space<vmem_shared>>
      %dma_wait3A_271 = arith.constant 0 : i32
      %dma_wait3A_272 = tpu.memref_slice %arg12[%add3A_88, %dma_wait3A_271] : memref<10112x128xf32, #tpu.memory_space<vmem_shared>> -> memref<96x128xf32, #tpu.memory_space<vmem_shared>>
      %dma_wait3A_273 = arith.constant 0 : i32
      %dma_wait3A_274 = arith.constant 0 : i32
      %dma_wait3A_275 = tpu.memref_slice %arg10[%dma_wait3A_273, %dma_wait3A_274] : memref<96x128xf32, #tpu.memory_space<vmem>> -> memref<96x128xf32, #tpu.memory_space<vmem>>
      tpu.wait_dma2 semaphore(%run_scoped3A_256 : memref<!tpu.dma_semaphore, #tpu.memory_space<semaphore_mem>>) src(%dma_wait3A_275 : memref<96x128xf32, #tpu.memory_space<vmem>>) dst(%dma_wait3A_272 : memref<96x128xf32, #tpu.memory_space<vmem_shared>>)
      tpu.yield
    }) : () -> ()
    %add3A_89 = arith.constant 384 : i32
    %add3A_90 = arith.addi %mul3A_8, %add3A_89 : i32
    "tpu.region"() ({
      %run_scoped3A_256 = tpu.sem_alloc : memref<!tpu.dma_semaphore, #tpu.memory_space<semaphore_mem>>
      %dma_start3A_257 = arith.constant 0 : i32
      %dma_start3A_258 = arith.constant 0 : i32
      %dma_start3A_259 = tpu.memref_slice %arg10[%dma_start3A_257, %dma_start3A_258] : memref<96x128xf32, #tpu.memory_space<vmem>> -> memref<96x128xf32, #tpu.memory_space<vmem>>
      %dma_start3A_260 = arith.constant 0 : i32
      %dma_start3A_261 = tpu.memref_slice %arg12[%add3A_90, %dma_start3A_260] : memref<10112x128xf32, #tpu.memory_space<vmem_shared>> -> memref<96x128xf32, #tpu.memory_space<vmem_shared>>
      %dma_start3A_262 = arith.constant 0 : i32
      %dma_start3A_263 = tpu.memref_slice %arg12[%add3A_90, %dma_start3A_262] : memref<10112x128xf32, #tpu.memory_space<vmem_shared>> -> memref<96x128xf32, #tpu.memory_space<vmem_shared>>
      %dma_start3A_264 = arith.constant 0 : i32
      %dma_start3A_265 = arith.constant 0 : i32
      %dma_start3A_266 = tpu.memref_slice %arg10[%dma_start3A_264, %dma_start3A_265] : memref<96x128xf32, #tpu.memory_space<vmem>> -> memref<96x128xf32, #tpu.memory_space<vmem>>
      tpu.enqueue_dma source(%dma_start3A_266 : memref<96x128xf32, #tpu.memory_space<vmem>>) target(%dma_start3A_263 : memref<96x128xf32, #tpu.memory_space<vmem_shared>>) target_semaphore(%run_scoped3A_256 : memref<!tpu.dma_semaphore, #tpu.memory_space<semaphore_mem>>)
      %dma_wait3A = arith.constant 0 : i32
      %dma_wait3A_267 = arith.constant 0 : i32
      %dma_wait3A_268 = tpu.memref_slice %arg10[%dma_wait3A, %dma_wait3A_267] : memref<96x128xf32, #tpu.memory_space<vmem>> -> memref<96x128xf32, #tpu.memory_space<vmem>>
      %dma_wait3A_269 = arith.constant 0 : i32
      %dma_wait3A_270 = tpu.memref_slice %arg12[%add3A_90, %dma_wait3A_269] : memref<10112x128xf32, #tpu.memory_space<vmem_shared>> -> memref<96x128xf32, #tpu.memory_space<vmem_shared>>
      %dma_wait3A_271 = arith.constant 0 : i32
      %dma_wait3A_272 = tpu.memref_slice %arg12[%add3A_90, %dma_wait3A_271] : memref<10112x128xf32, #tpu.memory_space<vmem_shared>> -> memref<96x128xf32, #tpu.memory_space<vmem_shared>>
      %dma_wait3A_273 = arith.constant 0 : i32
      %dma_wait3A_274 = arith.constant 0 : i32
      %dma_wait3A_275 = tpu.memref_slice %arg10[%dma_wait3A_273, %dma_wait3A_274] : memref<96x128xf32, #tpu.memory_space<vmem>> -> memref<96x128xf32, #tpu.memory_space<vmem>>
      tpu.wait_dma2 semaphore(%run_scoped3A_256 : memref<!tpu.dma_semaphore, #tpu.memory_space<semaphore_mem>>) src(%dma_wait3A_275 : memref<96x128xf32, #tpu.memory_space<vmem>>) dst(%dma_wait3A_272 : memref<96x128xf32, #tpu.memory_space<vmem_shared>>)
      tpu.yield
    }) : () -> ()
    %add3A_91 = arith.constant 480 : i32
    %add3A_92 = arith.addi %mul3A_8, %add3A_91 : i32
    "tpu.region"() ({
      %run_scoped3A_256 = tpu.sem_alloc : memref<!tpu.dma_semaphore, #tpu.memory_space<semaphore_mem>>
      %dma_start3A_257 = arith.constant 0 : i32
      %dma_start3A_258 = arith.constant 0 : i32
      %dma_start3A_259 = tpu.memref_slice %arg10[%dma_start3A_257, %dma_start3A_258] : memref<96x128xf32, #tpu.memory_space<vmem>> -> memref<96x128xf32, #tpu.memory_space<vmem>>
      %dma_start3A_260 = arith.constant 0 : i32
      %dma_start3A_261 = tpu.memref_slice %arg12[%add3A_92, %dma_start3A_260] : memref<10112x128xf32, #tpu.memory_space<vmem_shared>> -> memref<96x128xf32, #tpu.memory_space<vmem_shared>>
      %dma_start3A_262 = arith.constant 0 : i32
      %dma_start3A_263 = tpu.memref_slice %arg12[%add3A_92, %dma_start3A_262] : memref<10112x128xf32, #tpu.memory_space<vmem_shared>> -> memref<96x128xf32, #tpu.memory_space<vmem_shared>>
      %dma_start3A_264 = arith.constant 0 : i32
      %dma_start3A_265 = arith.constant 0 : i32
      %dma_start3A_266 = tpu.memref_slice %arg10[%dma_start3A_264, %dma_start3A_265] : memref<96x128xf32, #tpu.memory_space<vmem>> -> memref<96x128xf32, #tpu.memory_space<vmem>>
      tpu.enqueue_dma source(%dma_start3A_266 : memref<96x128xf32, #tpu.memory_space<vmem>>) target(%dma_start3A_263 : memref<96x128xf32, #tpu.memory_space<vmem_shared>>) target_semaphore(%run_scoped3A_256 : memref<!tpu.dma_semaphore, #tpu.memory_space<semaphore_mem>>)
      %dma_wait3A = arith.constant 0 : i32
      %dma_wait3A_267 = arith.constant 0 : i32
      %dma_wait3A_268 = tpu.memref_slice %arg10[%dma_wait3A, %dma_wait3A_267] : memref<96x128xf32, #tpu.memory_space<vmem>> -> memref<96x128xf32, #tpu.memory_space<vmem>>
      %dma_wait3A_269 = arith.constant 0 : i32
      %dma_wait3A_270 = tpu.memref_slice %arg12[%add3A_92, %dma_wait3A_269] : memref<10112x128xf32, #tpu.memory_space<vmem_shared>> -> memref<96x128xf32, #tpu.memory_space<vmem_shared>>
      %dma_wait3A_271 = arith.constant 0 : i32
      %dma_wait3A_272 = tpu.memref_slice %arg12[%add3A_92, %dma_wait3A_271] : memref<10112x128xf32, #tpu.memory_space<vmem_shared>> -> memref<96x128xf32, #tpu.memory_space<vmem_shared>>
      %dma_wait3A_273 = arith.constant 0 : i32
      %dma_wait3A_274 = arith.constant 0 : i32
      %dma_wait3A_275 = tpu.memref_slice %arg10[%dma_wait3A_273, %dma_wait3A_274] : memref<96x128xf32, #tpu.memory_space<vmem>> -> memref<96x128xf32, #tpu.memory_space<vmem>>
      tpu.wait_dma2 semaphore(%run_scoped3A_256 : memref<!tpu.dma_semaphore, #tpu.memory_space<semaphore_mem>>) src(%dma_wait3A_275 : memref<96x128xf32, #tpu.memory_space<vmem>>) dst(%dma_wait3A_272 : memref<96x128xf32, #tpu.memory_space<vmem_shared>>)
      tpu.yield
    }) : () -> ()
    %add3A_93 = arith.constant 576 : i32
    %add3A_94 = arith.addi %mul3A_8, %add3A_93 : i32
    "tpu.region"() ({
      %run_scoped3A_256 = tpu.sem_alloc : memref<!tpu.dma_semaphore, #tpu.memory_space<semaphore_mem>>
      %dma_start3A_257 = arith.constant 0 : i32
      %dma_start3A_258 = arith.constant 0 : i32
      %dma_start3A_259 = tpu.memref_slice %arg10[%dma_start3A_257, %dma_start3A_258] : memref<96x128xf32, #tpu.memory_space<vmem>> -> memref<56x128xf32, #tpu.memory_space<vmem>>
      %dma_start3A_260 = arith.constant 0 : i32
      %dma_start3A_261 = tpu.memref_slice %arg12[%add3A_94, %dma_start3A_260] : memref<10112x128xf32, #tpu.memory_space<vmem_shared>> -> memref<56x128xf32, #tpu.memory_space<vmem_shared>>
      %dma_start3A_262 = arith.constant 0 : i32
      %dma_start3A_263 = tpu.memref_slice %arg12[%add3A_94, %dma_start3A_262] : memref<10112x128xf32, #tpu.memory_space<vmem_shared>> -> memref<56x128xf32, #tpu.memory_space<vmem_shared>>
      %dma_start3A_264 = arith.constant 0 : i32
      %dma_start3A_265 = arith.constant 0 : i32
      %dma_start3A_266 = tpu.memref_slice %arg10[%dma_start3A_264, %dma_start3A_265] : memref<96x128xf32, #tpu.memory_space<vmem>> -> memref<56x128xf32, #tpu.memory_space<vmem>>
      tpu.enqueue_dma source(%dma_start3A_266 : memref<56x128xf32, #tpu.memory_space<vmem>>) target(%dma_start3A_263 : memref<56x128xf32, #tpu.memory_space<vmem_shared>>) target_semaphore(%run_scoped3A_256 : memref<!tpu.dma_semaphore, #tpu.memory_space<semaphore_mem>>)
      %dma_wait3A = arith.constant 0 : i32
      %dma_wait3A_267 = arith.constant 0 : i32
      %dma_wait3A_268 = tpu.memref_slice %arg10[%dma_wait3A, %dma_wait3A_267] : memref<96x128xf32, #tpu.memory_space<vmem>> -> memref<56x128xf32, #tpu.memory_space<vmem>>
      %dma_wait3A_269 = arith.constant 0 : i32
      %dma_wait3A_270 = tpu.memref_slice %arg12[%add3A_94, %dma_wait3A_269] : memref<10112x128xf32, #tpu.memory_space<vmem_shared>> -> memref<56x128xf32, #tpu.memory_space<vmem_shared>>
      %dma_wait3A_271 = arith.constant 0 : i32
      %dma_wait3A_272 = tpu.memref_slice %arg12[%add3A_94, %dma_wait3A_271] : memref<10112x128xf32, #tpu.memory_space<vmem_shared>> -> memref<56x128xf32, #tpu.memory_space<vmem_shared>>
      %dma_wait3A_273 = arith.constant 0 : i32
      %dma_wait3A_274 = arith.constant 0 : i32
      %dma_wait3A_275 = tpu.memref_slice %arg10[%dma_wait3A_273, %dma_wait3A_274] : memref<96x128xf32, #tpu.memory_space<vmem>> -> memref<56x128xf32, #tpu.memory_space<vmem>>
      tpu.wait_dma2 semaphore(%run_scoped3A_256 : memref<!tpu.dma_semaphore, #tpu.memory_space<semaphore_mem>>) src(%dma_wait3A_275 : memref<56x128xf32, #tpu.memory_space<vmem>>) dst(%dma_wait3A_272 : memref<56x128xf32, #tpu.memory_space<vmem_shared>>)
      tpu.yield
    }) : () -> ()
    %barrier3A_95 = arith.constant 0 : index
    tpu.barrier barrier_id(%barrier3A_95)
    %add3A_96 = arith.constant 0 : i32
    %add3A_97 = arith.addi %mul3A_69, %add3A_96 : i32
    %mul3A_98 = arith.constant 96 : i32
    %mul3A_99 = arith.muli %add3A_97, %mul3A_98 : i32
    %dma_start3A_100 = tpu.memref_slice %arg7[%mul3A_99] : memref<2880xi32, #tpu.memory_space<vmem>> -> memref<96xi32, #tpu.memory_space<vmem>>
    %dma_start3A_101 = arith.constant 0 : i32
    %dma_start3A_102 = arith.constant 0 : i32
    %dma_start3A_103 = tpu.memref_slice %arg2[%dma_start3A_101, %dma_start3A_102] : memref<10000x128xf32, #tpu.memory_space<hbm>> -> memref<10000x128xf32, #tpu.memory_space<hbm>>
    tpu.enqueue_indirect_dma source(%dma_start3A_103 : memref<10000x128xf32, #tpu.memory_space<hbm>>) target(%arg10 : memref<96x128xf32, #tpu.memory_space<vmem>>) offsets(%dma_start3A_100 : memref<96xi32, #tpu.memory_space<vmem>>) semaphore(%arg13 : memref<!tpu.dma_semaphore, #tpu.memory_space<semaphore_mem>>)
    %scan3A_104 = arith.constant 0 : i32
    %scan3A_105 = arith.constant 0 : i32
    %scan3A_106 = arith.constant 15 : i32
    %scan3A_107 = arith.addi %scan3A_105, %scan3A_106 : i32
    %scan3A_108 = arith.constant 1 : i32
    scf.for %scan3A_256 = %scan3A_105 to %scan3A_107 step %scan3A_108  : i32 {
      %mul3A_257 = arith.constant 2 : i32
      %mul3A_258 = arith.muli %mul3A_257, %scan3A_256 : i32
      %add3A_259 = arith.constant 0 : i32
      %add3A_260 = arith.addi %mul3A_258, %add3A_259 : i32
      %lt3A = arith.constant 30 : i32
      %lt3A_261 = arith.cmpi slt, %add3A_260, %lt3A : i32
      %convert_element_type3A = arith.extui %lt3A_261 : i1 to i32
      %cond3A = arith.constant 0 : i32
      %cond3A_262 = arith.cmpi ne, %convert_element_type3A, %cond3A : i32
      scf.if %cond3A_262 {
        %add3A_272 = arith.constant 1 : i32
        %add3A_273 = arith.addi %add3A_260, %add3A_272 : i32
        %lt3A_274 = arith.constant 30 : i32
        %lt3A_275 = arith.cmpi slt, %add3A_273, %lt3A_274 : i32
        %convert_element_type3A_276 = arith.extui %lt3A_275 : i1 to i32
        %cond3A_277 = arith.constant 0 : i32
        %cond3A_278 = arith.cmpi ne, %convert_element_type3A_276, %cond3A_277 : i32
        scf.if %cond3A_278 {
          %add3A_307 = arith.constant 1 : i32
          %add3A_308 = arith.addi %add3A_260, %add3A_307 : i32
          %add3A_309 = arith.addi %mul3A_69, %add3A_308 : i32
          %mul3A_310 = arith.constant 96 : i32
          %mul3A_311 = arith.muli %add3A_309, %mul3A_310 : i32
          %dma_start3A_312 = tpu.memref_slice %arg7[%mul3A_311] : memref<2880xi32, #tpu.memory_space<vmem>> -> memref<96xi32, #tpu.memory_space<vmem>>
          %dma_start3A_313 = arith.constant 0 : i32
          %dma_start3A_314 = arith.constant 0 : i32
          %dma_start3A_315 = tpu.memref_slice %arg2[%dma_start3A_313, %dma_start3A_314] : memref<10000x128xf32, #tpu.memory_space<hbm>> -> memref<10000x128xf32, #tpu.memory_space<hbm>>
          tpu.enqueue_indirect_dma source(%dma_start3A_315 : memref<10000x128xf32, #tpu.memory_space<hbm>>) target(%arg11 : memref<96x128xf32, #tpu.memory_space<vmem>>) offsets(%dma_start3A_312 : memref<96xi32, #tpu.memory_space<vmem>>) semaphore(%arg14 : memref<!tpu.dma_semaphore, #tpu.memory_space<semaphore_mem>>)
        } else {
        }
        %add3A_279 = arith.addi %mul3A_69, %add3A_260 : i32
        %get3A = arith.index_cast %add3A_279 : i32 to index
        %get3A_280 = arith.constant 0 : index
        %get3A_281 = tpu.vector_load %arg8[%get3A, %get3A_280] {strides = array<i32>} : memref<30x96xi32, #tpu.memory_space<vmem>>, vector<16xi32>,
        tpu.vector_store_idx %arg9[%get3A_281], %broadcast_in_dim3A_5 {add = true} : memref<10112xf32, #tpu.memory_space<vmem>>[vector<16xi32>], vector<16xf32>,
        %add3A_282 = arith.addi %mul3A_69, %add3A_260 : i32
        %get3A_283 = arith.index_cast %add3A_282 : i32 to index
        %get3A_284 = arith.constant 16 : index
        %get3A_285 = tpu.vector_load %arg8[%get3A_283, %get3A_284] {strides = array<i32>} : memref<30x96xi32, #tpu.memory_space<vmem>>, vector<16xi32>,
        tpu.vector_store_idx %arg9[%get3A_285], %broadcast_in_dim3A_5 {add = true} : memref<10112xf32, #tpu.memory_space<vmem>>[vector<16xi32>], vector<16xf32>,
        %add3A_286 = arith.addi %mul3A_69, %add3A_260 : i32
        %get3A_287 = arith.index_cast %add3A_286 : i32 to index
        %get3A_288 = arith.constant 32 : index
        %get3A_289 = tpu.vector_load %arg8[%get3A_287, %get3A_288] {strides = array<i32>} : memref<30x96xi32, #tpu.memory_space<vmem>>, vector<16xi32>,
        tpu.vector_store_idx %arg9[%get3A_289], %broadcast_in_dim3A_5 {add = true} : memref<10112xf32, #tpu.memory_space<vmem>>[vector<16xi32>], vector<16xf32>,
        %add3A_290 = arith.addi %mul3A_69, %add3A_260 : i32
        %get3A_291 = arith.index_cast %add3A_290 : i32 to index
        %get3A_292 = arith.constant 48 : index
        %get3A_293 = tpu.vector_load %arg8[%get3A_291, %get3A_292] {strides = array<i32>} : memref<30x96xi32, #tpu.memory_space<vmem>>, vector<16xi32>,
        tpu.vector_store_idx %arg9[%get3A_293], %broadcast_in_dim3A_5 {add = true} : memref<10112xf32, #tpu.memory_space<vmem>>[vector<16xi32>], vector<16xf32>,
        %add3A_294 = arith.addi %mul3A_69, %add3A_260 : i32
        %get3A_295 = arith.index_cast %add3A_294 : i32 to index
        %get3A_296 = arith.constant 64 : index
        %get3A_297 = tpu.vector_load %arg8[%get3A_295, %get3A_296] {strides = array<i32>} : memref<30x96xi32, #tpu.memory_space<vmem>>, vector<16xi32>,
        tpu.vector_store_idx %arg9[%get3A_297], %broadcast_in_dim3A_5 {add = true} : memref<10112xf32, #tpu.memory_space<vmem>>[vector<16xi32>], vector<16xf32>,
        %add3A_298 = arith.addi %mul3A_69, %add3A_260 : i32
        %get3A_299 = arith.index_cast %add3A_298 : i32 to index
        %get3A_300 = arith.constant 80 : index
        %get3A_301 = tpu.vector_load %arg8[%get3A_299, %get3A_300] {strides = array<i32>} : memref<30x96xi32, #tpu.memory_space<vmem>>, vector<16xi32>,
        tpu.vector_store_idx %arg9[%get3A_301], %broadcast_in_dim3A_5 {add = true} : memref<10112xf32, #tpu.memory_space<vmem>>[vector<16xi32>], vector<16xf32>,
        %dma_wait3A = arith.constant 0 : i32
        %dma_wait3A_302 = tpu.memref_slice %arg7[%dma_wait3A] : memref<2880xi32, #tpu.memory_space<vmem>> -> memref<96xi32, #tpu.memory_space<vmem>>
        %dma_wait3A_303 = arith.constant 0 : i32
        %dma_wait3A_304 = arith.constant 0 : i32
        %dma_wait3A_305 = tpu.memref_slice %arg2[%dma_wait3A_303, %dma_wait3A_304] : memref<10000x128xf32, #tpu.memory_space<hbm>> -> memref<10000x128xf32, #tpu.memory_space<hbm>>
        tpu.wait_indirect_dma semaphore(%arg13 : memref<!tpu.dma_semaphore, #tpu.memory_space<semaphore_mem>>) src(%dma_wait3A_305 : memref<10000x128xf32, #tpu.memory_space<hbm>>) dst(%arg10 : memref<96x128xf32, #tpu.memory_space<vmem>>)
        %add3A_306 = arith.addi %mul3A_69, %add3A_260 : i32
        "tpu.region"() ({
          %run_scoped3A_307 = tpu.sem_alloc : memref<!tpu.dma_semaphore, #tpu.memory_space<semaphore_mem>>
          %dma_start3A_308 = arith.constant 0 : i32
          %dma_start3A_309 = tpu.memref_slice %arg8[%add3A_306, %dma_start3A_308] : memref<30x96xi32, #tpu.memory_space<vmem>> -> memref<1x96xi32, #tpu.memory_space<vmem>>
          %dma_start3A_310 = tpu.memref_squeeze %dma_start3A_309 : memref<1x96xi32, #tpu.memory_space<vmem>> -> memref<96xi32, #tpu.memory_space<vmem>>
          %dma_start3A_311 = arith.constant 0 : i32
          %dma_start3A_312 = arith.constant 0 : i32
          %dma_start3A_313 = tpu.memref_slice %arg12[%dma_start3A_311, %dma_start3A_312] : memref<10112x128xf32, #tpu.memory_space<vmem_shared>> -> memref<10112x128xf32, #tpu.memory_space<vmem_shared>>
          tpu.enqueue_indirect_dma source(%arg10 : memref<96x128xf32, #tpu.memory_space<vmem>>) target(%dma_start3A_313 : memref<10112x128xf32, #tpu.memory_space<vmem_shared>>) offsets(%dma_start3A_310 : memref<96xi32, #tpu.memory_space<vmem>>) semaphore(%run_scoped3A_307 : memref<!tpu.dma_semaphore, #tpu.memory_space<semaphore_mem>>) {add = true}
          %dma_wait3A_314 = arith.constant 0 : i32
          %dma_wait3A_315 = tpu.memref_slice %arg8[%add3A_306, %dma_wait3A_314] : memref<30x96xi32, #tpu.memory_space<vmem>> -> memref<1x96xi32, #tpu.memory_space<vmem>>
          %dma_wait3A_316 = tpu.memref_squeeze %dma_wait3A_315 : memref<1x96xi32, #tpu.memory_space<vmem>> -> memref<96xi32, #tpu.memory_space<vmem>>
          %dma_wait3A_317 = arith.constant 0 : i32
          %dma_wait3A_318 = arith.constant 0 : i32
          %dma_wait3A_319 = tpu.memref_slice %arg12[%dma_wait3A_317, %dma_wait3A_318] : memref<10112x128xf32, #tpu.memory_space<vmem_shared>> -> memref<10112x128xf32, #tpu.memory_space<vmem_shared>>
          tpu.wait_indirect_dma semaphore(%run_scoped3A_307 : memref<!tpu.dma_semaphore, #tpu.memory_space<semaphore_mem>>) src(%arg10 : memref<96x128xf32, #tpu.memory_space<vmem>>) dst(%dma_wait3A_319 : memref<10112x128xf32, #tpu.memory_space<vmem_shared>>)
          tpu.yield
        }) : () -> ()
      } else {
      }
      %mul3A_263 = arith.constant 2 : i32
      %mul3A_264 = arith.muli %mul3A_263, %scan3A_256 : i32
      %add3A_265 = arith.constant 1 : i32
      %add3A_266 = arith.addi %mul3A_264, %add3A_265 : i32
      %lt3A_267 = arith.constant 30 : i32
      %lt3A_268 = arith.cmpi slt, %add3A_266, %lt3A_267 : i32
      %convert_element_type3A_269 = arith.extui %lt3A_268 : i1 to i32
      %cond3A_270 = arith.constant 0 : i32
      %cond3A_271 = arith.cmpi ne, %convert_element_type3A_269, %cond3A_270 : i32
      scf.if %cond3A_271 {
        %add3A_272 = arith.constant 1 : i32
        %add3A_273 = arith.addi %add3A_266, %add3A_272 : i32
        %lt3A_274 = arith.constant 30 : i32
        %lt3A_275 = arith.cmpi slt, %add3A_273, %lt3A_274 : i32
        %convert_element_type3A_276 = arith.extui %lt3A_275 : i1 to i32
        %cond3A_277 = arith.constant 0 : i32
        %cond3A_278 = arith.cmpi ne, %convert_element_type3A_276, %cond3A_277 : i32
        scf.if %cond3A_278 {
          %add3A_307 = arith.constant 1 : i32
          %add3A_308 = arith.addi %add3A_266, %add3A_307 : i32
          %add3A_309 = arith.addi %mul3A_69, %add3A_308 : i32
          %mul3A_310 = arith.constant 96 : i32
          %mul3A_311 = arith.muli %add3A_309, %mul3A_310 : i32
          %dma_start3A_312 = tpu.memref_slice %arg7[%mul3A_311] : memref<2880xi32, #tpu.memory_space<vmem>> -> memref<96xi32, #tpu.memory_space<vmem>>
          %dma_start3A_313 = arith.constant 0 : i32
          %dma_start3A_314 = arith.constant 0 : i32
          %dma_start3A_315 = tpu.memref_slice %arg2[%dma_start3A_313, %dma_start3A_314] : memref<10000x128xf32, #tpu.memory_space<hbm>> -> memref<10000x128xf32, #tpu.memory_space<hbm>>
          tpu.enqueue_indirect_dma source(%dma_start3A_315 : memref<10000x128xf32, #tpu.memory_space<hbm>>) target(%arg10 : memref<96x128xf32, #tpu.memory_space<vmem>>) offsets(%dma_start3A_312 : memref<96xi32, #tpu.memory_space<vmem>>) semaphore(%arg13 : memref<!tpu.dma_semaphore, #tpu.memory_space<semaphore_mem>>)
        } else {
        }
        %add3A_279 = arith.addi %mul3A_69, %add3A_266 : i32
        %get3A = arith.index_cast %add3A_279 : i32 to index
        %get3A_280 = arith.constant 0 : index
        %get3A_281 = tpu.vector_load %arg8[%get3A, %get3A_280] {strides = array<i32>} : memref<30x96xi32, #tpu.memory_space<vmem>>, vector<16xi32>,
        tpu.vector_store_idx %arg9[%get3A_281], %broadcast_in_dim3A_5 {add = true} : memref<10112xf32, #tpu.memory_space<vmem>>[vector<16xi32>], vector<16xf32>,
        %add3A_282 = arith.addi %mul3A_69, %add3A_266 : i32
        %get3A_283 = arith.index_cast %add3A_282 : i32 to index
        %get3A_284 = arith.constant 16 : index
        %get3A_285 = tpu.vector_load %arg8[%get3A_283, %get3A_284] {strides = array<i32>} : memref<30x96xi32, #tpu.memory_space<vmem>>, vector<16xi32>,
        tpu.vector_store_idx %arg9[%get3A_285], %broadcast_in_dim3A_5 {add = true} : memref<10112xf32, #tpu.memory_space<vmem>>[vector<16xi32>], vector<16xf32>,
        %add3A_286 = arith.addi %mul3A_69, %add3A_266 : i32
        %get3A_287 = arith.index_cast %add3A_286 : i32 to index
        %get3A_288 = arith.constant 32 : index
        %get3A_289 = tpu.vector_load %arg8[%get3A_287, %get3A_288] {strides = array<i32>} : memref<30x96xi32, #tpu.memory_space<vmem>>, vector<16xi32>,
        tpu.vector_store_idx %arg9[%get3A_289], %broadcast_in_dim3A_5 {add = true} : memref<10112xf32, #tpu.memory_space<vmem>>[vector<16xi32>], vector<16xf32>,
        %add3A_290 = arith.addi %mul3A_69, %add3A_266 : i32
        %get3A_291 = arith.index_cast %add3A_290 : i32 to index
        %get3A_292 = arith.constant 48 : index
        %get3A_293 = tpu.vector_load %arg8[%get3A_291, %get3A_292] {strides = array<i32>} : memref<30x96xi32, #tpu.memory_space<vmem>>, vector<16xi32>,
        tpu.vector_store_idx %arg9[%get3A_293], %broadcast_in_dim3A_5 {add = true} : memref<10112xf32, #tpu.memory_space<vmem>>[vector<16xi32>], vector<16xf32>,
        %add3A_294 = arith.addi %mul3A_69, %add3A_266 : i32
        %get3A_295 = arith.index_cast %add3A_294 : i32 to index
        %get3A_296 = arith.constant 64 : index
        %get3A_297 = tpu.vector_load %arg8[%get3A_295, %get3A_296] {strides = array<i32>} : memref<30x96xi32, #tpu.memory_space<vmem>>, vector<16xi32>,
        tpu.vector_store_idx %arg9[%get3A_297], %broadcast_in_dim3A_5 {add = true} : memref<10112xf32, #tpu.memory_space<vmem>>[vector<16xi32>], vector<16xf32>,
        %add3A_298 = arith.addi %mul3A_69, %add3A_266 : i32
        %get3A_299 = arith.index_cast %add3A_298 : i32 to index
        %get3A_300 = arith.constant 80 : index
        %get3A_301 = tpu.vector_load %arg8[%get3A_299, %get3A_300] {strides = array<i32>} : memref<30x96xi32, #tpu.memory_space<vmem>>, vector<16xi32>,
        tpu.vector_store_idx %arg9[%get3A_301], %broadcast_in_dim3A_5 {add = true} : memref<10112xf32, #tpu.memory_space<vmem>>[vector<16xi32>], vector<16xf32>,
        %dma_wait3A = arith.constant 0 : i32
        %dma_wait3A_302 = tpu.memref_slice %arg7[%dma_wait3A] : memref<2880xi32, #tpu.memory_space<vmem>> -> memref<96xi32, #tpu.memory_space<vmem>>
        %dma_wait3A_303 = arith.constant 0 : i32
        %dma_wait3A_304 = arith.constant 0 : i32
        %dma_wait3A_305 = tpu.memref_slice %arg2[%dma_wait3A_303, %dma_wait3A_304] : memref<10000x128xf32, #tpu.memory_space<hbm>> -> memref<10000x128xf32, #tpu.memory_space<hbm>>
        tpu.wait_indirect_dma semaphore(%arg14 : memref<!tpu.dma_semaphore, #tpu.memory_space<semaphore_mem>>) src(%dma_wait3A_305 : memref<10000x128xf32, #tpu.memory_space<hbm>>) dst(%arg11 : memref<96x128xf32, #tpu.memory_space<vmem>>)
        %add3A_306 = arith.addi %mul3A_69, %add3A_266 : i32
        "tpu.region"() ({
          %run_scoped3A_307 = tpu.sem_alloc : memref<!tpu.dma_semaphore, #tpu.memory_space<semaphore_mem>>
          %dma_start3A_308 = arith.constant 0 : i32
          %dma_start3A_309 = tpu.memref_slice %arg8[%add3A_306, %dma_start3A_308] : memref<30x96xi32, #tpu.memory_space<vmem>> -> memref<1x96xi32, #tpu.memory_space<vmem>>
          %dma_start3A_310 = tpu.memref_squeeze %dma_start3A_309 : memref<1x96xi32, #tpu.memory_space<vmem>> -> memref<96xi32, #tpu.memory_space<vmem>>
          %dma_start3A_311 = arith.constant 0 : i32
          %dma_start3A_312 = arith.constant 0 : i32
          %dma_start3A_313 = tpu.memref_slice %arg12[%dma_start3A_311, %dma_start3A_312] : memref<10112x128xf32, #tpu.memory_space<vmem_shared>> -> memref<10112x128xf32, #tpu.memory_space<vmem_shared>>
          tpu.enqueue_indirect_dma source(%arg11 : memref<96x128xf32, #tpu.memory_space<vmem>>) target(%dma_start3A_313 : memref<10112x128xf32, #tpu.memory_space<vmem_shared>>) offsets(%dma_start3A_310 : memref<96xi32, #tpu.memory_space<vmem>>) semaphore(%run_scoped3A_307 : memref<!tpu.dma_semaphore, #tpu.memory_space<semaphore_mem>>) {add = true}
          %dma_wait3A_314 = arith.constant 0 : i32
          %dma_wait3A_315 = tpu.memref_slice %arg8[%add3A_306, %dma_wait3A_314] : memref<30x96xi32, #tpu.memory_space<vmem>> -> memref<1x96xi32, #tpu.memory_space<vmem>>
          %dma_wait3A_316 = tpu.memref_squeeze %dma_wait3A_315 : memref<1x96xi32, #tpu.memory_space<vmem>> -> memref<96xi32, #tpu.memory_space<vmem>>
          %dma_wait3A_317 = arith.constant 0 : i32
          %dma_wait3A_318 = arith.constant 0 : i32
          %dma_wait3A_319 = tpu.memref_slice %arg12[%dma_wait3A_317, %dma_wait3A_318] : memref<10112x128xf32, #tpu.memory_space<vmem_shared>> -> memref<10112x128xf32, #tpu.memory_space<vmem_shared>>
          tpu.wait_indirect_dma semaphore(%run_scoped3A_307 : memref<!tpu.dma_semaphore, #tpu.memory_space<semaphore_mem>>) src(%arg11 : memref<96x128xf32, #tpu.memory_space<vmem>>) dst(%dma_wait3A_319 : memref<10112x128xf32, #tpu.memory_space<vmem_shared>>)
          tpu.yield
        }) : () -> ()
      } else {
      }
    }
    %scan3A_109 = arith.constant 15 : i32
    %barrier3A_110 = arith.constant 0 : index
    tpu.barrier barrier_id(%barrier3A_110)
    %mul3A_111 = arith.constant 16 : i32
    %mul3A_112 = arith.muli %add3A_67, %mul3A_111 : i32
    %add3A_113 = arith.addi %mul3A_112, %arg1 : i32
    %mul3A_114 = arith.constant 10112 : i32
    %mul3A_115 = arith.muli %add3A_113, %mul3A_114 : i32
    "tpu.region"() ({
      %run_scoped3A_256 = tpu.sem_alloc : memref<!tpu.dma_semaphore, #tpu.memory_space<semaphore_mem>>
      %dma_start3A_257 = tpu.memref_slice %arg6[%mul3A_115] : memref<1294336xf32, #tpu.memory_space<hbm>> -> memref<10112xf32, #tpu.memory_space<hbm>>
      %dma_start3A_258 = tpu.memref_slice %arg6[%mul3A_115] : memref<1294336xf32, #tpu.memory_space<hbm>> -> memref<10112xf32, #tpu.memory_space<hbm>>
      tpu.enqueue_dma source(%arg9 : memref<10112xf32, #tpu.memory_space<vmem>>) target(%dma_start3A_258 : memref<10112xf32, #tpu.memory_space<hbm>>) target_semaphore(%run_scoped3A_256 : memref<!tpu.dma_semaphore, #tpu.memory_space<semaphore_mem>>)
      %dma_wait3A = tpu.memref_slice %arg6[%mul3A_115] : memref<1294336xf32, #tpu.memory_space<hbm>> -> memref<10112xf32, #tpu.memory_space<hbm>>
      %dma_wait3A_259 = tpu.memref_slice %arg6[%mul3A_115] : memref<1294336xf32, #tpu.memory_space<hbm>> -> memref<10112xf32, #tpu.memory_space<hbm>>
      tpu.wait_dma2 semaphore(%run_scoped3A_256 : memref<!tpu.dma_semaphore, #tpu.memory_space<semaphore_mem>>) src(%arg9 : memref<10112xf32, #tpu.memory_space<vmem>>) dst(%dma_wait3A_259 : memref<10112xf32, #tpu.memory_space<hbm>>)
      tpu.yield
    }) : () -> ()
    %scan3A_116 = arith.constant 0 : i32
    %scan3A_117 = arith.constant 0 : i32
    %scan3A_118 = arith.constant 632 : i32
    %scan3A_119 = arith.addi %scan3A_117, %scan3A_118 : i32
    %scan3A_120 = arith.constant 1 : i32
    scf.for %scan3A_256 = %scan3A_117 to %scan3A_119 step %scan3A_120  : i32 {
      %broadcast_in_dim3A_257 = arith.constant 0.000000e+00 : f32
      %broadcast_in_dim3A_258 = vector.broadcast %broadcast_in_dim3A_257 : f32 to vector<16xf32>
      %mul3A_259 = arith.constant 16 : i32
      %mul3A_260 = arith.muli %scan3A_256, %mul3A_259 : i32
      %swap3A = arith.index_cast %mul3A_260 : i32 to index
      %swap3A_261 = tpu.vector_load %arg9[%swap3A] {strides = array<i32>} : memref<10112xf32, #tpu.memory_space<vmem>>, vector<16xf32>,
      tpu.vector_store %arg9[%swap3A], %broadcast_in_dim3A_258 {strides = array<i32>} : memref<10112xf32, #tpu.memory_space<vmem>>, vector<16xf32>,
    }
    %scan3A_121 = arith.constant 632 : i32
    "tpu.region"() ({
      %run_scoped3A_256 = tpu.sem_alloc : memref<!tpu.dma_semaphore, #tpu.memory_space<semaphore_mem>>
      %dma_start3A_257 = arith.constant 0 : i32
      %dma_start3A_258 = tpu.memref_slice %arg5[%add3A_67, %mul3A_8, %dma_start3A_257] : memref<8x10112x128xf32, #tpu.memory_space<hbm>> -> memref<1x632x128xf32, #tpu.memory_space<hbm>>
      %dma_start3A_259 = tpu.memref_squeeze %dma_start3A_258 : memref<1x632x128xf32, #tpu.memory_space<hbm>> -> memref<632x128xf32, #tpu.memory_space<hbm>>
      %dma_start3A_260 = arith.constant 0 : i32
      %dma_start3A_261 = tpu.memref_slice %arg12[%mul3A_8, %dma_start3A_260] : memref<10112x128xf32, #tpu.memory_space<vmem_shared>> -> memref<632x128xf32, #tpu.memory_space<vmem_shared>>
      tpu.enqueue_dma source(%dma_start3A_261 : memref<632x128xf32, #tpu.memory_space<vmem_shared>>) target(%dma_start3A_259 : memref<632x128xf32, #tpu.memory_space<hbm>>) target_semaphore(%run_scoped3A_256 : memref<!tpu.dma_semaphore, #tpu.memory_space<semaphore_mem>>)
      %dma_wait3A = arith.constant 0 : i32
      %dma_wait3A_262 = tpu.memref_slice %arg5[%add3A_67, %mul3A_8, %dma_wait3A] : memref<8x10112x128xf32, #tpu.memory_space<hbm>> -> memref<1x632x128xf32, #tpu.memory_space<hbm>>
      %dma_wait3A_263 = tpu.memref_squeeze %dma_wait3A_262 : memref<1x632x128xf32, #tpu.memory_space<hbm>> -> memref<632x128xf32, #tpu.memory_space<hbm>>
      %dma_wait3A_264 = arith.constant 0 : i32
      %dma_wait3A_265 = tpu.memref_slice %arg12[%mul3A_8, %dma_wait3A_264] : memref<10112x128xf32, #tpu.memory_space<vmem_shared>> -> memref<632x128xf32, #tpu.memory_space<vmem_shared>>
      tpu.wait_dma2 semaphore(%run_scoped3A_256 : memref<!tpu.dma_semaphore, #tpu.memory_space<semaphore_mem>>) src(%dma_wait3A_265 : memref<632x128xf32, #tpu.memory_space<vmem_shared>>) dst(%dma_wait3A_263 : memref<632x128xf32, #tpu.memory_space<hbm>>)
      tpu.yield
    }) : () -> ()
    %mul3A_122 = arith.constant 3 : i32
    %mul3A_123 = arith.muli %mul3A_122, %arg0 : i32
    %add3A_124 = arith.constant 2 : i32
    %add3A_125 = arith.addi %mul3A_123, %add3A_124 : i32
    %mul3A_126 = arith.constant 0 : i32
    %mul3A_127 = arith.muli %mul3A_126, %arg0 : i32
    %mul3A_128 = arith.constant 2 : i32
    %mul3A_129 = arith.muli %add3A_125, %mul3A_128 : i32
    %mul3A_130 = arith.constant 46080 : i32
    %mul3A_131 = arith.muli %mul3A_129, %mul3A_130 : i32
    %add3A_132 = arith.addi %mul3A_131, %mul3A_6 : i32
    "tpu.region"() ({
      %run_scoped3A_256 = tpu.sem_alloc : memref<!tpu.dma_semaphore, #tpu.memory_space<semaphore_mem>>
      %dma_start3A_257 = tpu.memref_slice %arg3[%add3A_132] : memref<645120xi32, #tpu.memory_space<hbm>> -> memref<2880xi32, #tpu.memory_space<hbm>>
      %dma_start3A_258 = tpu.memref_slice %arg3[%add3A_132] : memref<645120xi32, #tpu.memory_space<hbm>> -> memref<2880xi32, #tpu.memory_space<hbm>>
      tpu.enqueue_dma source(%dma_start3A_258 : memref<2880xi32, #tpu.memory_space<hbm>>) target(%arg7 : memref<2880xi32, #tpu.memory_space<vmem>>) target_semaphore(%run_scoped3A_256 : memref<!tpu.dma_semaphore, #tpu.memory_space<semaphore_mem>>)
      %dma_wait3A = tpu.memref_slice %arg3[%add3A_132] : memref<645120xi32, #tpu.memory_space<hbm>> -> memref<2880xi32, #tpu.memory_space<hbm>>
      %dma_wait3A_259 = tpu.memref_slice %arg3[%add3A_132] : memref<645120xi32, #tpu.memory_space<hbm>> -> memref<2880xi32, #tpu.memory_space<hbm>>
      tpu.wait_dma2 semaphore(%run_scoped3A_256 : memref<!tpu.dma_semaphore, #tpu.memory_space<semaphore_mem>>) src(%dma_wait3A_259 : memref<2880xi32, #tpu.memory_space<hbm>>) dst(%arg7 : memref<2880xi32, #tpu.memory_space<vmem>>)
      tpu.yield
    }) : () -> ()
    "tpu.region"() ({
      %run_scoped3A_256 = tpu.sem_alloc : memref<!tpu.dma_semaphore, #tpu.memory_space<semaphore_mem>>
      %dma_start3A_257 = arith.constant 0 : i32
      %dma_start3A_258 = arith.constant 0 : i32
      %dma_start3A_259 = tpu.memref_slice %arg4[%add3A_125, %arg1, %dma_start3A_257, %dma_start3A_258] : memref<7x16x30x96xi32, #tpu.memory_space<hbm>> -> memref<1x1x30x96xi32, #tpu.memory_space<hbm>>
      %dma_start3A_260 = tpu.memref_squeeze %dma_start3A_259 : memref<1x1x30x96xi32, #tpu.memory_space<hbm>> -> memref<30x96xi32, #tpu.memory_space<hbm>>
      %dma_start3A_261 = arith.constant 0 : i32
      %dma_start3A_262 = arith.constant 0 : i32
      %dma_start3A_263 = tpu.memref_slice %arg4[%add3A_125, %arg1, %dma_start3A_261, %dma_start3A_262] : memref<7x16x30x96xi32, #tpu.memory_space<hbm>> -> memref<1x1x30x96xi32, #tpu.memory_space<hbm>>
      %dma_start3A_264 = tpu.memref_squeeze %dma_start3A_263 : memref<1x1x30x96xi32, #tpu.memory_space<hbm>> -> memref<30x96xi32, #tpu.memory_space<hbm>>
      tpu.enqueue_dma source(%dma_start3A_264 : memref<30x96xi32, #tpu.memory_space<hbm>>) target(%arg8 : memref<30x96xi32, #tpu.memory_space<vmem>>) target_semaphore(%run_scoped3A_256 : memref<!tpu.dma_semaphore, #tpu.memory_space<semaphore_mem>>)
      %dma_wait3A = arith.constant 0 : i32
      %dma_wait3A_265 = arith.constant 0 : i32
      %dma_wait3A_266 = tpu.memref_slice %arg4[%add3A_125, %arg1, %dma_wait3A, %dma_wait3A_265] : memref<7x16x30x96xi32, #tpu.memory_space<hbm>> -> memref<1x1x30x96xi32, #tpu.memory_space<hbm>>
      %dma_wait3A_267 = tpu.memref_squeeze %dma_wait3A_266 : memref<1x1x30x96xi32, #tpu.memory_space<hbm>> -> memref<30x96xi32, #tpu.memory_space<hbm>>
      %dma_wait3A_268 = arith.constant 0 : i32
      %dma_wait3A_269 = arith.constant 0 : i32
      %dma_wait3A_270 = tpu.memref_slice %arg4[%add3A_125, %arg1, %dma_wait3A_268, %dma_wait3A_269] : memref<7x16x30x96xi32, #tpu.memory_space<hbm>> -> memref<1x1x30x96xi32, #tpu.memory_space<hbm>>
      %dma_wait3A_271 = tpu.memref_squeeze %dma_wait3A_270 : memref<1x1x30x96xi32, #tpu.memory_space<hbm>> -> memref<30x96xi32, #tpu.memory_space<hbm>>
      tpu.wait_dma2 semaphore(%run_scoped3A_256 : memref<!tpu.dma_semaphore, #tpu.memory_space<semaphore_mem>>) src(%dma_wait3A_271 : memref<30x96xi32, #tpu.memory_space<hbm>>) dst(%arg8 : memref<30x96xi32, #tpu.memory_space<vmem>>)
      tpu.yield
    }) : () -> ()
    %scan3A_133 = arith.constant 0 : i32
    %scan3A_134 = arith.constant 0 : i32
    %scan3A_135 = arith.constant 96 : i32
    %scan3A_136 = arith.addi %scan3A_134, %scan3A_135 : i32
    %scan3A_137 = arith.constant 1 : i32
    scf.for %scan3A_256 = %scan3A_134 to %scan3A_136 step %scan3A_137  : i32 {
      %broadcast_in_dim3A_257 = arith.constant 0.000000e+00 : f32
      %broadcast_in_dim3A_258 = vector.broadcast %broadcast_in_dim3A_257 : f32 to vector<16xf32>
      %swap3A = arith.index_cast %scan3A_256 : i32 to index
      %swap3A_259 = arith.constant 0 : index
      %swap3A_260 = tpu.vector_load %arg10[%swap3A, %swap3A_259] {strides = array<i32>} : memref<96x128xf32, #tpu.memory_space<vmem>>, vector<16xf32>,
      tpu.vector_store %arg10[%swap3A, %swap3A_259], %broadcast_in_dim3A_258 {strides = array<i32>} : memref<96x128xf32, #tpu.memory_space<vmem>>, vector<16xf32>,
      %swap3A_261 = arith.index_cast %scan3A_256 : i32 to index
      %swap3A_262 = arith.constant 16 : index
      %swap3A_263 = tpu.vector_load %arg10[%swap3A_261, %swap3A_262] {strides = array<i32>} : memref<96x128xf32, #tpu.memory_space<vmem>>, vector<16xf32>,
      tpu.vector_store %arg10[%swap3A_261, %swap3A_262], %broadcast_in_dim3A_258 {strides = array<i32>} : memref<96x128xf32, #tpu.memory_space<vmem>>, vector<16xf32>,
      %swap3A_264 = arith.index_cast %scan3A_256 : i32 to index
      %swap3A_265 = arith.constant 32 : index
      %swap3A_266 = tpu.vector_load %arg10[%swap3A_264, %swap3A_265] {strides = array<i32>} : memref<96x128xf32, #tpu.memory_space<vmem>>, vector<16xf32>,
      tpu.vector_store %arg10[%swap3A_264, %swap3A_265], %broadcast_in_dim3A_258 {strides = array<i32>} : memref<96x128xf32, #tpu.memory_space<vmem>>, vector<16xf32>,
      %swap3A_267 = arith.index_cast %scan3A_256 : i32 to index
      %swap3A_268 = arith.constant 48 : index
      %swap3A_269 = tpu.vector_load %arg10[%swap3A_267, %swap3A_268] {strides = array<i32>} : memref<96x128xf32, #tpu.memory_space<vmem>>, vector<16xf32>,
      tpu.vector_store %arg10[%swap3A_267, %swap3A_268], %broadcast_in_dim3A_258 {strides = array<i32>} : memref<96x128xf32, #tpu.memory_space<vmem>>, vector<16xf32>,
      %swap3A_270 = arith.index_cast %scan3A_256 : i32 to index
      %swap3A_271 = arith.constant 64 : index
      %swap3A_272 = tpu.vector_load %arg10[%swap3A_270, %swap3A_271] {strides = array<i32>} : memref<96x128xf32, #tpu.memory_space<vmem>>, vector<16xf32>,
      tpu.vector_store %arg10[%swap3A_270, %swap3A_271], %broadcast_in_dim3A_258 {strides = array<i32>} : memref<96x128xf32, #tpu.memory_space<vmem>>, vector<16xf32>,
      %swap3A_273 = arith.index_cast %scan3A_256 : i32 to index
      %swap3A_274 = arith.constant 80 : index
      %swap3A_275 = tpu.vector_load %arg10[%swap3A_273, %swap3A_274] {strides = array<i32>} : memref<96x128xf32, #tpu.memory_space<vmem>>, vector<16xf32>,
      tpu.vector_store %arg10[%swap3A_273, %swap3A_274], %broadcast_in_dim3A_258 {strides = array<i32>} : memref<96x128xf32, #tpu.memory_space<vmem>>, vector<16xf32>,
      %swap3A_276 = arith.index_cast %scan3A_256 : i32 to index
      %swap3A_277 = arith.constant 96 : index
      %swap3A_278 = tpu.vector_load %arg10[%swap3A_276, %swap3A_277] {strides = array<i32>} : memref<96x128xf32, #tpu.memory_space<vmem>>, vector<16xf32>,
      tpu.vector_store %arg10[%swap3A_276, %swap3A_277], %broadcast_in_dim3A_258 {strides = array<i32>} : memref<96x128xf32, #tpu.memory_space<vmem>>, vector<16xf32>,
      %swap3A_279 = arith.index_cast %scan3A_256 : i32 to index
      %swap3A_280 = arith.constant 112 : index
      %swap3A_281 = tpu.vector_load %arg10[%swap3A_279, %swap3A_280] {strides = array<i32>} : memref<96x128xf32, #tpu.memory_space<vmem>>, vector<16xf32>,
      tpu.vector_store %arg10[%swap3A_279, %swap3A_280], %broadcast_in_dim3A_258 {strides = array<i32>} : memref<96x128xf32, #tpu.memory_space<vmem>>, vector<16xf32>,
    }
    %scan3A_138 = arith.constant 96 : i32
    %add3A_139 = arith.constant 0 : i32
    %add3A_140 = arith.addi %mul3A_8, %add3A_139 : i32
    "tpu.region"() ({
      %run_scoped3A_256 = tpu.sem_alloc : memref<!tpu.dma_semaphore, #tpu.memory_space<semaphore_mem>>
      %dma_start3A_257 = arith.constant 0 : i32
      %dma_start3A_258 = arith.constant 0 : i32
      %dma_start3A_259 = tpu.memref_slice %arg10[%dma_start3A_257, %dma_start3A_258] : memref<96x128xf32, #tpu.memory_space<vmem>> -> memref<96x128xf32, #tpu.memory_space<vmem>>
      %dma_start3A_260 = arith.constant 0 : i32
      %dma_start3A_261 = tpu.memref_slice %arg12[%add3A_140, %dma_start3A_260] : memref<10112x128xf32, #tpu.memory_space<vmem_shared>> -> memref<96x128xf32, #tpu.memory_space<vmem_shared>>
      %dma_start3A_262 = arith.constant 0 : i32
      %dma_start3A_263 = tpu.memref_slice %arg12[%add3A_140, %dma_start3A_262] : memref<10112x128xf32, #tpu.memory_space<vmem_shared>> -> memref<96x128xf32, #tpu.memory_space<vmem_shared>>
      %dma_start3A_264 = arith.constant 0 : i32
      %dma_start3A_265 = arith.constant 0 : i32
      %dma_start3A_266 = tpu.memref_slice %arg10[%dma_start3A_264, %dma_start3A_265] : memref<96x128xf32, #tpu.memory_space<vmem>> -> memref<96x128xf32, #tpu.memory_space<vmem>>
      tpu.enqueue_dma source(%dma_start3A_266 : memref<96x128xf32, #tpu.memory_space<vmem>>) target(%dma_start3A_263 : memref<96x128xf32, #tpu.memory_space<vmem_shared>>) target_semaphore(%run_scoped3A_256 : memref<!tpu.dma_semaphore, #tpu.memory_space<semaphore_mem>>)
      %dma_wait3A = arith.constant 0 : i32
      %dma_wait3A_267 = arith.constant 0 : i32
      %dma_wait3A_268 = tpu.memref_slice %arg10[%dma_wait3A, %dma_wait3A_267] : memref<96x128xf32, #tpu.memory_space<vmem>> -> memref<96x128xf32, #tpu.memory_space<vmem>>
      %dma_wait3A_269 = arith.constant 0 : i32
      %dma_wait3A_270 = tpu.memref_slice %arg12[%add3A_140, %dma_wait3A_269] : memref<10112x128xf32, #tpu.memory_space<vmem_shared>> -> memref<96x128xf32, #tpu.memory_space<vmem_shared>>
      %dma_wait3A_271 = arith.constant 0 : i32
      %dma_wait3A_272 = tpu.memref_slice %arg12[%add3A_140, %dma_wait3A_271] : memref<10112x128xf32, #tpu.memory_space<vmem_shared>> -> memref<96x128xf32, #tpu.memory_space<vmem_shared>>
      %dma_wait3A_273 = arith.constant 0 : i32
      %dma_wait3A_274 = arith.constant 0 : i32
      %dma_wait3A_275 = tpu.memref_slice %arg10[%dma_wait3A_273, %dma_wait3A_274] : memref<96x128xf32, #tpu.memory_space<vmem>> -> memref<96x128xf32, #tpu.memory_space<vmem>>
      tpu.wait_dma2 semaphore(%run_scoped3A_256 : memref<!tpu.dma_semaphore, #tpu.memory_space<semaphore_mem>>) src(%dma_wait3A_275 : memref<96x128xf32, #tpu.memory_space<vmem>>) dst(%dma_wait3A_272 : memref<96x128xf32, #tpu.memory_space<vmem_shared>>)
      tpu.yield
    }) : () -> ()
    %add3A_141 = arith.constant 96 : i32
    %add3A_142 = arith.addi %mul3A_8, %add3A_141 : i32
    "tpu.region"() ({
      %run_scoped3A_256 = tpu.sem_alloc : memref<!tpu.dma_semaphore, #tpu.memory_space<semaphore_mem>>
      %dma_start3A_257 = arith.constant 0 : i32
      %dma_start3A_258 = arith.constant 0 : i32
      %dma_start3A_259 = tpu.memref_slice %arg10[%dma_start3A_257, %dma_start3A_258] : memref<96x128xf32, #tpu.memory_space<vmem>> -> memref<96x128xf32, #tpu.memory_space<vmem>>
      %dma_start3A_260 = arith.constant 0 : i32
      %dma_start3A_261 = tpu.memref_slice %arg12[%add3A_142, %dma_start3A_260] : memref<10112x128xf32, #tpu.memory_space<vmem_shared>> -> memref<96x128xf32, #tpu.memory_space<vmem_shared>>
      %dma_start3A_262 = arith.constant 0 : i32
      %dma_start3A_263 = tpu.memref_slice %arg12[%add3A_142, %dma_start3A_262] : memref<10112x128xf32, #tpu.memory_space<vmem_shared>> -> memref<96x128xf32, #tpu.memory_space<vmem_shared>>
      %dma_start3A_264 = arith.constant 0 : i32
      %dma_start3A_265 = arith.constant 0 : i32
      %dma_start3A_266 = tpu.memref_slice %arg10[%dma_start3A_264, %dma_start3A_265] : memref<96x128xf32, #tpu.memory_space<vmem>> -> memref<96x128xf32, #tpu.memory_space<vmem>>
      tpu.enqueue_dma source(%dma_start3A_266 : memref<96x128xf32, #tpu.memory_space<vmem>>) target(%dma_start3A_263 : memref<96x128xf32, #tpu.memory_space<vmem_shared>>) target_semaphore(%run_scoped3A_256 : memref<!tpu.dma_semaphore, #tpu.memory_space<semaphore_mem>>)
      %dma_wait3A = arith.constant 0 : i32
      %dma_wait3A_267 = arith.constant 0 : i32
      %dma_wait3A_268 = tpu.memref_slice %arg10[%dma_wait3A, %dma_wait3A_267] : memref<96x128xf32, #tpu.memory_space<vmem>> -> memref<96x128xf32, #tpu.memory_space<vmem>>
      %dma_wait3A_269 = arith.constant 0 : i32
      %dma_wait3A_270 = tpu.memref_slice %arg12[%add3A_142, %dma_wait3A_269] : memref<10112x128xf32, #tpu.memory_space<vmem_shared>> -> memref<96x128xf32, #tpu.memory_space<vmem_shared>>
      %dma_wait3A_271 = arith.constant 0 : i32
      %dma_wait3A_272 = tpu.memref_slice %arg12[%add3A_142, %dma_wait3A_271] : memref<10112x128xf32, #tpu.memory_space<vmem_shared>> -> memref<96x128xf32, #tpu.memory_space<vmem_shared>>
      %dma_wait3A_273 = arith.constant 0 : i32
      %dma_wait3A_274 = arith.constant 0 : i32
      %dma_wait3A_275 = tpu.memref_slice %arg10[%dma_wait3A_273, %dma_wait3A_274] : memref<96x128xf32, #tpu.memory_space<vmem>> -> memref<96x128xf32, #tpu.memory_space<vmem>>
      tpu.wait_dma2 semaphore(%run_scoped3A_256 : memref<!tpu.dma_semaphore, #tpu.memory_space<semaphore_mem>>) src(%dma_wait3A_275 : memref<96x128xf32, #tpu.memory_space<vmem>>) dst(%dma_wait3A_272 : memref<96x128xf32, #tpu.memory_space<vmem_shared>>)
      tpu.yield
    }) : () -> ()
    %add3A_143 = arith.constant 192 : i32
    %add3A_144 = arith.addi %mul3A_8, %add3A_143 : i32
    "tpu.region"() ({
      %run_scoped3A_256 = tpu.sem_alloc : memref<!tpu.dma_semaphore, #tpu.memory_space<semaphore_mem>>
      %dma_start3A_257 = arith.constant 0 : i32
      %dma_start3A_258 = arith.constant 0 : i32
      %dma_start3A_259 = tpu.memref_slice %arg10[%dma_start3A_257, %dma_start3A_258] : memref<96x128xf32, #tpu.memory_space<vmem>> -> memref<96x128xf32, #tpu.memory_space<vmem>>
      %dma_start3A_260 = arith.constant 0 : i32
      %dma_start3A_261 = tpu.memref_slice %arg12[%add3A_144, %dma_start3A_260] : memref<10112x128xf32, #tpu.memory_space<vmem_shared>> -> memref<96x128xf32, #tpu.memory_space<vmem_shared>>
      %dma_start3A_262 = arith.constant 0 : i32
      %dma_start3A_263 = tpu.memref_slice %arg12[%add3A_144, %dma_start3A_262] : memref<10112x128xf32, #tpu.memory_space<vmem_shared>> -> memref<96x128xf32, #tpu.memory_space<vmem_shared>>
      %dma_start3A_264 = arith.constant 0 : i32
      %dma_start3A_265 = arith.constant 0 : i32
      %dma_start3A_266 = tpu.memref_slice %arg10[%dma_start3A_264, %dma_start3A_265] : memref<96x128xf32, #tpu.memory_space<vmem>> -> memref<96x128xf32, #tpu.memory_space<vmem>>
      tpu.enqueue_dma source(%dma_start3A_266 : memref<96x128xf32, #tpu.memory_space<vmem>>) target(%dma_start3A_263 : memref<96x128xf32, #tpu.memory_space<vmem_shared>>) target_semaphore(%run_scoped3A_256 : memref<!tpu.dma_semaphore, #tpu.memory_space<semaphore_mem>>)
      %dma_wait3A = arith.constant 0 : i32
      %dma_wait3A_267 = arith.constant 0 : i32
      %dma_wait3A_268 = tpu.memref_slice %arg10[%dma_wait3A, %dma_wait3A_267] : memref<96x128xf32, #tpu.memory_space<vmem>> -> memref<96x128xf32, #tpu.memory_space<vmem>>
      %dma_wait3A_269 = arith.constant 0 : i32
      %dma_wait3A_270 = tpu.memref_slice %arg12[%add3A_144, %dma_wait3A_269] : memref<10112x128xf32, #tpu.memory_space<vmem_shared>> -> memref<96x128xf32, #tpu.memory_space<vmem_shared>>
      %dma_wait3A_271 = arith.constant 0 : i32
      %dma_wait3A_272 = tpu.memref_slice %arg12[%add3A_144, %dma_wait3A_271] : memref<10112x128xf32, #tpu.memory_space<vmem_shared>> -> memref<96x128xf32, #tpu.memory_space<vmem_shared>>
      %dma_wait3A_273 = arith.constant 0 : i32
      %dma_wait3A_274 = arith.constant 0 : i32
      %dma_wait3A_275 = tpu.memref_slice %arg10[%dma_wait3A_273, %dma_wait3A_274] : memref<96x128xf32, #tpu.memory_space<vmem>> -> memref<96x128xf32, #tpu.memory_space<vmem>>
      tpu.wait_dma2 semaphore(%run_scoped3A_256 : memref<!tpu.dma_semaphore, #tpu.memory_space<semaphore_mem>>) src(%dma_wait3A_275 : memref<96x128xf32, #tpu.memory_space<vmem>>) dst(%dma_wait3A_272 : memref<96x128xf32, #tpu.memory_space<vmem_shared>>)
      tpu.yield
    }) : () -> ()
    %add3A_145 = arith.constant 288 : i32
    %add3A_146 = arith.addi %mul3A_8, %add3A_145 : i32
    "tpu.region"() ({
      %run_scoped3A_256 = tpu.sem_alloc : memref<!tpu.dma_semaphore, #tpu.memory_space<semaphore_mem>>
      %dma_start3A_257 = arith.constant 0 : i32
      %dma_start3A_258 = arith.constant 0 : i32
      %dma_start3A_259 = tpu.memref_slice %arg10[%dma_start3A_257, %dma_start3A_258] : memref<96x128xf32, #tpu.memory_space<vmem>> -> memref<96x128xf32, #tpu.memory_space<vmem>>
      %dma_start3A_260 = arith.constant 0 : i32
      %dma_start3A_261 = tpu.memref_slice %arg12[%add3A_146, %dma_start3A_260] : memref<10112x128xf32, #tpu.memory_space<vmem_shared>> -> memref<96x128xf32, #tpu.memory_space<vmem_shared>>
      %dma_start3A_262 = arith.constant 0 : i32
      %dma_start3A_263 = tpu.memref_slice %arg12[%add3A_146, %dma_start3A_262] : memref<10112x128xf32, #tpu.memory_space<vmem_shared>> -> memref<96x128xf32, #tpu.memory_space<vmem_shared>>
      %dma_start3A_264 = arith.constant 0 : i32
      %dma_start3A_265 = arith.constant 0 : i32
      %dma_start3A_266 = tpu.memref_slice %arg10[%dma_start3A_264, %dma_start3A_265] : memref<96x128xf32, #tpu.memory_space<vmem>> -> memref<96x128xf32, #tpu.memory_space<vmem>>
      tpu.enqueue_dma source(%dma_start3A_266 : memref<96x128xf32, #tpu.memory_space<vmem>>) target(%dma_start3A_263 : memref<96x128xf32, #tpu.memory_space<vmem_shared>>) target_semaphore(%run_scoped3A_256 : memref<!tpu.dma_semaphore, #tpu.memory_space<semaphore_mem>>)
      %dma_wait3A = arith.constant 0 : i32
      %dma_wait3A_267 = arith.constant 0 : i32
      %dma_wait3A_268 = tpu.memref_slice %arg10[%dma_wait3A, %dma_wait3A_267] : memref<96x128xf32, #tpu.memory_space<vmem>> -> memref<96x128xf32, #tpu.memory_space<vmem>>
      %dma_wait3A_269 = arith.constant 0 : i32
      %dma_wait3A_270 = tpu.memref_slice %arg12[%add3A_146, %dma_wait3A_269] : memref<10112x128xf32, #tpu.memory_space<vmem_shared>> -> memref<96x128xf32, #tpu.memory_space<vmem_shared>>
      %dma_wait3A_271 = arith.constant 0 : i32
      %dma_wait3A_272 = tpu.memref_slice %arg12[%add3A_146, %dma_wait3A_271] : memref<10112x128xf32, #tpu.memory_space<vmem_shared>> -> memref<96x128xf32, #tpu.memory_space<vmem_shared>>
      %dma_wait3A_273 = arith.constant 0 : i32
      %dma_wait3A_274 = arith.constant 0 : i32
      %dma_wait3A_275 = tpu.memref_slice %arg10[%dma_wait3A_273, %dma_wait3A_274] : memref<96x128xf32, #tpu.memory_space<vmem>> -> memref<96x128xf32, #tpu.memory_space<vmem>>
      tpu.wait_dma2 semaphore(%run_scoped3A_256 : memref<!tpu.dma_semaphore, #tpu.memory_space<semaphore_mem>>) src(%dma_wait3A_275 : memref<96x128xf32, #tpu.memory_space<vmem>>) dst(%dma_wait3A_272 : memref<96x128xf32, #tpu.memory_space<vmem_shared>>)
      tpu.yield
    }) : () -> ()
    %add3A_147 = arith.constant 384 : i32
    %add3A_148 = arith.addi %mul3A_8, %add3A_147 : i32
    "tpu.region"() ({
      %run_scoped3A_256 = tpu.sem_alloc : memref<!tpu.dma_semaphore, #tpu.memory_space<semaphore_mem>>
      %dma_start3A_257 = arith.constant 0 : i32
      %dma_start3A_258 = arith.constant 0 : i32
      %dma_start3A_259 = tpu.memref_slice %arg10[%dma_start3A_257, %dma_start3A_258] : memref<96x128xf32, #tpu.memory_space<vmem>> -> memref<96x128xf32, #tpu.memory_space<vmem>>
      %dma_start3A_260 = arith.constant 0 : i32
      %dma_start3A_261 = tpu.memref_slice %arg12[%add3A_148, %dma_start3A_260] : memref<10112x128xf32, #tpu.memory_space<vmem_shared>> -> memref<96x128xf32, #tpu.memory_space<vmem_shared>>
      %dma_start3A_262 = arith.constant 0 : i32
      %dma_start3A_263 = tpu.memref_slice %arg12[%add3A_148, %dma_start3A_262] : memref<10112x128xf32, #tpu.memory_space<vmem_shared>> -> memref<96x128xf32, #tpu.memory_space<vmem_shared>>
      %dma_start3A_264 = arith.constant 0 : i32
      %dma_start3A_265 = arith.constant 0 : i32
      %dma_start3A_266 = tpu.memref_slice %arg10[%dma_start3A_264, %dma_start3A_265] : memref<96x128xf32, #tpu.memory_space<vmem>> -> memref<96x128xf32, #tpu.memory_space<vmem>>
      tpu.enqueue_dma source(%dma_start3A_266 : memref<96x128xf32, #tpu.memory_space<vmem>>) target(%dma_start3A_263 : memref<96x128xf32, #tpu.memory_space<vmem_shared>>) target_semaphore(%run_scoped3A_256 : memref<!tpu.dma_semaphore, #tpu.memory_space<semaphore_mem>>)
      %dma_wait3A = arith.constant 0 : i32
      %dma_wait3A_267 = arith.constant 0 : i32
      %dma_wait3A_268 = tpu.memref_slice %arg10[%dma_wait3A, %dma_wait3A_267] : memref<96x128xf32, #tpu.memory_space<vmem>> -> memref<96x128xf32, #tpu.memory_space<vmem>>
      %dma_wait3A_269 = arith.constant 0 : i32
      %dma_wait3A_270 = tpu.memref_slice %arg12[%add3A_148, %dma_wait3A_269] : memref<10112x128xf32, #tpu.memory_space<vmem_shared>> -> memref<96x128xf32, #tpu.memory_space<vmem_shared>>
      %dma_wait3A_271 = arith.constant 0 : i32
      %dma_wait3A_272 = tpu.memref_slice %arg12[%add3A_148, %dma_wait3A_271] : memref<10112x128xf32, #tpu.memory_space<vmem_shared>> -> memref<96x128xf32, #tpu.memory_space<vmem_shared>>
      %dma_wait3A_273 = arith.constant 0 : i32
      %dma_wait3A_274 = arith.constant 0 : i32
      %dma_wait3A_275 = tpu.memref_slice %arg10[%dma_wait3A_273, %dma_wait3A_274] : memref<96x128xf32, #tpu.memory_space<vmem>> -> memref<96x128xf32, #tpu.memory_space<vmem>>
      tpu.wait_dma2 semaphore(%run_scoped3A_256 : memref<!tpu.dma_semaphore, #tpu.memory_space<semaphore_mem>>) src(%dma_wait3A_275 : memref<96x128xf32, #tpu.memory_space<vmem>>) dst(%dma_wait3A_272 : memref<96x128xf32, #tpu.memory_space<vmem_shared>>)
      tpu.yield
    }) : () -> ()
    %add3A_149 = arith.constant 480 : i32
    %add3A_150 = arith.addi %mul3A_8, %add3A_149 : i32
    "tpu.region"() ({
      %run_scoped3A_256 = tpu.sem_alloc : memref<!tpu.dma_semaphore, #tpu.memory_space<semaphore_mem>>
      %dma_start3A_257 = arith.constant 0 : i32
      %dma_start3A_258 = arith.constant 0 : i32
      %dma_start3A_259 = tpu.memref_slice %arg10[%dma_start3A_257, %dma_start3A_258] : memref<96x128xf32, #tpu.memory_space<vmem>> -> memref<96x128xf32, #tpu.memory_space<vmem>>
      %dma_start3A_260 = arith.constant 0 : i32
      %dma_start3A_261 = tpu.memref_slice %arg12[%add3A_150, %dma_start3A_260] : memref<10112x128xf32, #tpu.memory_space<vmem_shared>> -> memref<96x128xf32, #tpu.memory_space<vmem_shared>>
      %dma_start3A_262 = arith.constant 0 : i32
      %dma_start3A_263 = tpu.memref_slice %arg12[%add3A_150, %dma_start3A_262] : memref<10112x128xf32, #tpu.memory_space<vmem_shared>> -> memref<96x128xf32, #tpu.memory_space<vmem_shared>>
      %dma_start3A_264 = arith.constant 0 : i32
      %dma_start3A_265 = arith.constant 0 : i32
      %dma_start3A_266 = tpu.memref_slice %arg10[%dma_start3A_264, %dma_start3A_265] : memref<96x128xf32, #tpu.memory_space<vmem>> -> memref<96x128xf32, #tpu.memory_space<vmem>>
      tpu.enqueue_dma source(%dma_start3A_266 : memref<96x128xf32, #tpu.memory_space<vmem>>) target(%dma_start3A_263 : memref<96x128xf32, #tpu.memory_space<vmem_shared>>) target_semaphore(%run_scoped3A_256 : memref<!tpu.dma_semaphore, #tpu.memory_space<semaphore_mem>>)
      %dma_wait3A = arith.constant 0 : i32
      %dma_wait3A_267 = arith.constant 0 : i32
      %dma_wait3A_268 = tpu.memref_slice %arg10[%dma_wait3A, %dma_wait3A_267] : memref<96x128xf32, #tpu.memory_space<vmem>> -> memref<96x128xf32, #tpu.memory_space<vmem>>
      %dma_wait3A_269 = arith.constant 0 : i32
      %dma_wait3A_270 = tpu.memref_slice %arg12[%add3A_150, %dma_wait3A_269] : memref<10112x128xf32, #tpu.memory_space<vmem_shared>> -> memref<96x128xf32, #tpu.memory_space<vmem_shared>>
      %dma_wait3A_271 = arith.constant 0 : i32
      %dma_wait3A_272 = tpu.memref_slice %arg12[%add3A_150, %dma_wait3A_271] : memref<10112x128xf32, #tpu.memory_space<vmem_shared>> -> memref<96x128xf32, #tpu.memory_space<vmem_shared>>
      %dma_wait3A_273 = arith.constant 0 : i32
      %dma_wait3A_274 = arith.constant 0 : i32
      %dma_wait3A_275 = tpu.memref_slice %arg10[%dma_wait3A_273, %dma_wait3A_274] : memref<96x128xf32, #tpu.memory_space<vmem>> -> memref<96x128xf32, #tpu.memory_space<vmem>>
      tpu.wait_dma2 semaphore(%run_scoped3A_256 : memref<!tpu.dma_semaphore, #tpu.memory_space<semaphore_mem>>) src(%dma_wait3A_275 : memref<96x128xf32, #tpu.memory_space<vmem>>) dst(%dma_wait3A_272 : memref<96x128xf32, #tpu.memory_space<vmem_shared>>)
      tpu.yield
    }) : () -> ()
    %add3A_151 = arith.constant 576 : i32
    %add3A_152 = arith.addi %mul3A_8, %add3A_151 : i32
    "tpu.region"() ({
      %run_scoped3A_256 = tpu.sem_alloc : memref<!tpu.dma_semaphore, #tpu.memory_space<semaphore_mem>>
      %dma_start3A_257 = arith.constant 0 : i32
      %dma_start3A_258 = arith.constant 0 : i32
      %dma_start3A_259 = tpu.memref_slice %arg10[%dma_start3A_257, %dma_start3A_258] : memref<96x128xf32, #tpu.memory_space<vmem>> -> memref<56x128xf32, #tpu.memory_space<vmem>>
      %dma_start3A_260 = arith.constant 0 : i32
      %dma_start3A_261 = tpu.memref_slice %arg12[%add3A_152, %dma_start3A_260] : memref<10112x128xf32, #tpu.memory_space<vmem_shared>> -> memref<56x128xf32, #tpu.memory_space<vmem_shared>>
      %dma_start3A_262 = arith.constant 0 : i32
      %dma_start3A_263 = tpu.memref_slice %arg12[%add3A_152, %dma_start3A_262] : memref<10112x128xf32, #tpu.memory_space<vmem_shared>> -> memref<56x128xf32, #tpu.memory_space<vmem_shared>>
      %dma_start3A_264 = arith.constant 0 : i32
      %dma_start3A_265 = arith.constant 0 : i32
      %dma_start3A_266 = tpu.memref_slice %arg10[%dma_start3A_264, %dma_start3A_265] : memref<96x128xf32, #tpu.memory_space<vmem>> -> memref<56x128xf32, #tpu.memory_space<vmem>>
      tpu.enqueue_dma source(%dma_start3A_266 : memref<56x128xf32, #tpu.memory_space<vmem>>) target(%dma_start3A_263 : memref<56x128xf32, #tpu.memory_space<vmem_shared>>) target_semaphore(%run_scoped3A_256 : memref<!tpu.dma_semaphore, #tpu.memory_space<semaphore_mem>>)
      %dma_wait3A = arith.constant 0 : i32
      %dma_wait3A_267 = arith.constant 0 : i32
      %dma_wait3A_268 = tpu.memref_slice %arg10[%dma_wait3A, %dma_wait3A_267] : memref<96x128xf32, #tpu.memory_space<vmem>> -> memref<56x128xf32, #tpu.memory_space<vmem>>
      %dma_wait3A_269 = arith.constant 0 : i32
      %dma_wait3A_270 = tpu.memref_slice %arg12[%add3A_152, %dma_wait3A_269] : memref<10112x128xf32, #tpu.memory_space<vmem_shared>> -> memref<56x128xf32, #tpu.memory_space<vmem_shared>>
      %dma_wait3A_271 = arith.constant 0 : i32
      %dma_wait3A_272 = tpu.memref_slice %arg12[%add3A_152, %dma_wait3A_271] : memref<10112x128xf32, #tpu.memory_space<vmem_shared>> -> memref<56x128xf32, #tpu.memory_space<vmem_shared>>
      %dma_wait3A_273 = arith.constant 0 : i32
      %dma_wait3A_274 = arith.constant 0 : i32
      %dma_wait3A_275 = tpu.memref_slice %arg10[%dma_wait3A_273, %dma_wait3A_274] : memref<96x128xf32, #tpu.memory_space<vmem>> -> memref<56x128xf32, #tpu.memory_space<vmem>>
      tpu.wait_dma2 semaphore(%run_scoped3A_256 : memref<!tpu.dma_semaphore, #tpu.memory_space<semaphore_mem>>) src(%dma_wait3A_275 : memref<56x128xf32, #tpu.memory_space<vmem>>) dst(%dma_wait3A_272 : memref<56x128xf32, #tpu.memory_space<vmem_shared>>)
      tpu.yield
    }) : () -> ()
    %barrier3A_153 = arith.constant 0 : index
    tpu.barrier barrier_id(%barrier3A_153)
    %add3A_154 = arith.constant 0 : i32
    %add3A_155 = arith.addi %mul3A_127, %add3A_154 : i32
    %mul3A_156 = arith.constant 96 : i32
    %mul3A_157 = arith.muli %add3A_155, %mul3A_156 : i32
    %dma_start3A_158 = tpu.memref_slice %arg7[%mul3A_157] : memref<2880xi32, #tpu.memory_space<vmem>> -> memref<96xi32, #tpu.memory_space<vmem>>
    %dma_start3A_159 = arith.constant 0 : i32
    %dma_start3A_160 = arith.constant 0 : i32
    %dma_start3A_161 = tpu.memref_slice %arg2[%dma_start3A_159, %dma_start3A_160] : memref<10000x128xf32, #tpu.memory_space<hbm>> -> memref<10000x128xf32, #tpu.memory_space<hbm>>
    tpu.enqueue_indirect_dma source(%dma_start3A_161 : memref<10000x128xf32, #tpu.memory_space<hbm>>) target(%arg10 : memref<96x128xf32, #tpu.memory_space<vmem>>) offsets(%dma_start3A_158 : memref<96xi32, #tpu.memory_space<vmem>>) semaphore(%arg13 : memref<!tpu.dma_semaphore, #tpu.memory_space<semaphore_mem>>)
    %scan3A_162 = arith.constant 0 : i32
    %scan3A_163 = arith.constant 0 : i32
    %scan3A_164 = arith.constant 15 : i32
    %scan3A_165 = arith.addi %scan3A_163, %scan3A_164 : i32
    %scan3A_166 = arith.constant 1 : i32
    scf.for %scan3A_256 = %scan3A_163 to %scan3A_165 step %scan3A_166  : i32 {
      %mul3A_257 = arith.constant 2 : i32
      %mul3A_258 = arith.muli %mul3A_257, %scan3A_256 : i32
      %add3A_259 = arith.constant 0 : i32
      %add3A_260 = arith.addi %mul3A_258, %add3A_259 : i32
      %lt3A = arith.constant 30 : i32
      %lt3A_261 = arith.cmpi slt, %add3A_260, %lt3A : i32
      %convert_element_type3A = arith.extui %lt3A_261 : i1 to i32
      %cond3A = arith.constant 0 : i32
      %cond3A_262 = arith.cmpi ne, %convert_element_type3A, %cond3A : i32
      scf.if %cond3A_262 {
        %add3A_272 = arith.constant 1 : i32
        %add3A_273 = arith.addi %add3A_260, %add3A_272 : i32
        %lt3A_274 = arith.constant 30 : i32
        %lt3A_275 = arith.cmpi slt, %add3A_273, %lt3A_274 : i32
        %convert_element_type3A_276 = arith.extui %lt3A_275 : i1 to i32
        %cond3A_277 = arith.constant 0 : i32
        %cond3A_278 = arith.cmpi ne, %convert_element_type3A_276, %cond3A_277 : i32
        scf.if %cond3A_278 {
          %add3A_307 = arith.constant 1 : i32
          %add3A_308 = arith.addi %add3A_260, %add3A_307 : i32
          %add3A_309 = arith.addi %mul3A_127, %add3A_308 : i32
          %mul3A_310 = arith.constant 96 : i32
          %mul3A_311 = arith.muli %add3A_309, %mul3A_310 : i32
          %dma_start3A_312 = tpu.memref_slice %arg7[%mul3A_311] : memref<2880xi32, #tpu.memory_space<vmem>> -> memref<96xi32, #tpu.memory_space<vmem>>
          %dma_start3A_313 = arith.constant 0 : i32
          %dma_start3A_314 = arith.constant 0 : i32
          %dma_start3A_315 = tpu.memref_slice %arg2[%dma_start3A_313, %dma_start3A_314] : memref<10000x128xf32, #tpu.memory_space<hbm>> -> memref<10000x128xf32, #tpu.memory_space<hbm>>
          tpu.enqueue_indirect_dma source(%dma_start3A_315 : memref<10000x128xf32, #tpu.memory_space<hbm>>) target(%arg11 : memref<96x128xf32, #tpu.memory_space<vmem>>) offsets(%dma_start3A_312 : memref<96xi32, #tpu.memory_space<vmem>>) semaphore(%arg14 : memref<!tpu.dma_semaphore, #tpu.memory_space<semaphore_mem>>)
        } else {
        }
        %add3A_279 = arith.addi %mul3A_127, %add3A_260 : i32
        %get3A = arith.index_cast %add3A_279 : i32 to index
        %get3A_280 = arith.constant 0 : index
        %get3A_281 = tpu.vector_load %arg8[%get3A, %get3A_280] {strides = array<i32>} : memref<30x96xi32, #tpu.memory_space<vmem>>, vector<16xi32>,
        tpu.vector_store_idx %arg9[%get3A_281], %broadcast_in_dim3A_5 {add = true} : memref<10112xf32, #tpu.memory_space<vmem>>[vector<16xi32>], vector<16xf32>,
        %add3A_282 = arith.addi %mul3A_127, %add3A_260 : i32
        %get3A_283 = arith.index_cast %add3A_282 : i32 to index
        %get3A_284 = arith.constant 16 : index
        %get3A_285 = tpu.vector_load %arg8[%get3A_283, %get3A_284] {strides = array<i32>} : memref<30x96xi32, #tpu.memory_space<vmem>>, vector<16xi32>,
        tpu.vector_store_idx %arg9[%get3A_285], %broadcast_in_dim3A_5 {add = true} : memref<10112xf32, #tpu.memory_space<vmem>>[vector<16xi32>], vector<16xf32>,
        %add3A_286 = arith.addi %mul3A_127, %add3A_260 : i32
        %get3A_287 = arith.index_cast %add3A_286 : i32 to index
        %get3A_288 = arith.constant 32 : index
        %get3A_289 = tpu.vector_load %arg8[%get3A_287, %get3A_288] {strides = array<i32>} : memref<30x96xi32, #tpu.memory_space<vmem>>, vector<16xi32>,
        tpu.vector_store_idx %arg9[%get3A_289], %broadcast_in_dim3A_5 {add = true} : memref<10112xf32, #tpu.memory_space<vmem>>[vector<16xi32>], vector<16xf32>,
        %add3A_290 = arith.addi %mul3A_127, %add3A_260 : i32
        %get3A_291 = arith.index_cast %add3A_290 : i32 to index
        %get3A_292 = arith.constant 48 : index
        %get3A_293 = tpu.vector_load %arg8[%get3A_291, %get3A_292] {strides = array<i32>} : memref<30x96xi32, #tpu.memory_space<vmem>>, vector<16xi32>,
        tpu.vector_store_idx %arg9[%get3A_293], %broadcast_in_dim3A_5 {add = true} : memref<10112xf32, #tpu.memory_space<vmem>>[vector<16xi32>], vector<16xf32>,
        %add3A_294 = arith.addi %mul3A_127, %add3A_260 : i32
        %get3A_295 = arith.index_cast %add3A_294 : i32 to index
        %get3A_296 = arith.constant 64 : index
        %get3A_297 = tpu.vector_load %arg8[%get3A_295, %get3A_296] {strides = array<i32>} : memref<30x96xi32, #tpu.memory_space<vmem>>, vector<16xi32>,
        tpu.vector_store_idx %arg9[%get3A_297], %broadcast_in_dim3A_5 {add = true} : memref<10112xf32, #tpu.memory_space<vmem>>[vector<16xi32>], vector<16xf32>,
        %add3A_298 = arith.addi %mul3A_127, %add3A_260 : i32
        %get3A_299 = arith.index_cast %add3A_298 : i32 to index
        %get3A_300 = arith.constant 80 : index
        %get3A_301 = tpu.vector_load %arg8[%get3A_299, %get3A_300] {strides = array<i32>} : memref<30x96xi32, #tpu.memory_space<vmem>>, vector<16xi32>,
        tpu.vector_store_idx %arg9[%get3A_301], %broadcast_in_dim3A_5 {add = true} : memref<10112xf32, #tpu.memory_space<vmem>>[vector<16xi32>], vector<16xf32>,
        %dma_wait3A = arith.constant 0 : i32
        %dma_wait3A_302 = tpu.memref_slice %arg7[%dma_wait3A] : memref<2880xi32, #tpu.memory_space<vmem>> -> memref<96xi32, #tpu.memory_space<vmem>>
        %dma_wait3A_303 = arith.constant 0 : i32
        %dma_wait3A_304 = arith.constant 0 : i32
        %dma_wait3A_305 = tpu.memref_slice %arg2[%dma_wait3A_303, %dma_wait3A_304] : memref<10000x128xf32, #tpu.memory_space<hbm>> -> memref<10000x128xf32, #tpu.memory_space<hbm>>
        tpu.wait_indirect_dma semaphore(%arg13 : memref<!tpu.dma_semaphore, #tpu.memory_space<semaphore_mem>>) src(%dma_wait3A_305 : memref<10000x128xf32, #tpu.memory_space<hbm>>) dst(%arg10 : memref<96x128xf32, #tpu.memory_space<vmem>>)
        %add3A_306 = arith.addi %mul3A_127, %add3A_260 : i32
        "tpu.region"() ({
          %run_scoped3A_307 = tpu.sem_alloc : memref<!tpu.dma_semaphore, #tpu.memory_space<semaphore_mem>>
          %dma_start3A_308 = arith.constant 0 : i32
          %dma_start3A_309 = tpu.memref_slice %arg8[%add3A_306, %dma_start3A_308] : memref<30x96xi32, #tpu.memory_space<vmem>> -> memref<1x96xi32, #tpu.memory_space<vmem>>
          %dma_start3A_310 = tpu.memref_squeeze %dma_start3A_309 : memref<1x96xi32, #tpu.memory_space<vmem>> -> memref<96xi32, #tpu.memory_space<vmem>>
          %dma_start3A_311 = arith.constant 0 : i32
          %dma_start3A_312 = arith.constant 0 : i32
          %dma_start3A_313 = tpu.memref_slice %arg12[%dma_start3A_311, %dma_start3A_312] : memref<10112x128xf32, #tpu.memory_space<vmem_shared>> -> memref<10112x128xf32, #tpu.memory_space<vmem_shared>>
          tpu.enqueue_indirect_dma source(%arg10 : memref<96x128xf32, #tpu.memory_space<vmem>>) target(%dma_start3A_313 : memref<10112x128xf32, #tpu.memory_space<vmem_shared>>) offsets(%dma_start3A_310 : memref<96xi32, #tpu.memory_space<vmem>>) semaphore(%run_scoped3A_307 : memref<!tpu.dma_semaphore, #tpu.memory_space<semaphore_mem>>) {add = true}
          %dma_wait3A_314 = arith.constant 0 : i32
          %dma_wait3A_315 = tpu.memref_slice %arg8[%add3A_306, %dma_wait3A_314] : memref<30x96xi32, #tpu.memory_space<vmem>> -> memref<1x96xi32, #tpu.memory_space<vmem>>
          %dma_wait3A_316 = tpu.memref_squeeze %dma_wait3A_315 : memref<1x96xi32, #tpu.memory_space<vmem>> -> memref<96xi32, #tpu.memory_space<vmem>>
          %dma_wait3A_317 = arith.constant 0 : i32
          %dma_wait3A_318 = arith.constant 0 : i32
          %dma_wait3A_319 = tpu.memref_slice %arg12[%dma_wait3A_317, %dma_wait3A_318] : memref<10112x128xf32, #tpu.memory_space<vmem_shared>> -> memref<10112x128xf32, #tpu.memory_space<vmem_shared>>
          tpu.wait_indirect_dma semaphore(%run_scoped3A_307 : memref<!tpu.dma_semaphore, #tpu.memory_space<semaphore_mem>>) src(%arg10 : memref<96x128xf32, #tpu.memory_space<vmem>>) dst(%dma_wait3A_319 : memref<10112x128xf32, #tpu.memory_space<vmem_shared>>)
          tpu.yield
        }) : () -> ()
      } else {
      }
      %mul3A_263 = arith.constant 2 : i32
      %mul3A_264 = arith.muli %mul3A_263, %scan3A_256 : i32
      %add3A_265 = arith.constant 1 : i32
      %add3A_266 = arith.addi %mul3A_264, %add3A_265 : i32
      %lt3A_267 = arith.constant 30 : i32
      %lt3A_268 = arith.cmpi slt, %add3A_266, %lt3A_267 : i32
      %convert_element_type3A_269 = arith.extui %lt3A_268 : i1 to i32
      %cond3A_270 = arith.constant 0 : i32
      %cond3A_271 = arith.cmpi ne, %convert_element_type3A_269, %cond3A_270 : i32
      scf.if %cond3A_271 {
        %add3A_272 = arith.constant 1 : i32
        %add3A_273 = arith.addi %add3A_266, %add3A_272 : i32
        %lt3A_274 = arith.constant 30 : i32
        %lt3A_275 = arith.cmpi slt, %add3A_273, %lt3A_274 : i32
        %convert_element_type3A_276 = arith.extui %lt3A_275 : i1 to i32
        %cond3A_277 = arith.constant 0 : i32
        %cond3A_278 = arith.cmpi ne, %convert_element_type3A_276, %cond3A_277 : i32
        scf.if %cond3A_278 {
          %add3A_307 = arith.constant 1 : i32
          %add3A_308 = arith.addi %add3A_266, %add3A_307 : i32
          %add3A_309 = arith.addi %mul3A_127, %add3A_308 : i32
          %mul3A_310 = arith.constant 96 : i32
          %mul3A_311 = arith.muli %add3A_309, %mul3A_310 : i32
          %dma_start3A_312 = tpu.memref_slice %arg7[%mul3A_311] : memref<2880xi32, #tpu.memory_space<vmem>> -> memref<96xi32, #tpu.memory_space<vmem>>
          %dma_start3A_313 = arith.constant 0 : i32
          %dma_start3A_314 = arith.constant 0 : i32
          %dma_start3A_315 = tpu.memref_slice %arg2[%dma_start3A_313, %dma_start3A_314] : memref<10000x128xf32, #tpu.memory_space<hbm>> -> memref<10000x128xf32, #tpu.memory_space<hbm>>
          tpu.enqueue_indirect_dma source(%dma_start3A_315 : memref<10000x128xf32, #tpu.memory_space<hbm>>) target(%arg10 : memref<96x128xf32, #tpu.memory_space<vmem>>) offsets(%dma_start3A_312 : memref<96xi32, #tpu.memory_space<vmem>>) semaphore(%arg13 : memref<!tpu.dma_semaphore, #tpu.memory_space<semaphore_mem>>)
        } else {
        }
        %add3A_279 = arith.addi %mul3A_127, %add3A_266 : i32
        %get3A = arith.index_cast %add3A_279 : i32 to index
        %get3A_280 = arith.constant 0 : index
        %get3A_281 = tpu.vector_load %arg8[%get3A, %get3A_280] {strides = array<i32>} : memref<30x96xi32, #tpu.memory_space<vmem>>, vector<16xi32>,
        tpu.vector_store_idx %arg9[%get3A_281], %broadcast_in_dim3A_5 {add = true} : memref<10112xf32, #tpu.memory_space<vmem>>[vector<16xi32>], vector<16xf32>,
        %add3A_282 = arith.addi %mul3A_127, %add3A_266 : i32
        %get3A_283 = arith.index_cast %add3A_282 : i32 to index
        %get3A_284 = arith.constant 16 : index
        %get3A_285 = tpu.vector_load %arg8[%get3A_283, %get3A_284] {strides = array<i32>} : memref<30x96xi32, #tpu.memory_space<vmem>>, vector<16xi32>,
        tpu.vector_store_idx %arg9[%get3A_285], %broadcast_in_dim3A_5 {add = true} : memref<10112xf32, #tpu.memory_space<vmem>>[vector<16xi32>], vector<16xf32>,
        %add3A_286 = arith.addi %mul3A_127, %add3A_266 : i32
        %get3A_287 = arith.index_cast %add3A_286 : i32 to index
        %get3A_288 = arith.constant 32 : index
        %get3A_289 = tpu.vector_load %arg8[%get3A_287, %get3A_288] {strides = array<i32>} : memref<30x96xi32, #tpu.memory_space<vmem>>, vector<16xi32>,
        tpu.vector_store_idx %arg9[%get3A_289], %broadcast_in_dim3A_5 {add = true} : memref<10112xf32, #tpu.memory_space<vmem>>[vector<16xi32>], vector<16xf32>,
        %add3A_290 = arith.addi %mul3A_127, %add3A_266 : i32
        %get3A_291 = arith.index_cast %add3A_290 : i32 to index
        %get3A_292 = arith.constant 48 : index
        %get3A_293 = tpu.vector_load %arg8[%get3A_291, %get3A_292] {strides = array<i32>} : memref<30x96xi32, #tpu.memory_space<vmem>>, vector<16xi32>,
        tpu.vector_store_idx %arg9[%get3A_293], %broadcast_in_dim3A_5 {add = true} : memref<10112xf32, #tpu.memory_space<vmem>>[vector<16xi32>], vector<16xf32>,
        %add3A_294 = arith.addi %mul3A_127, %add3A_266 : i32
        %get3A_295 = arith.index_cast %add3A_294 : i32 to index
        %get3A_296 = arith.constant 64 : index
        %get3A_297 = tpu.vector_load %arg8[%get3A_295, %get3A_296] {strides = array<i32>} : memref<30x96xi32, #tpu.memory_space<vmem>>, vector<16xi32>,
        tpu.vector_store_idx %arg9[%get3A_297], %broadcast_in_dim3A_5 {add = true} : memref<10112xf32, #tpu.memory_space<vmem>>[vector<16xi32>], vector<16xf32>,
        %add3A_298 = arith.addi %mul3A_127, %add3A_266 : i32
        %get3A_299 = arith.index_cast %add3A_298 : i32 to index
        %get3A_300 = arith.constant 80 : index
        %get3A_301 = tpu.vector_load %arg8[%get3A_299, %get3A_300] {strides = array<i32>} : memref<30x96xi32, #tpu.memory_space<vmem>>, vector<16xi32>,
        tpu.vector_store_idx %arg9[%get3A_301], %broadcast_in_dim3A_5 {add = true} : memref<10112xf32, #tpu.memory_space<vmem>>[vector<16xi32>], vector<16xf32>,
        %dma_wait3A = arith.constant 0 : i32
        %dma_wait3A_302 = tpu.memref_slice %arg7[%dma_wait3A] : memref<2880xi32, #tpu.memory_space<vmem>> -> memref<96xi32, #tpu.memory_space<vmem>>
        %dma_wait3A_303 = arith.constant 0 : i32
        %dma_wait3A_304 = arith.constant 0 : i32
        %dma_wait3A_305 = tpu.memref_slice %arg2[%dma_wait3A_303, %dma_wait3A_304] : memref<10000x128xf32, #tpu.memory_space<hbm>> -> memref<10000x128xf32, #tpu.memory_space<hbm>>
        tpu.wait_indirect_dma semaphore(%arg14 : memref<!tpu.dma_semaphore, #tpu.memory_space<semaphore_mem>>) src(%dma_wait3A_305 : memref<10000x128xf32, #tpu.memory_space<hbm>>) dst(%arg11 : memref<96x128xf32, #tpu.memory_space<vmem>>)
        %add3A_306 = arith.addi %mul3A_127, %add3A_266 : i32
        "tpu.region"() ({
          %run_scoped3A_307 = tpu.sem_alloc : memref<!tpu.dma_semaphore, #tpu.memory_space<semaphore_mem>>
          %dma_start3A_308 = arith.constant 0 : i32
          %dma_start3A_309 = tpu.memref_slice %arg8[%add3A_306, %dma_start3A_308] : memref<30x96xi32, #tpu.memory_space<vmem>> -> memref<1x96xi32, #tpu.memory_space<vmem>>
          %dma_start3A_310 = tpu.memref_squeeze %dma_start3A_309 : memref<1x96xi32, #tpu.memory_space<vmem>> -> memref<96xi32, #tpu.memory_space<vmem>>
          %dma_start3A_311 = arith.constant 0 : i32
          %dma_start3A_312 = arith.constant 0 : i32
          %dma_start3A_313 = tpu.memref_slice %arg12[%dma_start3A_311, %dma_start3A_312] : memref<10112x128xf32, #tpu.memory_space<vmem_shared>> -> memref<10112x128xf32, #tpu.memory_space<vmem_shared>>
          tpu.enqueue_indirect_dma source(%arg11 : memref<96x128xf32, #tpu.memory_space<vmem>>) target(%dma_start3A_313 : memref<10112x128xf32, #tpu.memory_space<vmem_shared>>) offsets(%dma_start3A_310 : memref<96xi32, #tpu.memory_space<vmem>>) semaphore(%run_scoped3A_307 : memref<!tpu.dma_semaphore, #tpu.memory_space<semaphore_mem>>) {add = true}
          %dma_wait3A_314 = arith.constant 0 : i32
          %dma_wait3A_315 = tpu.memref_slice %arg8[%add3A_306, %dma_wait3A_314] : memref<30x96xi32, #tpu.memory_space<vmem>> -> memref<1x96xi32, #tpu.memory_space<vmem>>
          %dma_wait3A_316 = tpu.memref_squeeze %dma_wait3A_315 : memref<1x96xi32, #tpu.memory_space<vmem>> -> memref<96xi32, #tpu.memory_space<vmem>>
          %dma_wait3A_317 = arith.constant 0 : i32
          %dma_wait3A_318 = arith.constant 0 : i32
          %dma_wait3A_319 = tpu.memref_slice %arg12[%dma_wait3A_317, %dma_wait3A_318] : memref<10112x128xf32, #tpu.memory_space<vmem_shared>> -> memref<10112x128xf32, #tpu.memory_space<vmem_shared>>
          tpu.wait_indirect_dma semaphore(%run_scoped3A_307 : memref<!tpu.dma_semaphore, #tpu.memory_space<semaphore_mem>>) src(%arg11 : memref<96x128xf32, #tpu.memory_space<vmem>>) dst(%dma_wait3A_319 : memref<10112x128xf32, #tpu.memory_space<vmem_shared>>)
          tpu.yield
        }) : () -> ()
      } else {
      }
    }
    %scan3A_167 = arith.constant 15 : i32
    %barrier3A_168 = arith.constant 0 : index
    tpu.barrier barrier_id(%barrier3A_168)
    %mul3A_169 = arith.constant 16 : i32
    %mul3A_170 = arith.muli %add3A_125, %mul3A_169 : i32
    %add3A_171 = arith.addi %mul3A_170, %arg1 : i32
    %mul3A_172 = arith.constant 10112 : i32
    %mul3A_173 = arith.muli %add3A_171, %mul3A_172 : i32
    "tpu.region"() ({
      %run_scoped3A_256 = tpu.sem_alloc : memref<!tpu.dma_semaphore, #tpu.memory_space<semaphore_mem>>
      %dma_start3A_257 = tpu.memref_slice %arg6[%mul3A_173] : memref<1294336xf32, #tpu.memory_space<hbm>> -> memref<10112xf32, #tpu.memory_space<hbm>>
      %dma_start3A_258 = tpu.memref_slice %arg6[%mul3A_173] : memref<1294336xf32, #tpu.memory_space<hbm>> -> memref<10112xf32, #tpu.memory_space<hbm>>
      tpu.enqueue_dma source(%arg9 : memref<10112xf32, #tpu.memory_space<vmem>>) target(%dma_start3A_258 : memref<10112xf32, #tpu.memory_space<hbm>>) target_semaphore(%run_scoped3A_256 : memref<!tpu.dma_semaphore, #tpu.memory_space<semaphore_mem>>)
      %dma_wait3A = tpu.memref_slice %arg6[%mul3A_173] : memref<1294336xf32, #tpu.memory_space<hbm>> -> memref<10112xf32, #tpu.memory_space<hbm>>
      %dma_wait3A_259 = tpu.memref_slice %arg6[%mul3A_173] : memref<1294336xf32, #tpu.memory_space<hbm>> -> memref<10112xf32, #tpu.memory_space<hbm>>
      tpu.wait_dma2 semaphore(%run_scoped3A_256 : memref<!tpu.dma_semaphore, #tpu.memory_space<semaphore_mem>>) src(%arg9 : memref<10112xf32, #tpu.memory_space<vmem>>) dst(%dma_wait3A_259 : memref<10112xf32, #tpu.memory_space<hbm>>)
      tpu.yield
    }) : () -> ()
    %scan3A_174 = arith.constant 0 : i32
    %scan3A_175 = arith.constant 0 : i32
    %scan3A_176 = arith.constant 632 : i32
    %scan3A_177 = arith.addi %scan3A_175, %scan3A_176 : i32
    %scan3A_178 = arith.constant 1 : i32
    scf.for %scan3A_256 = %scan3A_175 to %scan3A_177 step %scan3A_178  : i32 {
      %broadcast_in_dim3A_257 = arith.constant 0.000000e+00 : f32
      %broadcast_in_dim3A_258 = vector.broadcast %broadcast_in_dim3A_257 : f32 to vector<16xf32>
      %mul3A_259 = arith.constant 16 : i32
      %mul3A_260 = arith.muli %scan3A_256, %mul3A_259 : i32
      %swap3A = arith.index_cast %mul3A_260 : i32 to index
      %swap3A_261 = tpu.vector_load %arg9[%swap3A] {strides = array<i32>} : memref<10112xf32, #tpu.memory_space<vmem>>, vector<16xf32>,
      tpu.vector_store %arg9[%swap3A], %broadcast_in_dim3A_258 {strides = array<i32>} : memref<10112xf32, #tpu.memory_space<vmem>>, vector<16xf32>,
    }
    %scan3A_179 = arith.constant 632 : i32
    "tpu.region"() ({
      %run_scoped3A_256 = tpu.sem_alloc : memref<!tpu.dma_semaphore, #tpu.memory_space<semaphore_mem>>
      %dma_start3A_257 = arith.constant 0 : i32
      %dma_start3A_258 = tpu.memref_slice %arg5[%add3A_125, %mul3A_8, %dma_start3A_257] : memref<8x10112x128xf32, #tpu.memory_space<hbm>> -> memref<1x632x128xf32, #tpu.memory_space<hbm>>
      %dma_start3A_259 = tpu.memref_squeeze %dma_start3A_258 : memref<1x632x128xf32, #tpu.memory_space<hbm>> -> memref<632x128xf32, #tpu.memory_space<hbm>>
      %dma_start3A_260 = arith.constant 0 : i32
      %dma_start3A_261 = tpu.memref_slice %arg12[%mul3A_8, %dma_start3A_260] : memref<10112x128xf32, #tpu.memory_space<vmem_shared>> -> memref<632x128xf32, #tpu.memory_space<vmem_shared>>
      tpu.enqueue_dma source(%dma_start3A_261 : memref<632x128xf32, #tpu.memory_space<vmem_shared>>) target(%dma_start3A_259 : memref<632x128xf32, #tpu.memory_space<hbm>>) target_semaphore(%run_scoped3A_256 : memref<!tpu.dma_semaphore, #tpu.memory_space<semaphore_mem>>)
      %dma_wait3A = arith.constant 0 : i32
      %dma_wait3A_262 = tpu.memref_slice %arg5[%add3A_125, %mul3A_8, %dma_wait3A] : memref<8x10112x128xf32, #tpu.memory_space<hbm>> -> memref<1x632x128xf32, #tpu.memory_space<hbm>>
      %dma_wait3A_263 = tpu.memref_squeeze %dma_wait3A_262 : memref<1x632x128xf32, #tpu.memory_space<hbm>> -> memref<632x128xf32, #tpu.memory_space<hbm>>
      %dma_wait3A_264 = arith.constant 0 : i32
      %dma_wait3A_265 = tpu.memref_slice %arg12[%mul3A_8, %dma_wait3A_264] : memref<10112x128xf32, #tpu.memory_space<vmem_shared>> -> memref<632x128xf32, #tpu.memory_space<vmem_shared>>
      tpu.wait_dma2 semaphore(%run_scoped3A_256 : memref<!tpu.dma_semaphore, #tpu.memory_space<semaphore_mem>>) src(%dma_wait3A_265 : memref<632x128xf32, #tpu.memory_space<vmem_shared>>) dst(%dma_wait3A_263 : memref<632x128xf32, #tpu.memory_space<hbm>>)
      tpu.yield
    }) : () -> ()
    %add3A_180 = arith.constant 6 : i32
    %add3A_181 = arith.addi %add3A_180, %arg0 : i32
    %mul3A_182 = arith.constant 15 : i32
    %mul3A_183 = arith.muli %arg0, %mul3A_182 : i32
    %eq3A = arith.constant 0 : i32
    %eq3A_184 = arith.cmpi eq, %arg0, %eq3A : i32
    %jit3A = arith.constant 15 : i32
    %jit3A_185 = arith.constant 15 : i32
    %select_n3A = arith.select %eq3A_184, %jit3A, %jit3A_185 : i32
    %mul3A_186 = arith.constant 6 : i32
    %mul3A_187 = arith.constant 2 : i32
    %mul3A_188 = arith.muli %mul3A_186, %mul3A_187 : i32
    %mul3A_189 = arith.constant 46080 : i32
    %mul3A_190 = arith.muli %mul3A_188, %mul3A_189 : i32
    %add3A_191 = arith.addi %mul3A_190, %mul3A_6 : i32
    "tpu.region"() ({
      %run_scoped3A_256 = tpu.sem_alloc : memref<!tpu.dma_semaphore, #tpu.memory_space<semaphore_mem>>
      %dma_start3A_257 = tpu.memref_slice %arg3[%add3A_191] : memref<645120xi32, #tpu.memory_space<hbm>> -> memref<2880xi32, #tpu.memory_space<hbm>>
      %dma_start3A_258 = tpu.memref_slice %arg3[%add3A_191] : memref<645120xi32, #tpu.memory_space<hbm>> -> memref<2880xi32, #tpu.memory_space<hbm>>
      tpu.enqueue_dma source(%dma_start3A_258 : memref<2880xi32, #tpu.memory_space<hbm>>) target(%arg7 : memref<2880xi32, #tpu.memory_space<vmem>>) target_semaphore(%run_scoped3A_256 : memref<!tpu.dma_semaphore, #tpu.memory_space<semaphore_mem>>)
      %dma_wait3A = tpu.memref_slice %arg3[%add3A_191] : memref<645120xi32, #tpu.memory_space<hbm>> -> memref<2880xi32, #tpu.memory_space<hbm>>
      %dma_wait3A_259 = tpu.memref_slice %arg3[%add3A_191] : memref<645120xi32, #tpu.memory_space<hbm>> -> memref<2880xi32, #tpu.memory_space<hbm>>
      tpu.wait_dma2 semaphore(%run_scoped3A_256 : memref<!tpu.dma_semaphore, #tpu.memory_space<semaphore_mem>>) src(%dma_wait3A_259 : memref<2880xi32, #tpu.memory_space<hbm>>) dst(%arg7 : memref<2880xi32, #tpu.memory_space<vmem>>)
      tpu.yield
    }) : () -> ()
    %run_scoped3A = arith.constant 6 : i32
    "tpu.region"() ({
      %run_scoped3A_256 = tpu.sem_alloc : memref<!tpu.dma_semaphore, #tpu.memory_space<semaphore_mem>>
      %dma_start3A_257 = arith.constant 0 : i32
      %dma_start3A_258 = arith.constant 0 : i32
      %dma_start3A_259 = tpu.memref_slice %arg4[%run_scoped3A, %arg1, %dma_start3A_257, %dma_start3A_258] : memref<7x16x30x96xi32, #tpu.memory_space<hbm>> -> memref<1x1x30x96xi32, #tpu.memory_space<hbm>>
      %dma_start3A_260 = tpu.memref_squeeze %dma_start3A_259 : memref<1x1x30x96xi32, #tpu.memory_space<hbm>> -> memref<30x96xi32, #tpu.memory_space<hbm>>
      %dma_start3A_261 = arith.constant 0 : i32
      %dma_start3A_262 = arith.constant 0 : i32
      %dma_start3A_263 = tpu.memref_slice %arg4[%run_scoped3A, %arg1, %dma_start3A_261, %dma_start3A_262] : memref<7x16x30x96xi32, #tpu.memory_space<hbm>> -> memref<1x1x30x96xi32, #tpu.memory_space<hbm>>
      %dma_start3A_264 = tpu.memref_squeeze %dma_start3A_263 : memref<1x1x30x96xi32, #tpu.memory_space<hbm>> -> memref<30x96xi32, #tpu.memory_space<hbm>>
      tpu.enqueue_dma source(%dma_start3A_264 : memref<30x96xi32, #tpu.memory_space<hbm>>) target(%arg8 : memref<30x96xi32, #tpu.memory_space<vmem>>) target_semaphore(%run_scoped3A_256 : memref<!tpu.dma_semaphore, #tpu.memory_space<semaphore_mem>>)
      %dma_wait3A = arith.constant 0 : i32
      %dma_wait3A_265 = arith.constant 0 : i32
      %dma_wait3A_266 = tpu.memref_slice %arg4[%run_scoped3A, %arg1, %dma_wait3A, %dma_wait3A_265] : memref<7x16x30x96xi32, #tpu.memory_space<hbm>> -> memref<1x1x30x96xi32, #tpu.memory_space<hbm>>
      %dma_wait3A_267 = tpu.memref_squeeze %dma_wait3A_266 : memref<1x1x30x96xi32, #tpu.memory_space<hbm>> -> memref<30x96xi32, #tpu.memory_space<hbm>>
      %dma_wait3A_268 = arith.constant 0 : i32
      %dma_wait3A_269 = arith.constant 0 : i32
      %dma_wait3A_270 = tpu.memref_slice %arg4[%run_scoped3A, %arg1, %dma_wait3A_268, %dma_wait3A_269] : memref<7x16x30x96xi32, #tpu.memory_space<hbm>> -> memref<1x1x30x96xi32, #tpu.memory_space<hbm>>
      %dma_wait3A_271 = tpu.memref_squeeze %dma_wait3A_270 : memref<1x1x30x96xi32, #tpu.memory_space<hbm>> -> memref<30x96xi32, #tpu.memory_space<hbm>>
      tpu.wait_dma2 semaphore(%run_scoped3A_256 : memref<!tpu.dma_semaphore, #tpu.memory_space<semaphore_mem>>) src(%dma_wait3A_271 : memref<30x96xi32, #tpu.memory_space<hbm>>) dst(%arg8 : memref<30x96xi32, #tpu.memory_space<vmem>>)
      tpu.yield
    }) : () -> ()
    %scan3A_192 = arith.constant 0 : i32
    %scan3A_193 = arith.constant 0 : i32
    %scan3A_194 = arith.constant 96 : i32
    %scan3A_195 = arith.addi %scan3A_193, %scan3A_194 : i32
    %scan3A_196 = arith.constant 1 : i32
    scf.for %scan3A_256 = %scan3A_193 to %scan3A_195 step %scan3A_196  : i32 {
      %broadcast_in_dim3A_257 = arith.constant 0.000000e+00 : f32
      %broadcast_in_dim3A_258 = vector.broadcast %broadcast_in_dim3A_257 : f32 to vector<16xf32>
      %swap3A = arith.index_cast %scan3A_256 : i32 to index
      %swap3A_259 = arith.constant 0 : index
      %swap3A_260 = tpu.vector_load %arg10[%swap3A, %swap3A_259] {strides = array<i32>} : memref<96x128xf32, #tpu.memory_space<vmem>>, vector<16xf32>,
      tpu.vector_store %arg10[%swap3A, %swap3A_259], %broadcast_in_dim3A_258 {strides = array<i32>} : memref<96x128xf32, #tpu.memory_space<vmem>>, vector<16xf32>,
      %swap3A_261 = arith.index_cast %scan3A_256 : i32 to index
      %swap3A_262 = arith.constant 16 : index
      %swap3A_263 = tpu.vector_load %arg10[%swap3A_261, %swap3A_262] {strides = array<i32>} : memref<96x128xf32, #tpu.memory_space<vmem>>, vector<16xf32>,
      tpu.vector_store %arg10[%swap3A_261, %swap3A_262], %broadcast_in_dim3A_258 {strides = array<i32>} : memref<96x128xf32, #tpu.memory_space<vmem>>, vector<16xf32>,
      %swap3A_264 = arith.index_cast %scan3A_256 : i32 to index
      %swap3A_265 = arith.constant 32 : index
      %swap3A_266 = tpu.vector_load %arg10[%swap3A_264, %swap3A_265] {strides = array<i32>} : memref<96x128xf32, #tpu.memory_space<vmem>>, vector<16xf32>,
      tpu.vector_store %arg10[%swap3A_264, %swap3A_265], %broadcast_in_dim3A_258 {strides = array<i32>} : memref<96x128xf32, #tpu.memory_space<vmem>>, vector<16xf32>,
      %swap3A_267 = arith.index_cast %scan3A_256 : i32 to index
      %swap3A_268 = arith.constant 48 : index
      %swap3A_269 = tpu.vector_load %arg10[%swap3A_267, %swap3A_268] {strides = array<i32>} : memref<96x128xf32, #tpu.memory_space<vmem>>, vector<16xf32>,
      tpu.vector_store %arg10[%swap3A_267, %swap3A_268], %broadcast_in_dim3A_258 {strides = array<i32>} : memref<96x128xf32, #tpu.memory_space<vmem>>, vector<16xf32>,
      %swap3A_270 = arith.index_cast %scan3A_256 : i32 to index
      %swap3A_271 = arith.constant 64 : index
      %swap3A_272 = tpu.vector_load %arg10[%swap3A_270, %swap3A_271] {strides = array<i32>} : memref<96x128xf32, #tpu.memory_space<vmem>>, vector<16xf32>,
      tpu.vector_store %arg10[%swap3A_270, %swap3A_271], %broadcast_in_dim3A_258 {strides = array<i32>} : memref<96x128xf32, #tpu.memory_space<vmem>>, vector<16xf32>,
      %swap3A_273 = arith.index_cast %scan3A_256 : i32 to index
      %swap3A_274 = arith.constant 80 : index
      %swap3A_275 = tpu.vector_load %arg10[%swap3A_273, %swap3A_274] {strides = array<i32>} : memref<96x128xf32, #tpu.memory_space<vmem>>, vector<16xf32>,
      tpu.vector_store %arg10[%swap3A_273, %swap3A_274], %broadcast_in_dim3A_258 {strides = array<i32>} : memref<96x128xf32, #tpu.memory_space<vmem>>, vector<16xf32>,
      %swap3A_276 = arith.index_cast %scan3A_256 : i32 to index
      %swap3A_277 = arith.constant 96 : index
      %swap3A_278 = tpu.vector_load %arg10[%swap3A_276, %swap3A_277] {strides = array<i32>} : memref<96x128xf32, #tpu.memory_space<vmem>>, vector<16xf32>,
      tpu.vector_store %arg10[%swap3A_276, %swap3A_277], %broadcast_in_dim3A_258 {strides = array<i32>} : memref<96x128xf32, #tpu.memory_space<vmem>>, vector<16xf32>,
      %swap3A_279 = arith.index_cast %scan3A_256 : i32 to index
      %swap3A_280 = arith.constant 112 : index
      %swap3A_281 = tpu.vector_load %arg10[%swap3A_279, %swap3A_280] {strides = array<i32>} : memref<96x128xf32, #tpu.memory_space<vmem>>, vector<16xf32>,
      tpu.vector_store %arg10[%swap3A_279, %swap3A_280], %broadcast_in_dim3A_258 {strides = array<i32>} : memref<96x128xf32, #tpu.memory_space<vmem>>, vector<16xf32>,
    }
    %scan3A_197 = arith.constant 96 : i32
    %add3A_198 = arith.constant 0 : i32
    %add3A_199 = arith.addi %mul3A_8, %add3A_198 : i32
    "tpu.region"() ({
      %run_scoped3A_256 = tpu.sem_alloc : memref<!tpu.dma_semaphore, #tpu.memory_space<semaphore_mem>>
      %dma_start3A_257 = arith.constant 0 : i32
      %dma_start3A_258 = arith.constant 0 : i32
      %dma_start3A_259 = tpu.memref_slice %arg10[%dma_start3A_257, %dma_start3A_258] : memref<96x128xf32, #tpu.memory_space<vmem>> -> memref<96x128xf32, #tpu.memory_space<vmem>>
      %dma_start3A_260 = arith.constant 0 : i32
      %dma_start3A_261 = tpu.memref_slice %arg12[%add3A_199, %dma_start3A_260] : memref<10112x128xf32, #tpu.memory_space<vmem_shared>> -> memref<96x128xf32, #tpu.memory_space<vmem_shared>>
      %dma_start3A_262 = arith.constant 0 : i32
      %dma_start3A_263 = tpu.memref_slice %arg12[%add3A_199, %dma_start3A_262] : memref<10112x128xf32, #tpu.memory_space<vmem_shared>> -> memref<96x128xf32, #tpu.memory_space<vmem_shared>>
      %dma_start3A_264 = arith.constant 0 : i32
      %dma_start3A_265 = arith.constant 0 : i32
      %dma_start3A_266 = tpu.memref_slice %arg10[%dma_start3A_264, %dma_start3A_265] : memref<96x128xf32, #tpu.memory_space<vmem>> -> memref<96x128xf32, #tpu.memory_space<vmem>>
      tpu.enqueue_dma source(%dma_start3A_266 : memref<96x128xf32, #tpu.memory_space<vmem>>) target(%dma_start3A_263 : memref<96x128xf32, #tpu.memory_space<vmem_shared>>) target_semaphore(%run_scoped3A_256 : memref<!tpu.dma_semaphore, #tpu.memory_space<semaphore_mem>>)
      %dma_wait3A = arith.constant 0 : i32
      %dma_wait3A_267 = arith.constant 0 : i32
      %dma_wait3A_268 = tpu.memref_slice %arg10[%dma_wait3A, %dma_wait3A_267] : memref<96x128xf32, #tpu.memory_space<vmem>> -> memref<96x128xf32, #tpu.memory_space<vmem>>
      %dma_wait3A_269 = arith.constant 0 : i32
      %dma_wait3A_270 = tpu.memref_slice %arg12[%add3A_199, %dma_wait3A_269] : memref<10112x128xf32, #tpu.memory_space<vmem_shared>> -> memref<96x128xf32, #tpu.memory_space<vmem_shared>>
      %dma_wait3A_271 = arith.constant 0 : i32
      %dma_wait3A_272 = tpu.memref_slice %arg12[%add3A_199, %dma_wait3A_271] : memref<10112x128xf32, #tpu.memory_space<vmem_shared>> -> memref<96x128xf32, #tpu.memory_space<vmem_shared>>
      %dma_wait3A_273 = arith.constant 0 : i32
      %dma_wait3A_274 = arith.constant 0 : i32
      %dma_wait3A_275 = tpu.memref_slice %arg10[%dma_wait3A_273, %dma_wait3A_274] : memref<96x128xf32, #tpu.memory_space<vmem>> -> memref<96x128xf32, #tpu.memory_space<vmem>>
      tpu.wait_dma2 semaphore(%run_scoped3A_256 : memref<!tpu.dma_semaphore, #tpu.memory_space<semaphore_mem>>) src(%dma_wait3A_275 : memref<96x128xf32, #tpu.memory_space<vmem>>) dst(%dma_wait3A_272 : memref<96x128xf32, #tpu.memory_space<vmem_shared>>)
      tpu.yield
    }) : () -> ()
    %add3A_200 = arith.constant 96 : i32
    %add3A_201 = arith.addi %mul3A_8, %add3A_200 : i32
    "tpu.region"() ({
      %run_scoped3A_256 = tpu.sem_alloc : memref<!tpu.dma_semaphore, #tpu.memory_space<semaphore_mem>>
      %dma_start3A_257 = arith.constant 0 : i32
      %dma_start3A_258 = arith.constant 0 : i32
      %dma_start3A_259 = tpu.memref_slice %arg10[%dma_start3A_257, %dma_start3A_258] : memref<96x128xf32, #tpu.memory_space<vmem>> -> memref<96x128xf32, #tpu.memory_space<vmem>>
      %dma_start3A_260 = arith.constant 0 : i32
      %dma_start3A_261 = tpu.memref_slice %arg12[%add3A_201, %dma_start3A_260] : memref<10112x128xf32, #tpu.memory_space<vmem_shared>> -> memref<96x128xf32, #tpu.memory_space<vmem_shared>>
      %dma_start3A_262 = arith.constant 0 : i32
      %dma_start3A_263 = tpu.memref_slice %arg12[%add3A_201, %dma_start3A_262] : memref<10112x128xf32, #tpu.memory_space<vmem_shared>> -> memref<96x128xf32, #tpu.memory_space<vmem_shared>>
      %dma_start3A_264 = arith.constant 0 : i32
      %dma_start3A_265 = arith.constant 0 : i32
      %dma_start3A_266 = tpu.memref_slice %arg10[%dma_start3A_264, %dma_start3A_265] : memref<96x128xf32, #tpu.memory_space<vmem>> -> memref<96x128xf32, #tpu.memory_space<vmem>>
      tpu.enqueue_dma source(%dma_start3A_266 : memref<96x128xf32, #tpu.memory_space<vmem>>) target(%dma_start3A_263 : memref<96x128xf32, #tpu.memory_space<vmem_shared>>) target_semaphore(%run_scoped3A_256 : memref<!tpu.dma_semaphore, #tpu.memory_space<semaphore_mem>>)
      %dma_wait3A = arith.constant 0 : i32
      %dma_wait3A_267 = arith.constant 0 : i32
      %dma_wait3A_268 = tpu.memref_slice %arg10[%dma_wait3A, %dma_wait3A_267] : memref<96x128xf32, #tpu.memory_space<vmem>> -> memref<96x128xf32, #tpu.memory_space<vmem>>
      %dma_wait3A_269 = arith.constant 0 : i32
      %dma_wait3A_270 = tpu.memref_slice %arg12[%add3A_201, %dma_wait3A_269] : memref<10112x128xf32, #tpu.memory_space<vmem_shared>> -> memref<96x128xf32, #tpu.memory_space<vmem_shared>>
      %dma_wait3A_271 = arith.constant 0 : i32
      %dma_wait3A_272 = tpu.memref_slice %arg12[%add3A_201, %dma_wait3A_271] : memref<10112x128xf32, #tpu.memory_space<vmem_shared>> -> memref<96x128xf32, #tpu.memory_space<vmem_shared>>
      %dma_wait3A_273 = arith.constant 0 : i32
      %dma_wait3A_274 = arith.constant 0 : i32
      %dma_wait3A_275 = tpu.memref_slice %arg10[%dma_wait3A_273, %dma_wait3A_274] : memref<96x128xf32, #tpu.memory_space<vmem>> -> memref<96x128xf32, #tpu.memory_space<vmem>>
      tpu.wait_dma2 semaphore(%run_scoped3A_256 : memref<!tpu.dma_semaphore, #tpu.memory_space<semaphore_mem>>) src(%dma_wait3A_275 : memref<96x128xf32, #tpu.memory_space<vmem>>) dst(%dma_wait3A_272 : memref<96x128xf32, #tpu.memory_space<vmem_shared>>)
      tpu.yield
    }) : () -> ()
    %add3A_202 = arith.constant 192 : i32
    %add3A_203 = arith.addi %mul3A_8, %add3A_202 : i32
    "tpu.region"() ({
      %run_scoped3A_256 = tpu.sem_alloc : memref<!tpu.dma_semaphore, #tpu.memory_space<semaphore_mem>>
      %dma_start3A_257 = arith.constant 0 : i32
      %dma_start3A_258 = arith.constant 0 : i32
      %dma_start3A_259 = tpu.memref_slice %arg10[%dma_start3A_257, %dma_start3A_258] : memref<96x128xf32, #tpu.memory_space<vmem>> -> memref<96x128xf32, #tpu.memory_space<vmem>>
      %dma_start3A_260 = arith.constant 0 : i32
      %dma_start3A_261 = tpu.memref_slice %arg12[%add3A_203, %dma_start3A_260] : memref<10112x128xf32, #tpu.memory_space<vmem_shared>> -> memref<96x128xf32, #tpu.memory_space<vmem_shared>>
      %dma_start3A_262 = arith.constant 0 : i32
      %dma_start3A_263 = tpu.memref_slice %arg12[%add3A_203, %dma_start3A_262] : memref<10112x128xf32, #tpu.memory_space<vmem_shared>> -> memref<96x128xf32, #tpu.memory_space<vmem_shared>>
      %dma_start3A_264 = arith.constant 0 : i32
      %dma_start3A_265 = arith.constant 0 : i32
      %dma_start3A_266 = tpu.memref_slice %arg10[%dma_start3A_264, %dma_start3A_265] : memref<96x128xf32, #tpu.memory_space<vmem>> -> memref<96x128xf32, #tpu.memory_space<vmem>>
      tpu.enqueue_dma source(%dma_start3A_266 : memref<96x128xf32, #tpu.memory_space<vmem>>) target(%dma_start3A_263 : memref<96x128xf32, #tpu.memory_space<vmem_shared>>) target_semaphore(%run_scoped3A_256 : memref<!tpu.dma_semaphore, #tpu.memory_space<semaphore_mem>>)
      %dma_wait3A = arith.constant 0 : i32
      %dma_wait3A_267 = arith.constant 0 : i32
      %dma_wait3A_268 = tpu.memref_slice %arg10[%dma_wait3A, %dma_wait3A_267] : memref<96x128xf32, #tpu.memory_space<vmem>> -> memref<96x128xf32, #tpu.memory_space<vmem>>
      %dma_wait3A_269 = arith.constant 0 : i32
      %dma_wait3A_270 = tpu.memref_slice %arg12[%add3A_203, %dma_wait3A_269] : memref<10112x128xf32, #tpu.memory_space<vmem_shared>> -> memref<96x128xf32, #tpu.memory_space<vmem_shared>>
      %dma_wait3A_271 = arith.constant 0 : i32
      %dma_wait3A_272 = tpu.memref_slice %arg12[%add3A_203, %dma_wait3A_271] : memref<10112x128xf32, #tpu.memory_space<vmem_shared>> -> memref<96x128xf32, #tpu.memory_space<vmem_shared>>
      %dma_wait3A_273 = arith.constant 0 : i32
      %dma_wait3A_274 = arith.constant 0 : i32
      %dma_wait3A_275 = tpu.memref_slice %arg10[%dma_wait3A_273, %dma_wait3A_274] : memref<96x128xf32, #tpu.memory_space<vmem>> -> memref<96x128xf32, #tpu.memory_space<vmem>>
      tpu.wait_dma2 semaphore(%run_scoped3A_256 : memref<!tpu.dma_semaphore, #tpu.memory_space<semaphore_mem>>) src(%dma_wait3A_275 : memref<96x128xf32, #tpu.memory_space<vmem>>) dst(%dma_wait3A_272 : memref<96x128xf32, #tpu.memory_space<vmem_shared>>)
      tpu.yield
    }) : () -> ()
    %add3A_204 = arith.constant 288 : i32
    %add3A_205 = arith.addi %mul3A_8, %add3A_204 : i32
    "tpu.region"() ({
      %run_scoped3A_256 = tpu.sem_alloc : memref<!tpu.dma_semaphore, #tpu.memory_space<semaphore_mem>>
      %dma_start3A_257 = arith.constant 0 : i32
      %dma_start3A_258 = arith.constant 0 : i32
      %dma_start3A_259 = tpu.memref_slice %arg10[%dma_start3A_257, %dma_start3A_258] : memref<96x128xf32, #tpu.memory_space<vmem>> -> memref<96x128xf32, #tpu.memory_space<vmem>>
      %dma_start3A_260 = arith.constant 0 : i32
      %dma_start3A_261 = tpu.memref_slice %arg12[%add3A_205, %dma_start3A_260] : memref<10112x128xf32, #tpu.memory_space<vmem_shared>> -> memref<96x128xf32, #tpu.memory_space<vmem_shared>>
      %dma_start3A_262 = arith.constant 0 : i32
      %dma_start3A_263 = tpu.memref_slice %arg12[%add3A_205, %dma_start3A_262] : memref<10112x128xf32, #tpu.memory_space<vmem_shared>> -> memref<96x128xf32, #tpu.memory_space<vmem_shared>>
      %dma_start3A_264 = arith.constant 0 : i32
      %dma_start3A_265 = arith.constant 0 : i32
      %dma_start3A_266 = tpu.memref_slice %arg10[%dma_start3A_264, %dma_start3A_265] : memref<96x128xf32, #tpu.memory_space<vmem>> -> memref<96x128xf32, #tpu.memory_space<vmem>>
      tpu.enqueue_dma source(%dma_start3A_266 : memref<96x128xf32, #tpu.memory_space<vmem>>) target(%dma_start3A_263 : memref<96x128xf32, #tpu.memory_space<vmem_shared>>) target_semaphore(%run_scoped3A_256 : memref<!tpu.dma_semaphore, #tpu.memory_space<semaphore_mem>>)
      %dma_wait3A = arith.constant 0 : i32
      %dma_wait3A_267 = arith.constant 0 : i32
      %dma_wait3A_268 = tpu.memref_slice %arg10[%dma_wait3A, %dma_wait3A_267] : memref<96x128xf32, #tpu.memory_space<vmem>> -> memref<96x128xf32, #tpu.memory_space<vmem>>
      %dma_wait3A_269 = arith.constant 0 : i32
      %dma_wait3A_270 = tpu.memref_slice %arg12[%add3A_205, %dma_wait3A_269] : memref<10112x128xf32, #tpu.memory_space<vmem_shared>> -> memref<96x128xf32, #tpu.memory_space<vmem_shared>>
      %dma_wait3A_271 = arith.constant 0 : i32
      %dma_wait3A_272 = tpu.memref_slice %arg12[%add3A_205, %dma_wait3A_271] : memref<10112x128xf32, #tpu.memory_space<vmem_shared>> -> memref<96x128xf32, #tpu.memory_space<vmem_shared>>
      %dma_wait3A_273 = arith.constant 0 : i32
      %dma_wait3A_274 = arith.constant 0 : i32
      %dma_wait3A_275 = tpu.memref_slice %arg10[%dma_wait3A_273, %dma_wait3A_274] : memref<96x128xf32, #tpu.memory_space<vmem>> -> memref<96x128xf32, #tpu.memory_space<vmem>>
      tpu.wait_dma2 semaphore(%run_scoped3A_256 : memref<!tpu.dma_semaphore, #tpu.memory_space<semaphore_mem>>) src(%dma_wait3A_275 : memref<96x128xf32, #tpu.memory_space<vmem>>) dst(%dma_wait3A_272 : memref<96x128xf32, #tpu.memory_space<vmem_shared>>)
      tpu.yield
    }) : () -> ()
    %add3A_206 = arith.constant 384 : i32
    %add3A_207 = arith.addi %mul3A_8, %add3A_206 : i32
    "tpu.region"() ({
      %run_scoped3A_256 = tpu.sem_alloc : memref<!tpu.dma_semaphore, #tpu.memory_space<semaphore_mem>>
      %dma_start3A_257 = arith.constant 0 : i32
      %dma_start3A_258 = arith.constant 0 : i32
      %dma_start3A_259 = tpu.memref_slice %arg10[%dma_start3A_257, %dma_start3A_258] : memref<96x128xf32, #tpu.memory_space<vmem>> -> memref<96x128xf32, #tpu.memory_space<vmem>>
      %dma_start3A_260 = arith.constant 0 : i32
      %dma_start3A_261 = tpu.memref_slice %arg12[%add3A_207, %dma_start3A_260] : memref<10112x128xf32, #tpu.memory_space<vmem_shared>> -> memref<96x128xf32, #tpu.memory_space<vmem_shared>>
      %dma_start3A_262 = arith.constant 0 : i32
      %dma_start3A_263 = tpu.memref_slice %arg12[%add3A_207, %dma_start3A_262] : memref<10112x128xf32, #tpu.memory_space<vmem_shared>> -> memref<96x128xf32, #tpu.memory_space<vmem_shared>>
      %dma_start3A_264 = arith.constant 0 : i32
      %dma_start3A_265 = arith.constant 0 : i32
      %dma_start3A_266 = tpu.memref_slice %arg10[%dma_start3A_264, %dma_start3A_265] : memref<96x128xf32, #tpu.memory_space<vmem>> -> memref<96x128xf32, #tpu.memory_space<vmem>>
      tpu.enqueue_dma source(%dma_start3A_266 : memref<96x128xf32, #tpu.memory_space<vmem>>) target(%dma_start3A_263 : memref<96x128xf32, #tpu.memory_space<vmem_shared>>) target_semaphore(%run_scoped3A_256 : memref<!tpu.dma_semaphore, #tpu.memory_space<semaphore_mem>>)
      %dma_wait3A = arith.constant 0 : i32
      %dma_wait3A_267 = arith.constant 0 : i32
      %dma_wait3A_268 = tpu.memref_slice %arg10[%dma_wait3A, %dma_wait3A_267] : memref<96x128xf32, #tpu.memory_space<vmem>> -> memref<96x128xf32, #tpu.memory_space<vmem>>
      %dma_wait3A_269 = arith.constant 0 : i32
      %dma_wait3A_270 = tpu.memref_slice %arg12[%add3A_207, %dma_wait3A_269] : memref<10112x128xf32, #tpu.memory_space<vmem_shared>> -> memref<96x128xf32, #tpu.memory_space<vmem_shared>>
      %dma_wait3A_271 = arith.constant 0 : i32
      %dma_wait3A_272 = tpu.memref_slice %arg12[%add3A_207, %dma_wait3A_271] : memref<10112x128xf32, #tpu.memory_space<vmem_shared>> -> memref<96x128xf32, #tpu.memory_space<vmem_shared>>
      %dma_wait3A_273 = arith.constant 0 : i32
      %dma_wait3A_274 = arith.constant 0 : i32
      %dma_wait3A_275 = tpu.memref_slice %arg10[%dma_wait3A_273, %dma_wait3A_274] : memref<96x128xf32, #tpu.memory_space<vmem>> -> memref<96x128xf32, #tpu.memory_space<vmem>>
      tpu.wait_dma2 semaphore(%run_scoped3A_256 : memref<!tpu.dma_semaphore, #tpu.memory_space<semaphore_mem>>) src(%dma_wait3A_275 : memref<96x128xf32, #tpu.memory_space<vmem>>) dst(%dma_wait3A_272 : memref<96x128xf32, #tpu.memory_space<vmem_shared>>)
      tpu.yield
    }) : () -> ()
    %add3A_208 = arith.constant 480 : i32
    %add3A_209 = arith.addi %mul3A_8, %add3A_208 : i32
    "tpu.region"() ({
      %run_scoped3A_256 = tpu.sem_alloc : memref<!tpu.dma_semaphore, #tpu.memory_space<semaphore_mem>>
      %dma_start3A_257 = arith.constant 0 : i32
      %dma_start3A_258 = arith.constant 0 : i32
      %dma_start3A_259 = tpu.memref_slice %arg10[%dma_start3A_257, %dma_start3A_258] : memref<96x128xf32, #tpu.memory_space<vmem>> -> memref<96x128xf32, #tpu.memory_space<vmem>>
      %dma_start3A_260 = arith.constant 0 : i32
      %dma_start3A_261 = tpu.memref_slice %arg12[%add3A_209, %dma_start3A_260] : memref<10112x128xf32, #tpu.memory_space<vmem_shared>> -> memref<96x128xf32, #tpu.memory_space<vmem_shared>>
      %dma_start3A_262 = arith.constant 0 : i32
      %dma_start3A_263 = tpu.memref_slice %arg12[%add3A_209, %dma_start3A_262] : memref<10112x128xf32, #tpu.memory_space<vmem_shared>> -> memref<96x128xf32, #tpu.memory_space<vmem_shared>>
      %dma_start3A_264 = arith.constant 0 : i32
      %dma_start3A_265 = arith.constant 0 : i32
      %dma_start3A_266 = tpu.memref_slice %arg10[%dma_start3A_264, %dma_start3A_265] : memref<96x128xf32, #tpu.memory_space<vmem>> -> memref<96x128xf32, #tpu.memory_space<vmem>>
      tpu.enqueue_dma source(%dma_start3A_266 : memref<96x128xf32, #tpu.memory_space<vmem>>) target(%dma_start3A_263 : memref<96x128xf32, #tpu.memory_space<vmem_shared>>) target_semaphore(%run_scoped3A_256 : memref<!tpu.dma_semaphore, #tpu.memory_space<semaphore_mem>>)
      %dma_wait3A = arith.constant 0 : i32
      %dma_wait3A_267 = arith.constant 0 : i32
      %dma_wait3A_268 = tpu.memref_slice %arg10[%dma_wait3A, %dma_wait3A_267] : memref<96x128xf32, #tpu.memory_space<vmem>> -> memref<96x128xf32, #tpu.memory_space<vmem>>
      %dma_wait3A_269 = arith.constant 0 : i32
      %dma_wait3A_270 = tpu.memref_slice %arg12[%add3A_209, %dma_wait3A_269] : memref<10112x128xf32, #tpu.memory_space<vmem_shared>> -> memref<96x128xf32, #tpu.memory_space<vmem_shared>>
      %dma_wait3A_271 = arith.constant 0 : i32
      %dma_wait3A_272 = tpu.memref_slice %arg12[%add3A_209, %dma_wait3A_271] : memref<10112x128xf32, #tpu.memory_space<vmem_shared>> -> memref<96x128xf32, #tpu.memory_space<vmem_shared>>
      %dma_wait3A_273 = arith.constant 0 : i32
      %dma_wait3A_274 = arith.constant 0 : i32
      %dma_wait3A_275 = tpu.memref_slice %arg10[%dma_wait3A_273, %dma_wait3A_274] : memref<96x128xf32, #tpu.memory_space<vmem>> -> memref<96x128xf32, #tpu.memory_space<vmem>>
      tpu.wait_dma2 semaphore(%run_scoped3A_256 : memref<!tpu.dma_semaphore, #tpu.memory_space<semaphore_mem>>) src(%dma_wait3A_275 : memref<96x128xf32, #tpu.memory_space<vmem>>) dst(%dma_wait3A_272 : memref<96x128xf32, #tpu.memory_space<vmem_shared>>)
      tpu.yield
    }) : () -> ()
    %add3A_210 = arith.constant 576 : i32
    %add3A_211 = arith.addi %mul3A_8, %add3A_210 : i32
    "tpu.region"() ({
      %run_scoped3A_256 = tpu.sem_alloc : memref<!tpu.dma_semaphore, #tpu.memory_space<semaphore_mem>>
      %dma_start3A_257 = arith.constant 0 : i32
      %dma_start3A_258 = arith.constant 0 : i32
      %dma_start3A_259 = tpu.memref_slice %arg10[%dma_start3A_257, %dma_start3A_258] : memref<96x128xf32, #tpu.memory_space<vmem>> -> memref<56x128xf32, #tpu.memory_space<vmem>>
      %dma_start3A_260 = arith.constant 0 : i32
      %dma_start3A_261 = tpu.memref_slice %arg12[%add3A_211, %dma_start3A_260] : memref<10112x128xf32, #tpu.memory_space<vmem_shared>> -> memref<56x128xf32, #tpu.memory_space<vmem_shared>>
      %dma_start3A_262 = arith.constant 0 : i32
      %dma_start3A_263 = tpu.memref_slice %arg12[%add3A_211, %dma_start3A_262] : memref<10112x128xf32, #tpu.memory_space<vmem_shared>> -> memref<56x128xf32, #tpu.memory_space<vmem_shared>>
      %dma_start3A_264 = arith.constant 0 : i32
      %dma_start3A_265 = arith.constant 0 : i32
      %dma_start3A_266 = tpu.memref_slice %arg10[%dma_start3A_264, %dma_start3A_265] : memref<96x128xf32, #tpu.memory_space<vmem>> -> memref<56x128xf32, #tpu.memory_space<vmem>>
      tpu.enqueue_dma source(%dma_start3A_266 : memref<56x128xf32, #tpu.memory_space<vmem>>) target(%dma_start3A_263 : memref<56x128xf32, #tpu.memory_space<vmem_shared>>) target_semaphore(%run_scoped3A_256 : memref<!tpu.dma_semaphore, #tpu.memory_space<semaphore_mem>>)
      %dma_wait3A = arith.constant 0 : i32
      %dma_wait3A_267 = arith.constant 0 : i32
      %dma_wait3A_268 = tpu.memref_slice %arg10[%dma_wait3A, %dma_wait3A_267] : memref<96x128xf32, #tpu.memory_space<vmem>> -> memref<56x128xf32, #tpu.memory_space<vmem>>
      %dma_wait3A_269 = arith.constant 0 : i32
      %dma_wait3A_270 = tpu.memref_slice %arg12[%add3A_211, %dma_wait3A_269] : memref<10112x128xf32, #tpu.memory_space<vmem_shared>> -> memref<56x128xf32, #tpu.memory_space<vmem_shared>>
      %dma_wait3A_271 = arith.constant 0 : i32
      %dma_wait3A_272 = tpu.memref_slice %arg12[%add3A_211, %dma_wait3A_271] : memref<10112x128xf32, #tpu.memory_space<vmem_shared>> -> memref<56x128xf32, #tpu.memory_space<vmem_shared>>
      %dma_wait3A_273 = arith.constant 0 : i32
      %dma_wait3A_274 = arith.constant 0 : i32
      %dma_wait3A_275 = tpu.memref_slice %arg10[%dma_wait3A_273, %dma_wait3A_274] : memref<96x128xf32, #tpu.memory_space<vmem>> -> memref<56x128xf32, #tpu.memory_space<vmem>>
      tpu.wait_dma2 semaphore(%run_scoped3A_256 : memref<!tpu.dma_semaphore, #tpu.memory_space<semaphore_mem>>) src(%dma_wait3A_275 : memref<56x128xf32, #tpu.memory_space<vmem>>) dst(%dma_wait3A_272 : memref<56x128xf32, #tpu.memory_space<vmem_shared>>)
      tpu.yield
    }) : () -> ()
    %barrier3A_212 = arith.constant 0 : index
    tpu.barrier barrier_id(%barrier3A_212)
    %add3A_213 = arith.constant 0 : i32
    %add3A_214 = arith.addi %mul3A_183, %add3A_213 : i32
    %mul3A_215 = arith.constant 96 : i32
    %mul3A_216 = arith.muli %add3A_214, %mul3A_215 : i32
    %dma_start3A_217 = tpu.memref_slice %arg7[%mul3A_216] : memref<2880xi32, #tpu.memory_space<vmem>> -> memref<96xi32, #tpu.memory_space<vmem>>
    %dma_start3A_218 = arith.constant 0 : i32
    %dma_start3A_219 = arith.constant 0 : i32
    %dma_start3A_220 = tpu.memref_slice %arg2[%dma_start3A_218, %dma_start3A_219] : memref<10000x128xf32, #tpu.memory_space<hbm>> -> memref<10000x128xf32, #tpu.memory_space<hbm>>
    tpu.enqueue_indirect_dma source(%dma_start3A_220 : memref<10000x128xf32, #tpu.memory_space<hbm>>) target(%arg10 : memref<96x128xf32, #tpu.memory_space<vmem>>) offsets(%dma_start3A_217 : memref<96xi32, #tpu.memory_space<vmem>>) semaphore(%arg13 : memref<!tpu.dma_semaphore, #tpu.memory_space<semaphore_mem>>)
    %add3A_221 = arith.constant 1 : i32
    %add3A_222 = arith.addi %select_n3A, %add3A_221 : i32
    %jit3A_223 = arith.constant 2 : i32
    %div3A = arith.divsi %add3A_222, %jit3A_223 : i32
    %sign3A = arith.constant 0 : i32
    %sign3A_224 = arith.cmpi sgt, %add3A_222, %sign3A : i32
    %sign3A_225 = arith.extui %sign3A_224 : i1 to i32
    %sign3A_226 = arith.constant 0 : i32
    %sign3A_227 = arith.cmpi slt, %add3A_222, %sign3A_226 : i32
    %sign3A_228 = arith.extui %sign3A_227 : i1 to i32
    %sign3A_229 = arith.subi %sign3A_225, %sign3A_228 : i32
    %sign3A_230 = arith.constant 0 : i32
    %sign3A_231 = arith.cmpi sgt, %jit3A_223, %sign3A_230 : i32
    %sign3A_232 = arith.extui %sign3A_231 : i1 to i32
    %sign3A_233 = arith.constant 0 : i32
    %sign3A_234 = arith.cmpi slt, %jit3A_223, %sign3A_233 : i32
    %sign3A_235 = arith.extui %sign3A_234 : i1 to i32
    %sign3A_236 = arith.subi %sign3A_232, %sign3A_235 : i32
    %ne3A = arith.cmpi ne, %sign3A_229, %sign3A_236 : i32
    %rem3A = arith.remsi %add3A_222, %jit3A_223 : i32
    %ne3A_237 = arith.constant 0 : i32
    %ne3A_238 = arith.cmpi ne, %rem3A, %ne3A_237 : i32
    %and3A = arith.andi %ne3A, %ne3A_238 : i1
    %sub3A = arith.constant 1 : i32
    %sub3A_239 = arith.subi %div3A, %sub3A : i32
    %select_n3A_240 = arith.select %and3A, %sub3A_239, %div3A : i32
    %while3A = arith.constant 0 : i32
    %while3A_241 = arith.constant 0 : i32
    %while3A_242 = arith.subi %select_n3A_240, %while3A_241 : i32
    %while3A_243 = arith.addi %while3A_241, %while3A_242 : i32
    %while3A_244 = arith.constant 1 : i32
    %while3A_245 = arith.divsi %while3A_242, %while3A_244 : i32
    %while3A_246 = arith.muli %while3A_245, %while3A_244 : i32
    %while3A_247 = arith.addi %while3A_241, %while3A_246 : i32
    %while3A_248 = arith.constant 1 : i32
    scf.for %while3A_256 = %while3A_241 to %while3A_247 step %while3A_248  : i32 {
      %mul3A_257 = arith.constant 2 : i32
      %mul3A_258 = arith.muli %mul3A_257, %while3A_256 : i32
      %add3A_259 = arith.constant 0 : i32
      %add3A_260 = arith.addi %mul3A_258, %add3A_259 : i32
      %lt3A = arith.cmpi slt, %add3A_260, %select_n3A : i32
      %convert_element_type3A = arith.extui %lt3A : i1 to i32
      %cond3A = arith.constant 0 : i32
      %cond3A_261 = arith.cmpi ne, %convert_element_type3A, %cond3A : i32
      scf.if %cond3A_261 {
        %add3A_270 = arith.constant 1 : i32
        %add3A_271 = arith.addi %add3A_260, %add3A_270 : i32
        %lt3A_272 = arith.cmpi slt, %add3A_271, %select_n3A : i32
        %convert_element_type3A_273 = arith.extui %lt3A_272 : i1 to i32
        %cond3A_274 = arith.constant 0 : i32
        %cond3A_275 = arith.cmpi ne, %convert_element_type3A_273, %cond3A_274 : i32
        scf.if %cond3A_275 {
          %add3A_304 = arith.constant 1 : i32
          %add3A_305 = arith.addi %add3A_260, %add3A_304 : i32
          %add3A_306 = arith.addi %mul3A_183, %add3A_305 : i32
          %mul3A_307 = arith.constant 96 : i32
          %mul3A_308 = arith.muli %add3A_306, %mul3A_307 : i32
          %dma_start3A_309 = tpu.memref_slice %arg7[%mul3A_308] : memref<2880xi32, #tpu.memory_space<vmem>> -> memref<96xi32, #tpu.memory_space<vmem>>
          %dma_start3A_310 = arith.constant 0 : i32
          %dma_start3A_311 = arith.constant 0 : i32
          %dma_start3A_312 = tpu.memref_slice %arg2[%dma_start3A_310, %dma_start3A_311] : memref<10000x128xf32, #tpu.memory_space<hbm>> -> memref<10000x128xf32, #tpu.memory_space<hbm>>
          tpu.enqueue_indirect_dma source(%dma_start3A_312 : memref<10000x128xf32, #tpu.memory_space<hbm>>) target(%arg11 : memref<96x128xf32, #tpu.memory_space<vmem>>) offsets(%dma_start3A_309 : memref<96xi32, #tpu.memory_space<vmem>>) semaphore(%arg14 : memref<!tpu.dma_semaphore, #tpu.memory_space<semaphore_mem>>)
        } else {
        }
        %add3A_276 = arith.addi %mul3A_183, %add3A_260 : i32
        %get3A = arith.index_cast %add3A_276 : i32 to index
        %get3A_277 = arith.constant 0 : index
        %get3A_278 = tpu.vector_load %arg8[%get3A, %get3A_277] {strides = array<i32>} : memref<30x96xi32, #tpu.memory_space<vmem>>, vector<16xi32>,
        tpu.vector_store_idx %arg9[%get3A_278], %broadcast_in_dim3A_5 {add = true} : memref<10112xf32, #tpu.memory_space<vmem>>[vector<16xi32>], vector<16xf32>,
        %add3A_279 = arith.addi %mul3A_183, %add3A_260 : i32
        %get3A_280 = arith.index_cast %add3A_279 : i32 to index
        %get3A_281 = arith.constant 16 : index
        %get3A_282 = tpu.vector_load %arg8[%get3A_280, %get3A_281] {strides = array<i32>} : memref<30x96xi32, #tpu.memory_space<vmem>>, vector<16xi32>,
        tpu.vector_store_idx %arg9[%get3A_282], %broadcast_in_dim3A_5 {add = true} : memref<10112xf32, #tpu.memory_space<vmem>>[vector<16xi32>], vector<16xf32>,
        %add3A_283 = arith.addi %mul3A_183, %add3A_260 : i32
        %get3A_284 = arith.index_cast %add3A_283 : i32 to index
        %get3A_285 = arith.constant 32 : index
        %get3A_286 = tpu.vector_load %arg8[%get3A_284, %get3A_285] {strides = array<i32>} : memref<30x96xi32, #tpu.memory_space<vmem>>, vector<16xi32>,
        tpu.vector_store_idx %arg9[%get3A_286], %broadcast_in_dim3A_5 {add = true} : memref<10112xf32, #tpu.memory_space<vmem>>[vector<16xi32>], vector<16xf32>,
        %add3A_287 = arith.addi %mul3A_183, %add3A_260 : i32
        %get3A_288 = arith.index_cast %add3A_287 : i32 to index
        %get3A_289 = arith.constant 48 : index
        %get3A_290 = tpu.vector_load %arg8[%get3A_288, %get3A_289] {strides = array<i32>} : memref<30x96xi32, #tpu.memory_space<vmem>>, vector<16xi32>,
        tpu.vector_store_idx %arg9[%get3A_290], %broadcast_in_dim3A_5 {add = true} : memref<10112xf32, #tpu.memory_space<vmem>>[vector<16xi32>], vector<16xf32>,
        %add3A_291 = arith.addi %mul3A_183, %add3A_260 : i32
        %get3A_292 = arith.index_cast %add3A_291 : i32 to index
        %get3A_293 = arith.constant 64 : index
        %get3A_294 = tpu.vector_load %arg8[%get3A_292, %get3A_293] {strides = array<i32>} : memref<30x96xi32, #tpu.memory_space<vmem>>, vector<16xi32>,
        tpu.vector_store_idx %arg9[%get3A_294], %broadcast_in_dim3A_5 {add = true} : memref<10112xf32, #tpu.memory_space<vmem>>[vector<16xi32>], vector<16xf32>,
        %add3A_295 = arith.addi %mul3A_183, %add3A_260 : i32
        %get3A_296 = arith.index_cast %add3A_295 : i32 to index
        %get3A_297 = arith.constant 80 : index
        %get3A_298 = tpu.vector_load %arg8[%get3A_296, %get3A_297] {strides = array<i32>} : memref<30x96xi32, #tpu.memory_space<vmem>>, vector<16xi32>,
        tpu.vector_store_idx %arg9[%get3A_298], %broadcast_in_dim3A_5 {add = true} : memref<10112xf32, #tpu.memory_space<vmem>>[vector<16xi32>], vector<16xf32>,
        %dma_wait3A = arith.constant 0 : i32
        %dma_wait3A_299 = tpu.memref_slice %arg7[%dma_wait3A] : memref<2880xi32, #tpu.memory_space<vmem>> -> memref<96xi32, #tpu.memory_space<vmem>>
        %dma_wait3A_300 = arith.constant 0 : i32
        %dma_wait3A_301 = arith.constant 0 : i32
        %dma_wait3A_302 = tpu.memref_slice %arg2[%dma_wait3A_300, %dma_wait3A_301] : memref<10000x128xf32, #tpu.memory_space<hbm>> -> memref<10000x128xf32, #tpu.memory_space<hbm>>
        tpu.wait_indirect_dma semaphore(%arg13 : memref<!tpu.dma_semaphore, #tpu.memory_space<semaphore_mem>>) src(%dma_wait3A_302 : memref<10000x128xf32, #tpu.memory_space<hbm>>) dst(%arg10 : memref<96x128xf32, #tpu.memory_space<vmem>>)
        %add3A_303 = arith.addi %mul3A_183, %add3A_260 : i32
        "tpu.region"() ({
          %run_scoped3A_304 = tpu.sem_alloc : memref<!tpu.dma_semaphore, #tpu.memory_space<semaphore_mem>>
          %dma_start3A_305 = arith.constant 0 : i32
          %dma_start3A_306 = tpu.memref_slice %arg8[%add3A_303, %dma_start3A_305] : memref<30x96xi32, #tpu.memory_space<vmem>> -> memref<1x96xi32, #tpu.memory_space<vmem>>
          %dma_start3A_307 = tpu.memref_squeeze %dma_start3A_306 : memref<1x96xi32, #tpu.memory_space<vmem>> -> memref<96xi32, #tpu.memory_space<vmem>>
          %dma_start3A_308 = arith.constant 0 : i32
          %dma_start3A_309 = arith.constant 0 : i32
          %dma_start3A_310 = tpu.memref_slice %arg12[%dma_start3A_308, %dma_start3A_309] : memref<10112x128xf32, #tpu.memory_space<vmem_shared>> -> memref<10112x128xf32, #tpu.memory_space<vmem_shared>>
          tpu.enqueue_indirect_dma source(%arg10 : memref<96x128xf32, #tpu.memory_space<vmem>>) target(%dma_start3A_310 : memref<10112x128xf32, #tpu.memory_space<vmem_shared>>) offsets(%dma_start3A_307 : memref<96xi32, #tpu.memory_space<vmem>>) semaphore(%run_scoped3A_304 : memref<!tpu.dma_semaphore, #tpu.memory_space<semaphore_mem>>) {add = true}
          %dma_wait3A_311 = arith.constant 0 : i32
          %dma_wait3A_312 = tpu.memref_slice %arg8[%add3A_303, %dma_wait3A_311] : memref<30x96xi32, #tpu.memory_space<vmem>> -> memref<1x96xi32, #tpu.memory_space<vmem>>
          %dma_wait3A_313 = tpu.memref_squeeze %dma_wait3A_312 : memref<1x96xi32, #tpu.memory_space<vmem>> -> memref<96xi32, #tpu.memory_space<vmem>>
          %dma_wait3A_314 = arith.constant 0 : i32
          %dma_wait3A_315 = arith.constant 0 : i32
          %dma_wait3A_316 = tpu.memref_slice %arg12[%dma_wait3A_314, %dma_wait3A_315] : memref<10112x128xf32, #tpu.memory_space<vmem_shared>> -> memref<10112x128xf32, #tpu.memory_space<vmem_shared>>
          tpu.wait_indirect_dma semaphore(%run_scoped3A_304 : memref<!tpu.dma_semaphore, #tpu.memory_space<semaphore_mem>>) src(%arg10 : memref<96x128xf32, #tpu.memory_space<vmem>>) dst(%dma_wait3A_316 : memref<10112x128xf32, #tpu.memory_space<vmem_shared>>)
          tpu.yield
        }) : () -> ()
      } else {
      }
      %mul3A_262 = arith.constant 2 : i32
      %mul3A_263 = arith.muli %mul3A_262, %while3A_256 : i32
      %add3A_264 = arith.constant 1 : i32
      %add3A_265 = arith.addi %mul3A_263, %add3A_264 : i32
      %lt3A_266 = arith.cmpi slt, %add3A_265, %select_n3A : i32
      %convert_element_type3A_267 = arith.extui %lt3A_266 : i1 to i32
      %cond3A_268 = arith.constant 0 : i32
      %cond3A_269 = arith.cmpi ne, %convert_element_type3A_267, %cond3A_268 : i32
      scf.if %cond3A_269 {
        %add3A_270 = arith.constant 1 : i32
        %add3A_271 = arith.addi %add3A_265, %add3A_270 : i32
        %lt3A_272 = arith.cmpi slt, %add3A_271, %select_n3A : i32
        %convert_element_type3A_273 = arith.extui %lt3A_272 : i1 to i32
        %cond3A_274 = arith.constant 0 : i32
        %cond3A_275 = arith.cmpi ne, %convert_element_type3A_273, %cond3A_274 : i32
        scf.if %cond3A_275 {
          %add3A_304 = arith.constant 1 : i32
          %add3A_305 = arith.addi %add3A_265, %add3A_304 : i32
          %add3A_306 = arith.addi %mul3A_183, %add3A_305 : i32
          %mul3A_307 = arith.constant 96 : i32
          %mul3A_308 = arith.muli %add3A_306, %mul3A_307 : i32
          %dma_start3A_309 = tpu.memref_slice %arg7[%mul3A_308] : memref<2880xi32, #tpu.memory_space<vmem>> -> memref<96xi32, #tpu.memory_space<vmem>>
          %dma_start3A_310 = arith.constant 0 : i32
          %dma_start3A_311 = arith.constant 0 : i32
          %dma_start3A_312 = tpu.memref_slice %arg2[%dma_start3A_310, %dma_start3A_311] : memref<10000x128xf32, #tpu.memory_space<hbm>> -> memref<10000x128xf32, #tpu.memory_space<hbm>>
          tpu.enqueue_indirect_dma source(%dma_start3A_312 : memref<10000x128xf32, #tpu.memory_space<hbm>>) target(%arg10 : memref<96x128xf32, #tpu.memory_space<vmem>>) offsets(%dma_start3A_309 : memref<96xi32, #tpu.memory_space<vmem>>) semaphore(%arg13 : memref<!tpu.dma_semaphore, #tpu.memory_space<semaphore_mem>>)
        } else {
        }
        %add3A_276 = arith.addi %mul3A_183, %add3A_265 : i32
        %get3A = arith.index_cast %add3A_276 : i32 to index
        %get3A_277 = arith.constant 0 : index
        %get3A_278 = tpu.vector_load %arg8[%get3A, %get3A_277] {strides = array<i32>} : memref<30x96xi32, #tpu.memory_space<vmem>>, vector<16xi32>,
        tpu.vector_store_idx %arg9[%get3A_278], %broadcast_in_dim3A_5 {add = true} : memref<10112xf32, #tpu.memory_space<vmem>>[vector<16xi32>], vector<16xf32>,
        %add3A_279 = arith.addi %mul3A_183, %add3A_265 : i32
        %get3A_280 = arith.index_cast %add3A_279 : i32 to index
        %get3A_281 = arith.constant 16 : index
        %get3A_282 = tpu.vector_load %arg8[%get3A_280, %get3A_281] {strides = array<i32>} : memref<30x96xi32, #tpu.memory_space<vmem>>, vector<16xi32>,
        tpu.vector_store_idx %arg9[%get3A_282], %broadcast_in_dim3A_5 {add = true} : memref<10112xf32, #tpu.memory_space<vmem>>[vector<16xi32>], vector<16xf32>,
        %add3A_283 = arith.addi %mul3A_183, %add3A_265 : i32
        %get3A_284 = arith.index_cast %add3A_283 : i32 to index
        %get3A_285 = arith.constant 32 : index
        %get3A_286 = tpu.vector_load %arg8[%get3A_284, %get3A_285] {strides = array<i32>} : memref<30x96xi32, #tpu.memory_space<vmem>>, vector<16xi32>,
        tpu.vector_store_idx %arg9[%get3A_286], %broadcast_in_dim3A_5 {add = true} : memref<10112xf32, #tpu.memory_space<vmem>>[vector<16xi32>], vector<16xf32>,
        %add3A_287 = arith.addi %mul3A_183, %add3A_265 : i32
        %get3A_288 = arith.index_cast %add3A_287 : i32 to index
        %get3A_289 = arith.constant 48 : index
        %get3A_290 = tpu.vector_load %arg8[%get3A_288, %get3A_289] {strides = array<i32>} : memref<30x96xi32, #tpu.memory_space<vmem>>, vector<16xi32>,
        tpu.vector_store_idx %arg9[%get3A_290], %broadcast_in_dim3A_5 {add = true} : memref<10112xf32, #tpu.memory_space<vmem>>[vector<16xi32>], vector<16xf32>,
        %add3A_291 = arith.addi %mul3A_183, %add3A_265 : i32
        %get3A_292 = arith.index_cast %add3A_291 : i32 to index
        %get3A_293 = arith.constant 64 : index
        %get3A_294 = tpu.vector_load %arg8[%get3A_292, %get3A_293] {strides = array<i32>} : memref<30x96xi32, #tpu.memory_space<vmem>>, vector<16xi32>,
        tpu.vector_store_idx %arg9[%get3A_294], %broadcast_in_dim3A_5 {add = true} : memref<10112xf32, #tpu.memory_space<vmem>>[vector<16xi32>], vector<16xf32>,
        %add3A_295 = arith.addi %mul3A_183, %add3A_265 : i32
        %get3A_296 = arith.index_cast %add3A_295 : i32 to index
        %get3A_297 = arith.constant 80 : index
        %get3A_298 = tpu.vector_load %arg8[%get3A_296, %get3A_297] {strides = array<i32>} : memref<30x96xi32, #tpu.memory_space<vmem>>, vector<16xi32>,
        tpu.vector_store_idx %arg9[%get3A_298], %broadcast_in_dim3A_5 {add = true} : memref<10112xf32, #tpu.memory_space<vmem>>[vector<16xi32>], vector<16xf32>,
        %dma_wait3A = arith.constant 0 : i32
        %dma_wait3A_299 = tpu.memref_slice %arg7[%dma_wait3A] : memref<2880xi32, #tpu.memory_space<vmem>> -> memref<96xi32, #tpu.memory_space<vmem>>
        %dma_wait3A_300 = arith.constant 0 : i32
        %dma_wait3A_301 = arith.constant 0 : i32
        %dma_wait3A_302 = tpu.memref_slice %arg2[%dma_wait3A_300, %dma_wait3A_301] : memref<10000x128xf32, #tpu.memory_space<hbm>> -> memref<10000x128xf32, #tpu.memory_space<hbm>>
        tpu.wait_indirect_dma semaphore(%arg14 : memref<!tpu.dma_semaphore, #tpu.memory_space<semaphore_mem>>) src(%dma_wait3A_302 : memref<10000x128xf32, #tpu.memory_space<hbm>>) dst(%arg11 : memref<96x128xf32, #tpu.memory_space<vmem>>)
        %add3A_303 = arith.addi %mul3A_183, %add3A_265 : i32
        "tpu.region"() ({
          %run_scoped3A_304 = tpu.sem_alloc : memref<!tpu.dma_semaphore, #tpu.memory_space<semaphore_mem>>
          %dma_start3A_305 = arith.constant 0 : i32
          %dma_start3A_306 = tpu.memref_slice %arg8[%add3A_303, %dma_start3A_305] : memref<30x96xi32, #tpu.memory_space<vmem>> -> memref<1x96xi32, #tpu.memory_space<vmem>>
          %dma_start3A_307 = tpu.memref_squeeze %dma_start3A_306 : memref<1x96xi32, #tpu.memory_space<vmem>> -> memref<96xi32, #tpu.memory_space<vmem>>
          %dma_start3A_308 = arith.constant 0 : i32
          %dma_start3A_309 = arith.constant 0 : i32
          %dma_start3A_310 = tpu.memref_slice %arg12[%dma_start3A_308, %dma_start3A_309] : memref<10112x128xf32, #tpu.memory_space<vmem_shared>> -> memref<10112x128xf32, #tpu.memory_space<vmem_shared>>
          tpu.enqueue_indirect_dma source(%arg11 : memref<96x128xf32, #tpu.memory_space<vmem>>) target(%dma_start3A_310 : memref<10112x128xf32, #tpu.memory_space<vmem_shared>>) offsets(%dma_start3A_307 : memref<96xi32, #tpu.memory_space<vmem>>) semaphore(%run_scoped3A_304 : memref<!tpu.dma_semaphore, #tpu.memory_space<semaphore_mem>>) {add = true}
          %dma_wait3A_311 = arith.constant 0 : i32
          %dma_wait3A_312 = tpu.memref_slice %arg8[%add3A_303, %dma_wait3A_311] : memref<30x96xi32, #tpu.memory_space<vmem>> -> memref<1x96xi32, #tpu.memory_space<vmem>>
          %dma_wait3A_313 = tpu.memref_squeeze %dma_wait3A_312 : memref<1x96xi32, #tpu.memory_space<vmem>> -> memref<96xi32, #tpu.memory_space<vmem>>
          %dma_wait3A_314 = arith.constant 0 : i32
          %dma_wait3A_315 = arith.constant 0 : i32
          %dma_wait3A_316 = tpu.memref_slice %arg12[%dma_wait3A_314, %dma_wait3A_315] : memref<10112x128xf32, #tpu.memory_space<vmem_shared>> -> memref<10112x128xf32, #tpu.memory_space<vmem_shared>>
          tpu.wait_indirect_dma semaphore(%run_scoped3A_304 : memref<!tpu.dma_semaphore, #tpu.memory_space<semaphore_mem>>) src(%arg11 : memref<96x128xf32, #tpu.memory_space<vmem>>) dst(%dma_wait3A_316 : memref<10112x128xf32, #tpu.memory_space<vmem_shared>>)
          tpu.yield
        }) : () -> ()
      } else {
      }
    }
    %while3A_249 = arith.constant 1 : i32
    scf.for %while3A_256 = %while3A_247 to %while3A_243 step %while3A_249  : i32 {
      %mul3A_257 = arith.constant 2 : i32
      %mul3A_258 = arith.muli %mul3A_257, %while3A_256 : i32
      %add3A_259 = arith.constant 0 : i32
      %add3A_260 = arith.addi %mul3A_258, %add3A_259 : i32
      %lt3A = arith.cmpi slt, %add3A_260, %select_n3A : i32
      %convert_element_type3A = arith.extui %lt3A : i1 to i32
      %cond3A = arith.constant 0 : i32
      %cond3A_261 = arith.cmpi ne, %convert_element_type3A, %cond3A : i32
      scf.if %cond3A_261 {
        %add3A_270 = arith.constant 1 : i32
        %add3A_271 = arith.addi %add3A_260, %add3A_270 : i32
        %lt3A_272 = arith.cmpi slt, %add3A_271, %select_n3A : i32
        %convert_element_type3A_273 = arith.extui %lt3A_272 : i1 to i32
        %cond3A_274 = arith.constant 0 : i32
        %cond3A_275 = arith.cmpi ne, %convert_element_type3A_273, %cond3A_274 : i32
        scf.if %cond3A_275 {
          %add3A_304 = arith.constant 1 : i32
          %add3A_305 = arith.addi %add3A_260, %add3A_304 : i32
          %add3A_306 = arith.addi %mul3A_183, %add3A_305 : i32
          %mul3A_307 = arith.constant 96 : i32
          %mul3A_308 = arith.muli %add3A_306, %mul3A_307 : i32
          %dma_start3A_309 = tpu.memref_slice %arg7[%mul3A_308] : memref<2880xi32, #tpu.memory_space<vmem>> -> memref<96xi32, #tpu.memory_space<vmem>>
          %dma_start3A_310 = arith.constant 0 : i32
          %dma_start3A_311 = arith.constant 0 : i32
          %dma_start3A_312 = tpu.memref_slice %arg2[%dma_start3A_310, %dma_start3A_311] : memref<10000x128xf32, #tpu.memory_space<hbm>> -> memref<10000x128xf32, #tpu.memory_space<hbm>>
          tpu.enqueue_indirect_dma source(%dma_start3A_312 : memref<10000x128xf32, #tpu.memory_space<hbm>>) target(%arg11 : memref<96x128xf32, #tpu.memory_space<vmem>>) offsets(%dma_start3A_309 : memref<96xi32, #tpu.memory_space<vmem>>) semaphore(%arg14 : memref<!tpu.dma_semaphore, #tpu.memory_space<semaphore_mem>>)
        } else {
        }
        %add3A_276 = arith.addi %mul3A_183, %add3A_260 : i32
        %get3A = arith.index_cast %add3A_276 : i32 to index
        %get3A_277 = arith.constant 0 : index
        %get3A_278 = tpu.vector_load %arg8[%get3A, %get3A_277] {strides = array<i32>} : memref<30x96xi32, #tpu.memory_space<vmem>>, vector<16xi32>,
        tpu.vector_store_idx %arg9[%get3A_278], %broadcast_in_dim3A_5 {add = true} : memref<10112xf32, #tpu.memory_space<vmem>>[vector<16xi32>], vector<16xf32>,
        %add3A_279 = arith.addi %mul3A_183, %add3A_260 : i32
        %get3A_280 = arith.index_cast %add3A_279 : i32 to index
        %get3A_281 = arith.constant 16 : index
        %get3A_282 = tpu.vector_load %arg8[%get3A_280, %get3A_281] {strides = array<i32>} : memref<30x96xi32, #tpu.memory_space<vmem>>, vector<16xi32>,
        tpu.vector_store_idx %arg9[%get3A_282], %broadcast_in_dim3A_5 {add = true} : memref<10112xf32, #tpu.memory_space<vmem>>[vector<16xi32>], vector<16xf32>,
        %add3A_283 = arith.addi %mul3A_183, %add3A_260 : i32
        %get3A_284 = arith.index_cast %add3A_283 : i32 to index
        %get3A_285 = arith.constant 32 : index
        %get3A_286 = tpu.vector_load %arg8[%get3A_284, %get3A_285] {strides = array<i32>} : memref<30x96xi32, #tpu.memory_space<vmem>>, vector<16xi32>,
        tpu.vector_store_idx %arg9[%get3A_286], %broadcast_in_dim3A_5 {add = true} : memref<10112xf32, #tpu.memory_space<vmem>>[vector<16xi32>], vector<16xf32>,
        %add3A_287 = arith.addi %mul3A_183, %add3A_260 : i32
        %get3A_288 = arith.index_cast %add3A_287 : i32 to index
        %get3A_289 = arith.constant 48 : index
        %get3A_290 = tpu.vector_load %arg8[%get3A_288, %get3A_289] {strides = array<i32>} : memref<30x96xi32, #tpu.memory_space<vmem>>, vector<16xi32>,
        tpu.vector_store_idx %arg9[%get3A_290], %broadcast_in_dim3A_5 {add = true} : memref<10112xf32, #tpu.memory_space<vmem>>[vector<16xi32>], vector<16xf32>,
        %add3A_291 = arith.addi %mul3A_183, %add3A_260 : i32
        %get3A_292 = arith.index_cast %add3A_291 : i32 to index
        %get3A_293 = arith.constant 64 : index
        %get3A_294 = tpu.vector_load %arg8[%get3A_292, %get3A_293] {strides = array<i32>} : memref<30x96xi32, #tpu.memory_space<vmem>>, vector<16xi32>,
        tpu.vector_store_idx %arg9[%get3A_294], %broadcast_in_dim3A_5 {add = true} : memref<10112xf32, #tpu.memory_space<vmem>>[vector<16xi32>], vector<16xf32>,
        %add3A_295 = arith.addi %mul3A_183, %add3A_260 : i32
        %get3A_296 = arith.index_cast %add3A_295 : i32 to index
        %get3A_297 = arith.constant 80 : index
        %get3A_298 = tpu.vector_load %arg8[%get3A_296, %get3A_297] {strides = array<i32>} : memref<30x96xi32, #tpu.memory_space<vmem>>, vector<16xi32>,
        tpu.vector_store_idx %arg9[%get3A_298], %broadcast_in_dim3A_5 {add = true} : memref<10112xf32, #tpu.memory_space<vmem>>[vector<16xi32>], vector<16xf32>,
        %dma_wait3A = arith.constant 0 : i32
        %dma_wait3A_299 = tpu.memref_slice %arg7[%dma_wait3A] : memref<2880xi32, #tpu.memory_space<vmem>> -> memref<96xi32, #tpu.memory_space<vmem>>
        %dma_wait3A_300 = arith.constant 0 : i32
        %dma_wait3A_301 = arith.constant 0 : i32
        %dma_wait3A_302 = tpu.memref_slice %arg2[%dma_wait3A_300, %dma_wait3A_301] : memref<10000x128xf32, #tpu.memory_space<hbm>> -> memref<10000x128xf32, #tpu.memory_space<hbm>>
        tpu.wait_indirect_dma semaphore(%arg13 : memref<!tpu.dma_semaphore, #tpu.memory_space<semaphore_mem>>) src(%dma_wait3A_302 : memref<10000x128xf32, #tpu.memory_space<hbm>>) dst(%arg10 : memref<96x128xf32, #tpu.memory_space<vmem>>)
        %add3A_303 = arith.addi %mul3A_183, %add3A_260 : i32
        "tpu.region"() ({
          %run_scoped3A_304 = tpu.sem_alloc : memref<!tpu.dma_semaphore, #tpu.memory_space<semaphore_mem>>
          %dma_start3A_305 = arith.constant 0 : i32
          %dma_start3A_306 = tpu.memref_slice %arg8[%add3A_303, %dma_start3A_305] : memref<30x96xi32, #tpu.memory_space<vmem>> -> memref<1x96xi32, #tpu.memory_space<vmem>>
          %dma_start3A_307 = tpu.memref_squeeze %dma_start3A_306 : memref<1x96xi32, #tpu.memory_space<vmem>> -> memref<96xi32, #tpu.memory_space<vmem>>
          %dma_start3A_308 = arith.constant 0 : i32
          %dma_start3A_309 = arith.constant 0 : i32
          %dma_start3A_310 = tpu.memref_slice %arg12[%dma_start3A_308, %dma_start3A_309] : memref<10112x128xf32, #tpu.memory_space<vmem_shared>> -> memref<10112x128xf32, #tpu.memory_space<vmem_shared>>
          tpu.enqueue_indirect_dma source(%arg10 : memref<96x128xf32, #tpu.memory_space<vmem>>) target(%dma_start3A_310 : memref<10112x128xf32, #tpu.memory_space<vmem_shared>>) offsets(%dma_start3A_307 : memref<96xi32, #tpu.memory_space<vmem>>) semaphore(%run_scoped3A_304 : memref<!tpu.dma_semaphore, #tpu.memory_space<semaphore_mem>>) {add = true}
          %dma_wait3A_311 = arith.constant 0 : i32
          %dma_wait3A_312 = tpu.memref_slice %arg8[%add3A_303, %dma_wait3A_311] : memref<30x96xi32, #tpu.memory_space<vmem>> -> memref<1x96xi32, #tpu.memory_space<vmem>>
          %dma_wait3A_313 = tpu.memref_squeeze %dma_wait3A_312 : memref<1x96xi32, #tpu.memory_space<vmem>> -> memref<96xi32, #tpu.memory_space<vmem>>
          %dma_wait3A_314 = arith.constant 0 : i32
          %dma_wait3A_315 = arith.constant 0 : i32
          %dma_wait3A_316 = tpu.memref_slice %arg12[%dma_wait3A_314, %dma_wait3A_315] : memref<10112x128xf32, #tpu.memory_space<vmem_shared>> -> memref<10112x128xf32, #tpu.memory_space<vmem_shared>>
          tpu.wait_indirect_dma semaphore(%run_scoped3A_304 : memref<!tpu.dma_semaphore, #tpu.memory_space<semaphore_mem>>) src(%arg10 : memref<96x128xf32, #tpu.memory_space<vmem>>) dst(%dma_wait3A_316 : memref<10112x128xf32, #tpu.memory_space<vmem_shared>>)
          tpu.yield
        }) : () -> ()
      } else {
      }
      %mul3A_262 = arith.constant 2 : i32
      %mul3A_263 = arith.muli %mul3A_262, %while3A_256 : i32
      %add3A_264 = arith.constant 1 : i32
      %add3A_265 = arith.addi %mul3A_263, %add3A_264 : i32
      %lt3A_266 = arith.cmpi slt, %add3A_265, %select_n3A : i32
      %convert_element_type3A_267 = arith.extui %lt3A_266 : i1 to i32
      %cond3A_268 = arith.constant 0 : i32
      %cond3A_269 = arith.cmpi ne, %convert_element_type3A_267, %cond3A_268 : i32
      scf.if %cond3A_269 {
        %add3A_270 = arith.constant 1 : i32
        %add3A_271 = arith.addi %add3A_265, %add3A_270 : i32
        %lt3A_272 = arith.cmpi slt, %add3A_271, %select_n3A : i32
        %convert_element_type3A_273 = arith.extui %lt3A_272 : i1 to i32
        %cond3A_274 = arith.constant 0 : i32
        %cond3A_275 = arith.cmpi ne, %convert_element_type3A_273, %cond3A_274 : i32
        scf.if %cond3A_275 {
          %add3A_304 = arith.constant 1 : i32
          %add3A_305 = arith.addi %add3A_265, %add3A_304 : i32
          %add3A_306 = arith.addi %mul3A_183, %add3A_305 : i32
          %mul3A_307 = arith.constant 96 : i32
          %mul3A_308 = arith.muli %add3A_306, %mul3A_307 : i32
          %dma_start3A_309 = tpu.memref_slice %arg7[%mul3A_308] : memref<2880xi32, #tpu.memory_space<vmem>> -> memref<96xi32, #tpu.memory_space<vmem>>
          %dma_start3A_310 = arith.constant 0 : i32
          %dma_start3A_311 = arith.constant 0 : i32
          %dma_start3A_312 = tpu.memref_slice %arg2[%dma_start3A_310, %dma_start3A_311] : memref<10000x128xf32, #tpu.memory_space<hbm>> -> memref<10000x128xf32, #tpu.memory_space<hbm>>
          tpu.enqueue_indirect_dma source(%dma_start3A_312 : memref<10000x128xf32, #tpu.memory_space<hbm>>) target(%arg10 : memref<96x128xf32, #tpu.memory_space<vmem>>) offsets(%dma_start3A_309 : memref<96xi32, #tpu.memory_space<vmem>>) semaphore(%arg13 : memref<!tpu.dma_semaphore, #tpu.memory_space<semaphore_mem>>)
        } else {
        }
        %add3A_276 = arith.addi %mul3A_183, %add3A_265 : i32
        %get3A = arith.index_cast %add3A_276 : i32 to index
        %get3A_277 = arith.constant 0 : index
        %get3A_278 = tpu.vector_load %arg8[%get3A, %get3A_277] {strides = array<i32>} : memref<30x96xi32, #tpu.memory_space<vmem>>, vector<16xi32>,
        tpu.vector_store_idx %arg9[%get3A_278], %broadcast_in_dim3A_5 {add = true} : memref<10112xf32, #tpu.memory_space<vmem>>[vector<16xi32>], vector<16xf32>,
        %add3A_279 = arith.addi %mul3A_183, %add3A_265 : i32
        %get3A_280 = arith.index_cast %add3A_279 : i32 to index
        %get3A_281 = arith.constant 16 : index
        %get3A_282 = tpu.vector_load %arg8[%get3A_280, %get3A_281] {strides = array<i32>} : memref<30x96xi32, #tpu.memory_space<vmem>>, vector<16xi32>,
        tpu.vector_store_idx %arg9[%get3A_282], %broadcast_in_dim3A_5 {add = true} : memref<10112xf32, #tpu.memory_space<vmem>>[vector<16xi32>], vector<16xf32>,
        %add3A_283 = arith.addi %mul3A_183, %add3A_265 : i32
        %get3A_284 = arith.index_cast %add3A_283 : i32 to index
        %get3A_285 = arith.constant 32 : index
        %get3A_286 = tpu.vector_load %arg8[%get3A_284, %get3A_285] {strides = array<i32>} : memref<30x96xi32, #tpu.memory_space<vmem>>, vector<16xi32>,
        tpu.vector_store_idx %arg9[%get3A_286], %broadcast_in_dim3A_5 {add = true} : memref<10112xf32, #tpu.memory_space<vmem>>[vector<16xi32>], vector<16xf32>,
        %add3A_287 = arith.addi %mul3A_183, %add3A_265 : i32
        %get3A_288 = arith.index_cast %add3A_287 : i32 to index
        %get3A_289 = arith.constant 48 : index
        %get3A_290 = tpu.vector_load %arg8[%get3A_288, %get3A_289] {strides = array<i32>} : memref<30x96xi32, #tpu.memory_space<vmem>>, vector<16xi32>,
        tpu.vector_store_idx %arg9[%get3A_290], %broadcast_in_dim3A_5 {add = true} : memref<10112xf32, #tpu.memory_space<vmem>>[vector<16xi32>], vector<16xf32>,
        %add3A_291 = arith.addi %mul3A_183, %add3A_265 : i32
        %get3A_292 = arith.index_cast %add3A_291 : i32 to index
        %get3A_293 = arith.constant 64 : index
        %get3A_294 = tpu.vector_load %arg8[%get3A_292, %get3A_293] {strides = array<i32>} : memref<30x96xi32, #tpu.memory_space<vmem>>, vector<16xi32>,
        tpu.vector_store_idx %arg9[%get3A_294], %broadcast_in_dim3A_5 {add = true} : memref<10112xf32, #tpu.memory_space<vmem>>[vector<16xi32>], vector<16xf32>,
        %add3A_295 = arith.addi %mul3A_183, %add3A_265 : i32
        %get3A_296 = arith.index_cast %add3A_295 : i32 to index
        %get3A_297 = arith.constant 80 : index
        %get3A_298 = tpu.vector_load %arg8[%get3A_296, %get3A_297] {strides = array<i32>} : memref<30x96xi32, #tpu.memory_space<vmem>>, vector<16xi32>,
        tpu.vector_store_idx %arg9[%get3A_298], %broadcast_in_dim3A_5 {add = true} : memref<10112xf32, #tpu.memory_space<vmem>>[vector<16xi32>], vector<16xf32>,
        %dma_wait3A = arith.constant 0 : i32
        %dma_wait3A_299 = tpu.memref_slice %arg7[%dma_wait3A] : memref<2880xi32, #tpu.memory_space<vmem>> -> memref<96xi32, #tpu.memory_space<vmem>>
        %dma_wait3A_300 = arith.constant 0 : i32
        %dma_wait3A_301 = arith.constant 0 : i32
        %dma_wait3A_302 = tpu.memref_slice %arg2[%dma_wait3A_300, %dma_wait3A_301] : memref<10000x128xf32, #tpu.memory_space<hbm>> -> memref<10000x128xf32, #tpu.memory_space<hbm>>
        tpu.wait_indirect_dma semaphore(%arg14 : memref<!tpu.dma_semaphore, #tpu.memory_space<semaphore_mem>>) src(%dma_wait3A_302 : memref<10000x128xf32, #tpu.memory_space<hbm>>) dst(%arg11 : memref<96x128xf32, #tpu.memory_space<vmem>>)
        %add3A_303 = arith.addi %mul3A_183, %add3A_265 : i32
        "tpu.region"() ({
          %run_scoped3A_304 = tpu.sem_alloc : memref<!tpu.dma_semaphore, #tpu.memory_space<semaphore_mem>>
          %dma_start3A_305 = arith.constant 0 : i32
          %dma_start3A_306 = tpu.memref_slice %arg8[%add3A_303, %dma_start3A_305] : memref<30x96xi32, #tpu.memory_space<vmem>> -> memref<1x96xi32, #tpu.memory_space<vmem>>
          %dma_start3A_307 = tpu.memref_squeeze %dma_start3A_306 : memref<1x96xi32, #tpu.memory_space<vmem>> -> memref<96xi32, #tpu.memory_space<vmem>>
          %dma_start3A_308 = arith.constant 0 : i32
          %dma_start3A_309 = arith.constant 0 : i32
          %dma_start3A_310 = tpu.memref_slice %arg12[%dma_start3A_308, %dma_start3A_309] : memref<10112x128xf32, #tpu.memory_space<vmem_shared>> -> memref<10112x128xf32, #tpu.memory_space<vmem_shared>>
          tpu.enqueue_indirect_dma source(%arg11 : memref<96x128xf32, #tpu.memory_space<vmem>>) target(%dma_start3A_310 : memref<10112x128xf32, #tpu.memory_space<vmem_shared>>) offsets(%dma_start3A_307 : memref<96xi32, #tpu.memory_space<vmem>>) semaphore(%run_scoped3A_304 : memref<!tpu.dma_semaphore, #tpu.memory_space<semaphore_mem>>) {add = true}
          %dma_wait3A_311 = arith.constant 0 : i32
          %dma_wait3A_312 = tpu.memref_slice %arg8[%add3A_303, %dma_wait3A_311] : memref<30x96xi32, #tpu.memory_space<vmem>> -> memref<1x96xi32, #tpu.memory_space<vmem>>
          %dma_wait3A_313 = tpu.memref_squeeze %dma_wait3A_312 : memref<1x96xi32, #tpu.memory_space<vmem>> -> memref<96xi32, #tpu.memory_space<vmem>>
          %dma_wait3A_314 = arith.constant 0 : i32
          %dma_wait3A_315 = arith.constant 0 : i32
          %dma_wait3A_316 = tpu.memref_slice %arg12[%dma_wait3A_314, %dma_wait3A_315] : memref<10112x128xf32, #tpu.memory_space<vmem_shared>> -> memref<10112x128xf32, #tpu.memory_space<vmem_shared>>
          tpu.wait_indirect_dma semaphore(%run_scoped3A_304 : memref<!tpu.dma_semaphore, #tpu.memory_space<semaphore_mem>>) src(%arg11 : memref<96x128xf32, #tpu.memory_space<vmem>>) dst(%dma_wait3A_316 : memref<10112x128xf32, #tpu.memory_space<vmem_shared>>)
          tpu.yield
        }) : () -> ()
      } else {
      }
    }
    %barrier3A_250 = arith.constant 0 : index
    tpu.barrier barrier_id(%barrier3A_250)
    %mul3A_251 = arith.constant 16 : i32
    %mul3A_252 = arith.muli %add3A_181, %mul3A_251 : i32
    %add3A_253 = arith.addi %mul3A_252, %arg1 : i32
    %mul3A_254 = arith.constant 10112 : i32
    %mul3A_255 = arith.muli %add3A_253, %mul3A_254 : i32
    "tpu.region"() ({
      %run_scoped3A_256 = tpu.sem_alloc : memref<!tpu.dma_semaphore, #tpu.memory_space<semaphore_mem>>
      %dma_start3A_257 = tpu.memref_slice %arg6[%mul3A_255] : memref<1294336xf32, #tpu.memory_space<hbm>> -> memref<10112xf32, #tpu.memory_space<hbm>>
      %dma_start3A_258 = tpu.memref_slice %arg6[%mul3A_255] : memref<1294336xf32, #tpu.memory_space<hbm>> -> memref<10112xf32, #tpu.memory_space<hbm>>
      tpu.enqueue_dma source(%arg9 : memref<10112xf32, #tpu.memory_space<vmem>>) target(%dma_start3A_258 : memref<10112xf32, #tpu.memory_space<hbm>>) target_semaphore(%run_scoped3A_256 : memref<!tpu.dma_semaphore, #tpu.memory_space<semaphore_mem>>)
      %dma_wait3A = tpu.memref_slice %arg6[%mul3A_255] : memref<1294336xf32, #tpu.memory_space<hbm>> -> memref<10112xf32, #tpu.memory_space<hbm>>
      %dma_wait3A_259 = tpu.memref_slice %arg6[%mul3A_255] : memref<1294336xf32, #tpu.memory_space<hbm>> -> memref<10112xf32, #tpu.memory_space<hbm>>
      tpu.wait_dma2 semaphore(%run_scoped3A_256 : memref<!tpu.dma_semaphore, #tpu.memory_space<semaphore_mem>>) src(%arg9 : memref<10112xf32, #tpu.memory_space<vmem>>) dst(%dma_wait3A_259 : memref<10112xf32, #tpu.memory_space<hbm>>)
      tpu.yield
    }) : () -> ()
    "tpu.region"() ({
      %run_scoped3A_256 = tpu.sem_alloc : memref<!tpu.dma_semaphore, #tpu.memory_space<semaphore_mem>>
      %dma_start3A_257 = arith.constant 0 : i32
      %dma_start3A_258 = tpu.memref_slice %arg5[%add3A_181, %mul3A_8, %dma_start3A_257] : memref<8x10112x128xf32, #tpu.memory_space<hbm>> -> memref<1x632x128xf32, #tpu.memory_space<hbm>>
      %dma_start3A_259 = tpu.memref_squeeze %dma_start3A_258 : memref<1x632x128xf32, #tpu.memory_space<hbm>> -> memref<632x128xf32, #tpu.memory_space<hbm>>
      %dma_start3A_260 = arith.constant 0 : i32
      %dma_start3A_261 = tpu.memref_slice %arg12[%mul3A_8, %dma_start3A_260] : memref<10112x128xf32, #tpu.memory_space<vmem_shared>> -> memref<632x128xf32, #tpu.memory_space<vmem_shared>>
      tpu.enqueue_dma source(%dma_start3A_261 : memref<632x128xf32, #tpu.memory_space<vmem_shared>>) target(%dma_start3A_259 : memref<632x128xf32, #tpu.memory_space<hbm>>) target_semaphore(%run_scoped3A_256 : memref<!tpu.dma_semaphore, #tpu.memory_space<semaphore_mem>>)
      %dma_wait3A = arith.constant 0 : i32
      %dma_wait3A_262 = tpu.memref_slice %arg5[%add3A_181, %mul3A_8, %dma_wait3A] : memref<8x10112x128xf32, #tpu.memory_space<hbm>> -> memref<1x632x128xf32, #tpu.memory_space<hbm>>
      %dma_wait3A_263 = tpu.memref_squeeze %dma_wait3A_262 : memref<1x632x128xf32, #tpu.memory_space<hbm>> -> memref<632x128xf32, #tpu.memory_space<hbm>>
      %dma_wait3A_264 = arith.constant 0 : i32
      %dma_wait3A_265 = tpu.memref_slice %arg12[%mul3A_8, %dma_wait3A_264] : memref<10112x128xf32, #tpu.memory_space<vmem_shared>> -> memref<632x128xf32, #tpu.memory_space<vmem_shared>>
      tpu.wait_dma2 semaphore(%run_scoped3A_256 : memref<!tpu.dma_semaphore, #tpu.memory_space<semaphore_mem>>) src(%dma_wait3A_265 : memref<632x128xf32, #tpu.memory_space<vmem_shared>>) dst(%dma_wait3A_263 : memref<632x128xf32, #tpu.memory_space<hbm>>)
      tpu.yield
    }) : () -> ()
    return
  }
}

module attributes {stable_mosaic.version = 14 : i64} {
  func.func @_tc_degred_body(%arg0: i32, %arg1: memref<8x16x128xf32, #tpu.memory_space<vmem>>, %arg2: memref<128x8xf32, #tpu.memory_space<vmem>>) attributes {dimension_semantics = [#tpu.dimension_semantics<arbitrary>], iteration_bounds = array<i64: 79>, scalar_prefetch = 0 : i64, scratch_operands = 0 : i64, tpu.core_type = #tpu.core_type<tc>, window_params = [{transform_indices = @transform_0, window_bounds = array<i64: 8, 16, 128>}, {transform_indices = @transform_1, window_bounds = array<i64: 128, 8>}]} {
    %get3A = arith.constant 0 : index
    %get3A_0 = arith.constant 0 : index
    %get3A_1 = arith.constant 0 : index
    %get3A_2 = vector.load %arg1[%get3A, %get3A_0, %get3A_1] : memref<8x16x128xf32, #tpu.memory_space<vmem>>, vector<8x16x128xf32>
    %reduce_sum3A = arith.constant dense<0.000000e+00> : vector<8x128xf32>
    %reduce_sum3A_3 = vector.multi_reduction <add>, %get3A_2, %reduce_sum3A [1] : vector<8x16x128xf32> to vector<8x128xf32>
    %transpose3A = tpu.transpose %reduce_sum3A_3, [1, 0] : vector<8x128xf32> -> vector<128x8xf32>
    %swap3A = arith.constant 0 : index
    %swap3A_4 = arith.constant 0 : index
    %swap3A_5 = vector.load %arg2[%swap3A, %swap3A_4] : memref<128x8xf32, #tpu.memory_space<vmem>>, vector<128x8xf32>
    tpu.vector_store %arg2[%swap3A, %swap3A_4], %transpose3A {strides = array<i32>} : memref<128x8xf32, #tpu.memory_space<vmem>>, vector<128x8xf32>,
    return
  }
  func.func @transform_0(%arg0: i32) -> (i32, i32, i32) {
    %c0_i32 = arith.constant 0 : i32
    %c0_i32_0 = arith.constant 0 : i32
    %c0_i32_1 = arith.constant 0 : i32
    return %c0_i32, %c0_i32_0, %arg0 : i32, i32, i32
  }
  func.func @transform_1(%arg0: i32) -> (i32, i32) {
    %c0_i32 = arith.constant 0 : i32
    %c0_i32_0 = arith.constant 0 : i32
    return %arg0, %c0_i32 : i32, i32
  }
}

module attributes {stable_mosaic.version = 14 : i64} {
  func.func @_tc_body(%arg0: i32, %arg1: memref<8x400x128xf32, #tpu.memory_space<vmem>>, %arg2: memref<400x8xf32, #tpu.memory_space<vmem>>, %arg3: memref<7x128x128xf32, #tpu.memory_space<vmem>>, %arg4: memref<7x128xf32, #tpu.memory_space<vmem>>, %arg5: memref<400x128xf32, #tpu.memory_space<vmem>>) attributes {dimension_semantics = [#tpu.dimension_semantics<arbitrary>], iteration_bounds = array<i64: 25>, scalar_prefetch = 0 : i64, scratch_operands = 0 : i64, tpu.core_type = #tpu.core_type<tc>, window_params = [{transform_indices = @transform_0, window_bounds = array<i64: 8, 400, 128>}, {transform_indices = @transform_1, window_bounds = array<i64: 400, 8>}, {pipeline_mode = #tpu.pipeline_mode<synchronous>, transform_indices = @transform_2, window_bounds = array<i64: 7, 128, 128>}, {pipeline_mode = #tpu.pipeline_mode<synchronous>, transform_indices = @transform_3, window_bounds = array<i64: 7, 128>}, {transform_indices = @transform_4, window_bounds = array<i64: 400, 128>}]} {
    %get3A = arith.constant 0 : index
    %get3A_0 = arith.constant 0 : index
    %get3A_1 = vector.load %arg2[%get3A, %get3A_0] : memref<400x8xf32, #tpu.memory_space<vmem>>, vector<400x8xf32>
    %broadcast_in_dim3A = arith.constant 0.000000e+00 : f32
    %broadcast_in_dim3A_2 = vector.broadcast %broadcast_in_dim3A : f32 to vector<400x128xf32>
    %get3A_3 = arith.constant 0 : index
    %get3A_4 = arith.constant 0 : index
    %get3A_5 = arith.constant 0 : index
    %get3A_6 = vector.load %arg1[%get3A_3, %get3A_4, %get3A_5] : memref<8x400x128xf32, #tpu.memory_space<vmem>>, vector<1x400x128xf32>
    %get3A_7 = vector.shape_cast %get3A_6 : vector<1x400x128xf32> to vector<400x128xf32>
    %slice3A = vector.extract_strided_slice %get3A_1 {offsets = [0, 0], sizes = [400, 1], strides = [1, 1]} : vector<400x8xf32> to vector<400x1xf32>
    %squeeze3A = vector.shape_cast %slice3A : vector<400x1xf32> to vector<400xf32>
    %max3A = arith.constant 1.000000e+00 : f32
    %max3A_8 = vector.broadcast %max3A : f32 to vector<400xf32>
    %max3A_9 = arith.maximumf %squeeze3A, %max3A_8 : vector<400xf32>
    %broadcast_in_dim3A_10 = vector.shape_cast %max3A_9 : vector<400xf32> to vector<400x1xf32>
    %div3A = vector.broadcast %broadcast_in_dim3A_10 : vector<400x1xf32> to vector<400x128xf32>
    %div3A_11 = arith.divf %get3A_7, %div3A : vector<400x128xf32>
    %get3A_12 = arith.constant 0 : index
    %get3A_13 = arith.constant 0 : index
    %get3A_14 = arith.constant 0 : index
    %get3A_15 = vector.load %arg3[%get3A_12, %get3A_13, %get3A_14] : memref<7x128x128xf32, #tpu.memory_space<vmem>>, vector<1x128x128xf32>
    %get3A_16 = vector.shape_cast %get3A_15 : vector<1x128x128xf32> to vector<128x128xf32>
    %dot_general3A = arith.constant dense<0.000000e+00> : vector<400x128xf32>
    %dot_general3A_17 = tpu.matmul %div3A_11, %get3A_16, %dot_general3A {dimension_numbers = #tpu.dot_dimension_numbers<[1], [0], [0], [1], [0, 0, 1, 1], [], []>, transpose_lhs_hint = false} : vector<400x128xf32>, vector<128x128xf32>, vector<400x128xf32> -> vector<400x128xf32>
    %add3A = arith.addf %broadcast_in_dim3A_2, %dot_general3A_17 : vector<400x128xf32>
    %get3A_18 = arith.constant 1 : index
    %get3A_19 = arith.constant 0 : index
    %get3A_20 = arith.constant 0 : index
    %get3A_21 = vector.load %arg1[%get3A_18, %get3A_19, %get3A_20] : memref<8x400x128xf32, #tpu.memory_space<vmem>>, vector<1x400x128xf32>
    %get3A_22 = vector.shape_cast %get3A_21 : vector<1x400x128xf32> to vector<400x128xf32>
    %slice3A_23 = vector.extract_strided_slice %get3A_1 {offsets = [0, 1], sizes = [400, 1], strides = [1, 1]} : vector<400x8xf32> to vector<400x1xf32>
    %squeeze3A_24 = vector.shape_cast %slice3A_23 : vector<400x1xf32> to vector<400xf32>
    %max3A_25 = arith.constant 1.000000e+00 : f32
    %max3A_26 = vector.broadcast %max3A_25 : f32 to vector<400xf32>
    %max3A_27 = arith.maximumf %squeeze3A_24, %max3A_26 : vector<400xf32>
    %broadcast_in_dim3A_28 = vector.shape_cast %max3A_27 : vector<400xf32> to vector<400x1xf32>
    %div3A_29 = vector.broadcast %broadcast_in_dim3A_28 : vector<400x1xf32> to vector<400x128xf32>
    %div3A_30 = arith.divf %get3A_22, %div3A_29 : vector<400x128xf32>
    %get3A_31 = arith.constant 1 : index
    %get3A_32 = arith.constant 0 : index
    %get3A_33 = arith.constant 0 : index
    %get3A_34 = vector.load %arg3[%get3A_31, %get3A_32, %get3A_33] : memref<7x128x128xf32, #tpu.memory_space<vmem>>, vector<1x128x128xf32>
    %get3A_35 = vector.shape_cast %get3A_34 : vector<1x128x128xf32> to vector<128x128xf32>
    %dot_general3A_36 = arith.constant dense<0.000000e+00> : vector<400x128xf32>
    %dot_general3A_37 = tpu.matmul %div3A_30, %get3A_35, %dot_general3A_36 {dimension_numbers = #tpu.dot_dimension_numbers<[1], [0], [0], [1], [0, 0, 1, 1], [], []>, transpose_lhs_hint = false} : vector<400x128xf32>, vector<128x128xf32>, vector<400x128xf32> -> vector<400x128xf32>
    %add3A_38 = arith.addf %add3A, %dot_general3A_37 : vector<400x128xf32>
    %get3A_39 = arith.constant 2 : index
    %get3A_40 = arith.constant 0 : index
    %get3A_41 = arith.constant 0 : index
    %get3A_42 = vector.load %arg1[%get3A_39, %get3A_40, %get3A_41] : memref<8x400x128xf32, #tpu.memory_space<vmem>>, vector<1x400x128xf32>
    %get3A_43 = vector.shape_cast %get3A_42 : vector<1x400x128xf32> to vector<400x128xf32>
    %slice3A_44 = vector.extract_strided_slice %get3A_1 {offsets = [0, 2], sizes = [400, 1], strides = [1, 1]} : vector<400x8xf32> to vector<400x1xf32>
    %squeeze3A_45 = vector.shape_cast %slice3A_44 : vector<400x1xf32> to vector<400xf32>
    %max3A_46 = arith.constant 1.000000e+00 : f32
    %max3A_47 = vector.broadcast %max3A_46 : f32 to vector<400xf32>
    %max3A_48 = arith.maximumf %squeeze3A_45, %max3A_47 : vector<400xf32>
    %broadcast_in_dim3A_49 = vector.shape_cast %max3A_48 : vector<400xf32> to vector<400x1xf32>
    %div3A_50 = vector.broadcast %broadcast_in_dim3A_49 : vector<400x1xf32> to vector<400x128xf32>
    %div3A_51 = arith.divf %get3A_43, %div3A_50 : vector<400x128xf32>
    %get3A_52 = arith.constant 2 : index
    %get3A_53 = arith.constant 0 : index
    %get3A_54 = arith.constant 0 : index
    %get3A_55 = vector.load %arg3[%get3A_52, %get3A_53, %get3A_54] : memref<7x128x128xf32, #tpu.memory_space<vmem>>, vector<1x128x128xf32>
    %get3A_56 = vector.shape_cast %get3A_55 : vector<1x128x128xf32> to vector<128x128xf32>
    %dot_general3A_57 = arith.constant dense<0.000000e+00> : vector<400x128xf32>
    %dot_general3A_58 = tpu.matmul %div3A_51, %get3A_56, %dot_general3A_57 {dimension_numbers = #tpu.dot_dimension_numbers<[1], [0], [0], [1], [0, 0, 1, 1], [], []>, transpose_lhs_hint = false} : vector<400x128xf32>, vector<128x128xf32>, vector<400x128xf32> -> vector<400x128xf32>
    %add3A_59 = arith.addf %add3A_38, %dot_general3A_58 : vector<400x128xf32>
    %get3A_60 = arith.constant 3 : index
    %get3A_61 = arith.constant 0 : index
    %get3A_62 = arith.constant 0 : index
    %get3A_63 = vector.load %arg1[%get3A_60, %get3A_61, %get3A_62] : memref<8x400x128xf32, #tpu.memory_space<vmem>>, vector<1x400x128xf32>
    %get3A_64 = vector.shape_cast %get3A_63 : vector<1x400x128xf32> to vector<400x128xf32>
    %slice3A_65 = vector.extract_strided_slice %get3A_1 {offsets = [0, 3], sizes = [400, 1], strides = [1, 1]} : vector<400x8xf32> to vector<400x1xf32>
    %squeeze3A_66 = vector.shape_cast %slice3A_65 : vector<400x1xf32> to vector<400xf32>
    %max3A_67 = arith.constant 1.000000e+00 : f32
    %max3A_68 = vector.broadcast %max3A_67 : f32 to vector<400xf32>
    %max3A_69 = arith.maximumf %squeeze3A_66, %max3A_68 : vector<400xf32>
    %broadcast_in_dim3A_70 = vector.shape_cast %max3A_69 : vector<400xf32> to vector<400x1xf32>
    %div3A_71 = vector.broadcast %broadcast_in_dim3A_70 : vector<400x1xf32> to vector<400x128xf32>
    %div3A_72 = arith.divf %get3A_64, %div3A_71 : vector<400x128xf32>
    %get3A_73 = arith.constant 3 : index
    %get3A_74 = arith.constant 0 : index
    %get3A_75 = arith.constant 0 : index
    %get3A_76 = vector.load %arg3[%get3A_73, %get3A_74, %get3A_75] : memref<7x128x128xf32, #tpu.memory_space<vmem>>, vector<1x128x128xf32>
    %get3A_77 = vector.shape_cast %get3A_76 : vector<1x128x128xf32> to vector<128x128xf32>
    %dot_general3A_78 = arith.constant dense<0.000000e+00> : vector<400x128xf32>
    %dot_general3A_79 = tpu.matmul %div3A_72, %get3A_77, %dot_general3A_78 {dimension_numbers = #tpu.dot_dimension_numbers<[1], [0], [0], [1], [0, 0, 1, 1], [], []>, transpose_lhs_hint = false} : vector<400x128xf32>, vector<128x128xf32>, vector<400x128xf32> -> vector<400x128xf32>
    %add3A_80 = arith.addf %add3A_59, %dot_general3A_79 : vector<400x128xf32>
    %get3A_81 = arith.constant 4 : index
    %get3A_82 = arith.constant 0 : index
    %get3A_83 = arith.constant 0 : index
    %get3A_84 = vector.load %arg1[%get3A_81, %get3A_82, %get3A_83] : memref<8x400x128xf32, #tpu.memory_space<vmem>>, vector<1x400x128xf32>
    %get3A_85 = vector.shape_cast %get3A_84 : vector<1x400x128xf32> to vector<400x128xf32>
    %slice3A_86 = vector.extract_strided_slice %get3A_1 {offsets = [0, 4], sizes = [400, 1], strides = [1, 1]} : vector<400x8xf32> to vector<400x1xf32>
    %squeeze3A_87 = vector.shape_cast %slice3A_86 : vector<400x1xf32> to vector<400xf32>
    %max3A_88 = arith.constant 1.000000e+00 : f32
    %max3A_89 = vector.broadcast %max3A_88 : f32 to vector<400xf32>
    %max3A_90 = arith.maximumf %squeeze3A_87, %max3A_89 : vector<400xf32>
    %broadcast_in_dim3A_91 = vector.shape_cast %max3A_90 : vector<400xf32> to vector<400x1xf32>
    %div3A_92 = vector.broadcast %broadcast_in_dim3A_91 : vector<400x1xf32> to vector<400x128xf32>
    %div3A_93 = arith.divf %get3A_85, %div3A_92 : vector<400x128xf32>
    %get3A_94 = arith.constant 4 : index
    %get3A_95 = arith.constant 0 : index
    %get3A_96 = arith.constant 0 : index
    %get3A_97 = vector.load %arg3[%get3A_94, %get3A_95, %get3A_96] : memref<7x128x128xf32, #tpu.memory_space<vmem>>, vector<1x128x128xf32>
    %get3A_98 = vector.shape_cast %get3A_97 : vector<1x128x128xf32> to vector<128x128xf32>
    %dot_general3A_99 = arith.constant dense<0.000000e+00> : vector<400x128xf32>
    %dot_general3A_100 = tpu.matmul %div3A_93, %get3A_98, %dot_general3A_99 {dimension_numbers = #tpu.dot_dimension_numbers<[1], [0], [0], [1], [0, 0, 1, 1], [], []>, transpose_lhs_hint = false} : vector<400x128xf32>, vector<128x128xf32>, vector<400x128xf32> -> vector<400x128xf32>
    %add3A_101 = arith.addf %add3A_80, %dot_general3A_100 : vector<400x128xf32>
    %get3A_102 = arith.constant 5 : index
    %get3A_103 = arith.constant 0 : index
    %get3A_104 = arith.constant 0 : index
    %get3A_105 = vector.load %arg1[%get3A_102, %get3A_103, %get3A_104] : memref<8x400x128xf32, #tpu.memory_space<vmem>>, vector<1x400x128xf32>
    %get3A_106 = vector.shape_cast %get3A_105 : vector<1x400x128xf32> to vector<400x128xf32>
    %slice3A_107 = vector.extract_strided_slice %get3A_1 {offsets = [0, 5], sizes = [400, 1], strides = [1, 1]} : vector<400x8xf32> to vector<400x1xf32>
    %squeeze3A_108 = vector.shape_cast %slice3A_107 : vector<400x1xf32> to vector<400xf32>
    %max3A_109 = arith.constant 1.000000e+00 : f32
    %max3A_110 = vector.broadcast %max3A_109 : f32 to vector<400xf32>
    %max3A_111 = arith.maximumf %squeeze3A_108, %max3A_110 : vector<400xf32>
    %broadcast_in_dim3A_112 = vector.shape_cast %max3A_111 : vector<400xf32> to vector<400x1xf32>
    %div3A_113 = vector.broadcast %broadcast_in_dim3A_112 : vector<400x1xf32> to vector<400x128xf32>
    %div3A_114 = arith.divf %get3A_106, %div3A_113 : vector<400x128xf32>
    %get3A_115 = arith.constant 5 : index
    %get3A_116 = arith.constant 0 : index
    %get3A_117 = arith.constant 0 : index
    %get3A_118 = vector.load %arg3[%get3A_115, %get3A_116, %get3A_117] : memref<7x128x128xf32, #tpu.memory_space<vmem>>, vector<1x128x128xf32>
    %get3A_119 = vector.shape_cast %get3A_118 : vector<1x128x128xf32> to vector<128x128xf32>
    %dot_general3A_120 = arith.constant dense<0.000000e+00> : vector<400x128xf32>
    %dot_general3A_121 = tpu.matmul %div3A_114, %get3A_119, %dot_general3A_120 {dimension_numbers = #tpu.dot_dimension_numbers<[1], [0], [0], [1], [0, 0, 1, 1], [], []>, transpose_lhs_hint = false} : vector<400x128xf32>, vector<128x128xf32>, vector<400x128xf32> -> vector<400x128xf32>
    %add3A_122 = arith.addf %add3A_101, %dot_general3A_121 : vector<400x128xf32>
    %get3A_123 = arith.constant 6 : index
    %get3A_124 = arith.constant 0 : index
    %get3A_125 = arith.constant 0 : index
    %get3A_126 = vector.load %arg1[%get3A_123, %get3A_124, %get3A_125] : memref<8x400x128xf32, #tpu.memory_space<vmem>>, vector<1x400x128xf32>
    %get3A_127 = vector.shape_cast %get3A_126 : vector<1x400x128xf32> to vector<400x128xf32>
    %get3A_128 = arith.constant 7 : index
    %get3A_129 = arith.constant 0 : index
    %get3A_130 = arith.constant 0 : index
    %get3A_131 = vector.load %arg1[%get3A_128, %get3A_129, %get3A_130] : memref<8x400x128xf32, #tpu.memory_space<vmem>>, vector<1x400x128xf32>
    %get3A_132 = vector.shape_cast %get3A_131 : vector<1x400x128xf32> to vector<400x128xf32>
    %add3A_133 = arith.addf %get3A_127, %get3A_132 : vector<400x128xf32>
    %slice3A_134 = vector.extract_strided_slice %get3A_1 {offsets = [0, 6], sizes = [400, 1], strides = [1, 1]} : vector<400x8xf32> to vector<400x1xf32>
    %squeeze3A_135 = vector.shape_cast %slice3A_134 : vector<400x1xf32> to vector<400xf32>
    %slice3A_136 = vector.extract_strided_slice %get3A_1 {offsets = [0, 7], sizes = [400, 1], strides = [1, 1]} : vector<400x8xf32> to vector<400x1xf32>
    %squeeze3A_137 = vector.shape_cast %slice3A_136 : vector<400x1xf32> to vector<400xf32>
    %add3A_138 = arith.addf %squeeze3A_135, %squeeze3A_137 : vector<400xf32>
    %max3A_139 = arith.constant 1.000000e+00 : f32
    %max3A_140 = vector.broadcast %max3A_139 : f32 to vector<400xf32>
    %max3A_141 = arith.maximumf %add3A_138, %max3A_140 : vector<400xf32>
    %broadcast_in_dim3A_142 = vector.shape_cast %max3A_141 : vector<400xf32> to vector<400x1xf32>
    %div3A_143 = vector.broadcast %broadcast_in_dim3A_142 : vector<400x1xf32> to vector<400x128xf32>
    %div3A_144 = arith.divf %add3A_133, %div3A_143 : vector<400x128xf32>
    %get3A_145 = arith.constant 6 : index
    %get3A_146 = arith.constant 0 : index
    %get3A_147 = arith.constant 0 : index
    %get3A_148 = vector.load %arg3[%get3A_145, %get3A_146, %get3A_147] : memref<7x128x128xf32, #tpu.memory_space<vmem>>, vector<1x128x128xf32>
    %get3A_149 = vector.shape_cast %get3A_148 : vector<1x128x128xf32> to vector<128x128xf32>
    %dot_general3A_150 = arith.constant dense<0.000000e+00> : vector<400x128xf32>
    %dot_general3A_151 = tpu.matmul %div3A_144, %get3A_149, %dot_general3A_150 {dimension_numbers = #tpu.dot_dimension_numbers<[1], [0], [0], [1], [0, 0, 1, 1], [], []>, transpose_lhs_hint = false} : vector<400x128xf32>, vector<128x128xf32>, vector<400x128xf32> -> vector<400x128xf32>
    %add3A_152 = arith.addf %add3A_122, %dot_general3A_151 : vector<400x128xf32>
    %get3A_153 = arith.constant 0 : index
    %get3A_154 = arith.constant 0 : index
    %get3A_155 = vector.load %arg4[%get3A_153, %get3A_154] : memref<7x128xf32, #tpu.memory_space<vmem>>, vector<7x128xf32>
    %reduce_sum3A = arith.constant dense<0.000000e+00> : vector<128xf32>
    %reduce_sum3A_156 = vector.multi_reduction <add>, %get3A_155, %reduce_sum3A [0] : vector<7x128xf32> to vector<128xf32>
    %broadcast_in_dim3A_157 = vector.shape_cast %reduce_sum3A_156 : vector<128xf32> to vector<1x128xf32>
    %add3A_158 = vector.broadcast %broadcast_in_dim3A_157 : vector<1x128xf32> to vector<400x128xf32>
    %add3A_159 = arith.addf %add3A_152, %add3A_158 : vector<400x128xf32>
    %mul3A = arith.constant 0.142857149 : f32
    %mul3A_160 = vector.broadcast %mul3A : f32 to vector<400x128xf32>
    %mul3A_161 = arith.mulf %add3A_159, %mul3A_160 : vector<400x128xf32>
    %swap3A = arith.constant 0 : index
    %swap3A_162 = arith.constant 0 : index
    %swap3A_163 = vector.load %arg5[%swap3A, %swap3A_162] : memref<400x128xf32, #tpu.memory_space<vmem>>, vector<400x128xf32>
    tpu.vector_store %arg5[%swap3A, %swap3A_162], %mul3A_161 {strides = array<i32>} : memref<400x128xf32, #tpu.memory_space<vmem>>, vector<400x128xf32>,
    return
  }
  func.func @transform_0(%arg0: i32) -> (i32, i32, i32) {
    %c0_i32 = arith.constant 0 : i32
    %c0_i32_0 = arith.constant 0 : i32
    %c0_i32_1 = arith.constant 0 : i32
    return %c0_i32, %arg0, %c0_i32_0 : i32, i32, i32
  }
  func.func @transform_1(%arg0: i32) -> (i32, i32) {
    %c0_i32 = arith.constant 0 : i32
    %c0_i32_0 = arith.constant 0 : i32
    return %arg0, %c0_i32 : i32, i32
  }
  func.func @transform_2(%arg0: i32) -> (i32, i32, i32) {
    %c0_i32 = arith.constant 0 : i32
    %c0_i32_0 = arith.constant 0 : i32
    %c0_i32_1 = arith.constant 0 : i32
    %c0_i32_2 = arith.constant 0 : i32
    return %c0_i32, %c0_i32_0, %c0_i32_1 : i32, i32, i32
  }
  func.func @transform_3(%arg0: i32) -> (i32, i32) {
    %c0_i32 = arith.constant 0 : i32
    %c0_i32_0 = arith.constant 0 : i32
    %c0_i32_1 = arith.constant 0 : i32
    return %c0_i32, %c0_i32_0 : i32, i32
  }
  func.func @transform_4(%arg0: i32) -> (i32, i32) {
    %c0_i32 = arith.constant 0 : i32
    %c0_i32_0 = arith.constant 0 : i32
    return %arg0, %c0_i32 : i32, i32
  }
}

</mosaic_0001>

<sc_bundles>
// kernel: kernel.5.cloned.1.call-start
scs
__scs_entry_jumppad:
0x0: {  	(pc) =	sbr.rel $0x88, $3  }
0x1: {  	(tag) =	ssettag $0x0;
	lr =	simm.s32 $0x1  }
0x2: {  	[smem:$0x3F97] =	sst lr;
	_ =	strace $0xD0000000  }
0x3: {  	_ = 	snop  }
0x4: {  	_ = 	snop  }
0x5: {  	_ = 	snop  }
0x6: {  	_ = 	snop  }
0x7: {  	_ = 	snop  }
__scs_overlays_trampoline_lowered:
0x8: {  	[smem:$0x3FA6] =	sst s0  }
0x9: {  	[smem:$0x3FA7] =	sst s1  }
0xa: {  	[smem:$0x3FA8] =	sst s2  }
0xb: {  	[smem:$0x3FA9] =	sst s3  }
0xc: {  	[smem:$0x3FAA] =	sst s4  }
0xd: {  	[smem:$0x3FAB] =	sst s5  }
0xe: {  	[smem:$0x3FAC] =	sst s6  }
0xf: {  	[smem:$0x3FAD] =	sst s7  }
0x10: {  	[smem:$0x3FAE] =	sst s8  }
0x11: {  	[smem:$0x3FAF] =	sst s9;
	s0 =	simm.s32 @!p0 $0x0  }
0x12: {  	s1 =	sld [smem:$0x3F95];
	s0 =	simm.s32 @p0 $0x1  }
0x13: {  	[smem:$0x3FB0] =	sst s0;
	s0 =	simm.s32 @!p1 $0x0  }
0x14: {  	s2 =	sld [smem:$0x3F94];
	s0 =	simm.s32 @p1 $0x1  }
0x15: {  	[smem:$0x3FB1] =	sst s0;
	s0 =	simm.s32 @!p2 $0x0  }
0x16: {  	s3 =	sld [smem:$0x3FDB];
	s0 =	simm.s32 @p2 $0x1  }
0x17: {  	s4 =	simm.s32 $0x1BF5;
	[smem:$0x3FB3] =	sst s0  }
0x18: {  	s0 =	sld [smem:$0x3F96];
	_ =	swait.ge [sflag:s4], $0x0  }
0x19: {  	s7 =	sld [smem:$0x3F97]  }
0x1a: {  	s8 =	sadd.s32 $0xFFFFE003, lr  }
0x1b: {  	s9 =	sadd.s32 $0xFFFFFEF7, lr;
	s5 =	simm.s32 $0xFFFFFFFF;
	p2 =	slt.u32 s8, $0xFFFFF086  }
0x1c: {  	p1 =	slt.u32 s9, $0xF7A;
	s5 =	simm.s32 @!p2 $0x0  }
0x1d: {  	s5 =	simm.s32 @p1 $0x1;
	p0 =	seq.s32 s7, s2  }
0x1e: {  	s7 =	smul.u32 @!p0 $0xF7A, s2;
	p2 =	seq.s32 @!p0 s5, $0x0  }
0x1f: {  	s9 =	smul.u32 $0xF7A, s1;
	s8 =	simm.s32 @!p0 $0x1BF5;
	p2 =	por !p2, p0  }
0x20: {  	[sflag:s8] =	ssyncset.s32 @!p0 $0xFFFFF086;
	s6 =	sadd.s32 @!p0 s3, s7;
	s7 =	simm.s32 @!p0 $0x108  }
0x21: {  	s3 =	sadd.s32 s3, s9;
	s6 =	sadd.s32 @!p0 $0x88, s6;
	s7 =	simm.s32 @p2 $0x1082  }
0x22: {  	[simem:s7], [sflag:s8] =	dma.local @!p0 [hbm:s6], $0xF7A  }
0x23: {  	s9 =	sor.u32 $0xD0000000, s2;
	s6 =	simm.s32 $0x108;
	_ =	swait.ge @!p0 [sflag:s8], $0x0  }
0x24: {  	s3 =	sadd.s32 $0x88, s3;
	s6 =	simm.s32 @!p1 $0x1082;
	[sflag:s4] =	ssyncset.s32 $0xFFFFF086  }
0x25: {  	[simem:s6], [sflag:s4] =	dma.local [hbm:s3], $0xF7A  }
0x26: {  	[smem:$0x3F97] =	sst s1;
	(tag) =	ssettag s2;
	_ =	strace s9  }
0x27: {  	s1 =	sld [smem:$0x3FA7]  }
0x28: {  	s2 =	sld [smem:$0x3FA8]  }
0x29: {  	s4 =	sld [smem:$0x3FAA]  }
0x2a: {  	p0 =	seq.s32 s5, $0x0;
	s5 =	sld [smem:$0x3FAB]  }
0x2b: {  	s6 =	sld [smem:$0x3FAC]  }
0x2c: {  	s7 =	sld [smem:$0x3FAD]  }
0x2d: {  	s3 =	simm.s32 $0x108;
	s8 =	sld [smem:$0x3FAE]  }
0x2e: {  	s3 =	simm.s32 @!p0 $0x1082;
	s9 =	sld [smem:$0x3FAF]  }
0x2f: {  	lr =	sadd.s32 s0, s3;
	s0 =	sld [smem:$0x3FA6]  }
0x30: {  	s3 =	sld [smem:$0x3FA9]  }
0x31: {  	[smem:$0x3FB2] =	sst s10  }
0x32: {  	s10 =	sld [smem:$0x3FB0];
	_ =	sdelay $0x3  }
0x33: {  	p0 =	seq.s32 s10, $0x1;
	s10 =	sld [smem:$0x3FB2];
	_ =	sdelay $0x3  }
0x34: {  	[smem:$0x3FB2] =	sst s10  }
0x35: {  	s10 =	sld [smem:$0x3FB1];
	_ =	sdelay $0x3  }
0x36: {  	p1 =	seq.s32 s10, $0x1;
	s10 =	sld [smem:$0x3FB2];
	_ =	sdelay $0x3  }
0x37: {  	[smem:$0x3FB2] =	sst s10  }
0x38: {  	s10 =	sld [smem:$0x3FB3]  }
0x39: {  	_ = 	snop;
	(pc) =	sbr.ind lr, $3  }
0x3a: {  	_ = 	snop  }
0x3b: {  	_ = 	snop  }
0x3c: {  	p2 =	seq.s32 s10, $0x1;
	s10 =	sld [smem:$0x3FB2]  }
0x3d: {  	_ =	shalt  }
0x3e: {  	_ =	shalt  }
0x3f: {  	_ =	shalt  }
0x40: {  	_ =	shalt  }
0x41: {  	_ =	shalt  }
0x42: {  	_ =	shalt  }
0x43: {  	_ =	shalt  }
0x44: {  	_ =	shalt  }
0x45: {  	_ =	shalt  }
0x46: {  	_ =	shalt  }
0x47: {  	_ =	shalt  }
0x48: {  	_ =	shalt  }
0x49: {  	_ =	shalt  }
0x4a: {  	_ =	shalt  }
0x4b: {  	_ =	shalt  }
0x4c: {  	_ =	shalt  }
0x4d: {  	_ =	shalt  }
0x4e: {  	_ =	shalt  }
0x4f: {  	_ =	shalt  }
0x50: {  	_ =	shalt  }
0x51: {  	_ =	shalt  }
0x52: {  	_ =	shalt  }
0x53: {  	_ =	shalt  }
0x54: {  	_ =	shalt  }
0x55: {  	_ =	shalt  }
0x56: {  	_ =	shalt  }
0x57: {  	_ =	shalt  }
0x58: {  	_ =	shalt  }
0x59: {  	_ =	shalt  }
0x5a: {  	_ =	shalt  }
0x5b: {  	_ =	shalt  }
0x5c: {  	_ =	shalt  }
0x5d: {  	_ =	shalt  }
0x5e: {  	_ =	shalt  }
0x5f: {  	_ =	shalt  }
0x60: {  	_ =	shalt  }
0x61: {  	_ =	shalt  }
0x62: {  	_ =	shalt  }
0x63: {  	_ =	shalt  }
0x64: {  	_ =	shalt  }
0x65: {  	_ =	shalt  }
0x66: {  	_ =	shalt  }
0x67: {  	_ =	shalt  }
0x68: {  	_ =	shalt  }
0x69: {  	_ =	shalt  }
0x6a: {  	_ =	shalt  }
0x6b: {  	_ =	shalt  }
0x6c: {  	_ =	shalt  }
0x6d: {  	_ =	shalt  }
0x6e: {  	_ =	shalt  }
0x6f: {  	_ =	shalt  }
0x70: {  	_ =	shalt  }
0x71: {  	_ =	shalt  }
0x72: {  	_ =	shalt  }
0x73: {  	_ =	shalt  }
0x74: {  	_ =	shalt  }
0x75: {  	_ =	shalt  }
0x76: {  	_ =	shalt  }
0x77: {  	_ =	shalt  }
0x78: {  	_ =	shalt  }
0x79: {  	_ =	shalt  }
0x7a: {  	_ =	shalt  }
0x7b: {  	_ =	shalt  }
0x7c: {  	_ =	shalt  }
0x7d: {  	_ =	shalt  }
0x7e: {  	_ =	shalt  }
0x7f: {  	_ =	shalt  }
0x80: {  	_ =	shalt  }
0x81: {  	_ =	shalt  }
0x82: {  	_ =	shalt  }
0x83: {  	_ =	shalt  }
0x84: {  	_ =	shalt  }
0x85: {  	_ =	shalt  }
0x86: {  	_ =	shalt  }
0x87: {  	_ =	shalt  }
.Lfunc_end0:
.L_simem_size_0:
called_computation_lowered:
.L_overlay_start_0:
0x88: {  	s2 =	sld [smem:$0x3FD9]  }
0x89: {  	s3 =	sld [smem:$0x3FFE];
	_ =	sdelay $0x1  }
0x8a: {  	s1 =	srdreg.scid  }
0x8b: {  	s0 =	sand.u32 $0x1, s1  }
0x8c: {  	s17 =	sshll.u32 s0, $0xA;
	s2 =	sadd.s32 s3, s2  }
0x8d: {  	s2 =	sadd.s32 s2, s17  }
0x8e: {  	[smem:$0x3FBE] =	sst s2  }
0x8f: {  	_ = 	snop  }
0x90: {  	s2 =	sld [smem:$0x3FC9]  }
0x91: {  	s18 =	sld [smem:$0x3FD0];
	(tm) =	ssettm $0x1  }
0x92: {  	s4 =	sld [smem:$0x3FFB];
	_ =	sdelay $0x3  }
0x93: {  	_ =	strace s4  }
0x94: {  	s4 =	sld [smem:$0x3FFC];
	_ =	sdelay $0x3  }
0x95: {  	_ =	strace s4  }
0x96: {  	s4 =	sld [smem:$0x3FFD];
	_ =	sdelay $0x3  }
0x97: {  	_ =	strace s4  }
0x98: {  	_ =	strace $0x8FFFFFFF  }
0x99: {  	s19 =	sld [smem:$0x3FDB];
	_ =	sdelay $0x1  }
0x9a: {  	s5 =	simm.s32 $_scs_section_size  }
0x9b: {  	s6 =	simm.s32 $_size__tile_overlayer_lowered;
	s7 =	simm.s32 $_tile_overlayer_lowered  }
0x9c: {  	s22 =	simm.s32 $0x1BFF;
	s21 =	sshll.u32 s7, $0x1;
	s4 =	sadd.s32 s5, s19  }
0x9d: {  	s8 =	simm.s32 $0x0;
	s20 =	sshll.u32 s6, $0x1;
	s6 =	sadd.s32 s21, s4  }
0x9e: {  	[timem:s8], [sflag:s22] =	dma.local [hbm:s6], s20  }
0x9f: {  	_ =	swait.ge [sflag:s22], s20  }
0xa0: {  	s5 =	ssub.s32 $0x0, s20;
	[sflag:s22] =	ssyncset.done $0x0  }
0xa1: {  	[sflag:s22] =	ssyncadd.s32 s5;
	_ =	sdelay $0x1  }
0xa2: {  	s23 =	simm.s32 $0x1B8B  }
0xa3: {  	_ =	swait.ge [sflag:s23], $0x1  }
0xa4: {  	[sflag:s23] =	ssyncset.done $0x0  }
0xa5: {  	s25 =	simm.s32 $0x1B8E;
	s24 =	sld [smem:$0x3FFE];
	[sflag:s23] =	ssyncadd.s32 $0xFFFFFFFF  }
0xa6: {  	s26 =	simm.s32 $execute0_lowered;
	[smem:$0x3FD2] =	sst s25  }
0xa7: {  	s6 =	sshll.u32 s26, $0x1;
	_ =	strace $0x80000046;
	[dreg:$0x1] =	wrdreg $0xFFFFFFFF  }
0xa8: {  	s28 =	simm.s32 $_size_execute0_lowered;
	s4 =	sadd.s32 s4, s6;
	[dreg:$0x0] =	wrdreg $0x0  }
0xa9: {  	s6 =	sshll.u32 s28, $0x1;
	[dreg:$0x2] =	wrdreg s4  }
0xaa: {  	[dreg:$0x3] =	wrdreg s6  }
0xab: {  	[dreg:$0x4] =	wrdreg $0xC0  }
0xac: {  	_ =	task [dreg:s8], $0x5FFFF  }
0xad: {  	[dreg:$0x1] =	wrdreg $0xFFFFFFFF  }
0xae: {  	[dreg:$0x0] =	wrdreg $0x60  }
0xaf: {  	[dreg:$0x2] =	wrdreg s2  }
0xb0: {  	[dreg:$0x3] =	wrdreg s18  }
0xb1: {  	[dreg:$0x4] =	wrdreg s24  }
0xb2: {  	[dreg:$0x5] =	wrdreg $0xA3000  }
0xb3: {  	[dreg:$0x6] =	wrdreg $0x9  }
0xb4: {  	_ =	task.clear_ibuf [dreg:s8], $0x7FFFF;
	_ =	strace $0x90000046  }
0xb5: {  	s29 =	simm.s32 $0x9;
	_ =	strace $0x80000048  }
0xb6: {  	_ =	swait.ge [sflag:s29], $0x1  }
0xb7: {  	[sflag:s29] =	ssyncadd.s32 $0xFFFFFFFF  }
0xb8: {  	_ =	strace $0x90000048  }
0xb9: {  	_ =	sfence  }
0xba: {  	s30 =	sld [smem:$0x0];
	_ =	sdelay $0x2  }
0xbb: {  	s31 =	sshll.u32 s1, $0xD;
	s1 =	sshrl.u32 s1, $0x2  }
0xbc: {  	s3 =	sand.u32 $0x4000, s31;
	s1 =	sadd.s32 s1, s30  }
0xbd: {  	s0 =	sor.u32 s3, s0;
	s1 =	sshll.u32 s1, $0x11  }
0xbe: {  	s0 =	sor.u32 s1, s0  }
0xbf: {  	s0 =	sadd.s32 $0x8F2B, s0  }
0xc0: {  	[sflag:s0] =	ssyncadd.remote.s32 $0x1  }
0xc1: {  	_ =	sfence.sel $0xFFFF  }
0xc2: {  	[dreg:$0x0] =	wrdreg $0xFFFFFFFF;
	(pc) =	sbr.abs _section_cstart, $3  }
0xc3: {  	[dreg:$0x1] =	wrdreg $0xFFFFFFFF  }
0xc4: {  	_ =	task.clear_ibuf [dreg:s8], $0x2FFFF;
	_ =	strace $0x9FFFFFFF  }
0xc5: {  	(tm) =	ssettm $0x7FFFFFFF  }
tec
execute0_lowered:
.L_overlay_start_1:
0x0: {  	(tag) =	ssettag $0x1  }
0x1: {  	s1 =	rddreg [dreg:$0x0]  }
0x2: {  	s8 =	rddreg [dreg:$0x1]  }
0x3: {  	s3 =	rddreg [dreg:$0x2]  }
0x4: {  	s2 =	rddreg [dreg:$0x3];
	s20 =	stileid.u32  }
0x5: {  	s0 =	srdreg.scid;
	s9 =	smul.u32 $0xB40, s20  }
0x6: {  	s4 =	simm.s32 $0x0;
	s0 =	sand.u32 $0x1, s0;
	s14 =	smul.u32 $0x4F000, s20  }
0x7: {  	[smem:$0x7FF] =	sst s4;
	s10 =	sadd.s32 $0x1600, s3;
	s11 =	smul.u32 $0x3, s0  }
0x8: {  	s5 =	sadd.s32 $0x36E00, s3;
	s6 =	sadd.s32 $0xF600, s3;
	s13 =	smul.u32 $0x43800, s0  }
0x9: {  	s21 =	sshll.u32 s20, $0xC;
	s7 =	ssub.s32 $0x2, s0;
	s16 =	smul.u32 $0x30, s0  }
0xa: {  	_ =	strace $0x80000047;
	s19 =	smul.u32 $0x3B4000, s0;
	s12 =	sshrl.u32 s7, $0x1  }
0xb: {  	s3 =	ssub.s32 s7, s12;
	s12 =	smul.u32 $0x30000, s0;
	s16 =	sor.u32 s20, s16  }
0xc: {  	s14 =	sshrl.u32 s14, $0x2;
	s13 =	sadd.s32 s9, s13;
	s22 =	smul.u32 $0x4F0, s16  }
0xd: {  	s15 =	sshrl.u32 s13, $0x3;
	s16 =	smul.u32 $0x13C00, s20;
	s3 =	smax.u32 s3, $0x1  }
0xe: {  	s7 =	sor.u32 s21, s12;
	s15 =	sadd.s32 s8, s15;
	[dreg:$0x16] =	wrdreg s3  }
0xf: {  	s12 =	sadd.s32 $0x2D000, s13;
	[dreg:$0x5] =	wrdreg s15;
	s7 =	sshrl.u32 s7, $0x3  }
0x10: {  	s15 =	sadd.s32 $0x1, s11;
	s11 =	sadd.s32 $0x2, s11;
	s12 =	sshrl.u32 s12, $0x3  }
0x11: {  	s22 =	sadd.s32 s6, s22;
	s17 =	smul.u32 $0x16800, s15;
	s7 =	sadd.s32 s10, s7  }
0x12: {  	s18 =	sshll.u32 s15, $0x10;
	s24 =	sshll.u32 s11, $0x10;
	s25 =	smul.u32 $0x13C000, s15  }
0x13: {  	s12 =	sadd.s32 s8, s12;
	[dreg:$0xb] =	wrdreg s22;
	s11 =	sshll.u32 s11, $0x4  }
0x14: {  	[dreg:$0x6] =	wrdreg s7;
	s7 =	sadd.s32 s14, s2;
	s18 =	sor.u32 s21, s18  }
0x15: {  	s13 =	sor.u32 s21, s24;
	[dreg:$0x9] =	wrdreg s12;
	s24 =	sshll.u32 s15, $0x4  }
0x16: {  	s11 =	sor.u32 s20, s11;
	s15 =	simm.s32 $0x2;
	s17 =	sadd.s32 s9, s17  }
0x17: {  	s23 =	sshrl.u32 s18, $0x3;
	s26 =	sshrl.u32 s13, $0x3;
	s11 =	smul.u32 $0x4F0, s11  }
0x18: {  	s9 =	sshrl.u32 s9, $0x3;
	s13 =	sor.u32 $0x6, s0;
	s18 =	smul.u32 $0x1680, s0  }
0x19: {  	s14 =	sor.u32 s20, s24;
	s25 =	sadd.s32 s16, s25;
	s0 =	smul.u32 $0x1E00, s0  }
0x1a: {  	s28 =	sadd.s32 $0x9000, s7;
	s29 =	sadd.s32 $0xC000, s7;
	s30 =	sadd.s32 $0xF000, s7  }
0x1b: {  	s31 =	sadd.s32 $0x12000, s7;
	s17 =	sshrl.u32 s17, $0x3;
	s21 =	smul.u32 $0x13C000, s13  }
0x1c: {  	s12 =	sadd.s32 s10, s26;
	s14 =	smul.u32 $0x4F0, s14;
	s13 =	sshll.u32 s13, $0x4  }
0x1d: {  	s17 =	sadd.s32 s8, s17;
	s8 =	sadd.s32 s8, s9;
	[dreg:$0xa] =	wrdreg s12  }
0x1e: {  	s13 =	sor.u32 s20, s13;
	s11 =	sadd.s32 s6, s11;
	s22 =	sshrl.u32 s18, $0x2  }
0x1f: {  	s18 =	simm.s32 $0x1A00;
	[dreg:$0x7] =	wrdreg s17;
	s17 =	sadd.s32 s10, s23  }
0x20: {  	s23 =	sadd.s32 s16, s19;
	s14 =	sadd.s32 s6, s14;
	[dreg:$0xf] =	wrdreg s11  }
0x21: {  	s13 =	smul.u32 $0x4F0, s13;
	s19 =	sadd.s32 $0x10E00, s8;
	[dreg:$0x15] =	wrdreg s22  }
0x22: {  	s24 =	sadd.s32 $0xC0, s22;
	s8 =	simm.s32 $0xB80;
	[dreg:$0x8] =	wrdreg s17  }
0x23: {  	s17 =	sshll.u32 s20, $0x9;
	s26 =	sshrl.u32 s23, $0x3;
	[dreg:$0xd] =	wrdreg s14  }
0x24: {  	s12 =	sadd.s32 $0x278000, s23;
	s20 =	sadd.s32 $0x3000, s7;
	[dreg:$0x13] =	wrdreg s19  }
0x25: {  	[dreg:$0x18] =	wrdreg s24;
	s19 =	simm.s32 $0x0;
	s9 =	sadd.s32 s17, s10  }
0x26: {  	s10 =	sadd.s32 s16, s21;
	s16 =	sadd.s32 s5, s26;
	s17 =	sshrl.u32 s12, $0x3  }
0x27: {  	s6 =	sadd.s32 s6, s13;
	s26 =	sadd.s32 $0x6000, s7;
	s12 =	simm.s32 $0x1B80  }
0x28: {  	s13 =	simm.s32 $0x1;
	[dreg:$0xc] =	wrdreg s16;
	s16 =	sshrl.u32 s25, $0x3  }
0x29: {  	[dreg:$0x10] =	wrdreg s6;
	s10 =	sshrl.u32 s10, $0x3;
	s11 =	sadd.s32 s5, s17  }
0x2a: {  	s21 =	sadd.s32 $0xC000, s9;
	s25 =	sshrl.u32 s0, $0x2;
	s6 =	simm.s32 $0x3  }
0x2b: {  	s9 =	simm.s32 $0x4300;
	s17 =	simm.s32 $0x1980;
	[dreg:$0x11] =	wrdreg s11  }
0x2c: {  	s14 =	sadd.s32 s5, s16;
	s5 =	sadd.s32 s5, s10;
	[dreg:$0x14] =	wrdreg s21  }
0x2d: {  	s0 =	sadd.s32 $0xB80, s25;
	s23 =	sadd.s32 $0x1280, s25;
	[dreg:$0xe] =	wrdreg s14  }
0x2e: {  	s10 =	simm.s32 $0x60;
	s11 =	simm.s32 $0x7300;
	[dreg:$0x12] =	wrdreg s5;
	v2 =	vmov s0  }
0x2f: {  	v0 =	vimm.f32 $0.0e+00;
	v1 =	vimm.f32 $1.000000000e+00;
	s16 =	simm.s32 $0xAE0;
	[dreg:$0x17] =	wrdreg s23;
	s14 =	simm.s32 $0x4  }
.LBB2_1:
0x30: {  	s3 =	simm.s32 $0x40;
	s21 =	simm.s32 $0x0  }
.LBB2_2:
0x31: {  	p0 =	sne.s32 s3, $0x9DC0;
	[tilespmem:s21+$0x1B80] =	vst v0;
	s21 =	smov.u32 s3;
	s3 =	sadd.s32 $0x40, s3  }
.Ltmp0:
0x32: {  	(pc) =	sbr.rel @p0 .LBB2_2-.Ltmp0, $2  }
0x33: {  	_ =	sdelay $0x2  }
0x34: {  	s21 =	sshra.s32 s21, $0x2  }
0x35: {  	[tilespmem:s21+$0x1B80] =	vst v0;
	s3 =	simm.s32 $0x0;
	s5 =	rddreg [dreg:$0x5]  }
0x36: {  	[tilespmem:s3], [sflag:$0x3] =	stream.linear.gather [hbm4b:s5+s3], $0xB40, $0x38;
	[tilespmem:$0x1DF00] =	vst v63  }
0x37: {  	_ =	swait.ge [sflag:s6], $0xB40  }
0x38: {  	[sflag:s6] =	ssyncset.done $0x0  }
0x39: {  	s24 =	rddreg [dreg:$0x6];
	[sflag:s6] =	ssyncadd.s32 $0xFFFFF4C0  }
0x3a: {  	[tilespmem:s8], [sflag:$0x3] =	stream.linear.gather [hbm4b:s24+s3], $0xF00, $0x38;
	[tilespmem:$0x1DF00] =	vst v63  }
0x3b: {  	_ =	swait.ge [sflag:s6], $0xF00  }
0x3c: {  	[sflag:s6] =	ssyncset.done $0x0  }
0x3d: {  	s21 =	simm.s32 $0x200;
	s3 =	simm.s32 $0x0;
	[sflag:s6] =	ssyncadd.s32 $0xFFFFF100  }
.LBB2_4:
0x3e: {  	p0 =	sne.s32 s21, $0xBE00;
	[tilespmem:s3+$0x4370] =	vst v0  }
0x3f: {  	[tilespmem:s3+$0x4300] =	vst v0  }
0x40: {  	[tilespmem:s3+$0x4310] =	vst v0  }
.Ltmp1:
0x41: {  	[tilespmem:s3+$0x4320] =	vst v0;
	(pc) =	sbr.rel @p0 .LBB2_4-.Ltmp1, $4  }
0x42: {  	[tilespmem:s3+$0x4330] =	vst v0  }
0x43: {  	[tilespmem:s3+$0x4340] =	vst v0  }
0x44: {  	[tilespmem:s3+$0x4350] =	vst v0  }
0x45: {  	[tilespmem:s3+$0x4360] =	vst v0;
	s3 =	sshra.s32 s21, $0x2;
	s21 =	sadd.s32 $0x200, s21  }
0x46: {  	[tilespmem:s3+$0x4370] =	vst v0  }
0x47: {  	[tilespmem:s3+$0x4300] =	vst v0  }
0x48: {  	[tilespmem:s3+$0x4310] =	vst v0  }
0x49: {  	[tilespmem:s3+$0x4320] =	vst v0  }
0x4a: {  	[tilespmem:s3+$0x4330] =	vst v0  }
0x4b: {  	[tilespmem:s3+$0x4340] =	vst v0  }
0x4c: {  	[tilespmem:s3+$0x4350] =	vst v0  }
0x4d: {  	[tilespmem:s3+$0x4360] =	vst v0  }
0x4e: {  	[spmem:s7] =	stream.linear.scatter [tilespmem:s9], [sflag:$0x3], $0x3000, $0x38;
	[tilespmem:$0x1DF00] =	vst v63  }
0x4f: {  	_ =	swait.ge [sflag:s6], $0x3000  }
0x50: {  	[sflag:s6] =	ssyncset.done $0x0  }
0x51: {  	[sflag:s6] =	ssyncadd.s32 $0xFFFFD000  }
0x52: {  	[spmem:s20] =	stream.linear.scatter [tilespmem:s9], [sflag:$0x3], $0x3000, $0x38;
	[tilespmem:$0x1DF00] =	vst v63  }
0x53: {  	_ =	swait.ge [sflag:s6], $0x3000  }
0x54: {  	[sflag:s6] =	ssyncset.done $0x0  }
0x55: {  	[sflag:s6] =	ssyncadd.s32 $0xFFFFD000  }
0x56: {  	[spmem:s26] =	stream.linear.scatter [tilespmem:s9], [sflag:$0x3], $0x3000, $0x38;
	[tilespmem:$0x1DF00] =	vst v63  }
0x57: {  	_ =	swait.ge [sflag:s6], $0x3000  }
0x58: {  	[sflag:s6] =	ssyncset.done $0x0  }
0x59: {  	[sflag:s6] =	ssyncadd.s32 $0xFFFFD000  }
0x5a: {  	[spmem:s28] =	stream.linear.scatter [tilespmem:s9], [sflag:$0x3], $0x3000, $0x38;
	[tilespmem:$0x1DF00] =	vst v63  }
0x5b: {  	_ =	swait.ge [sflag:s6], $0x3000  }
0x5c: {  	[sflag:s6] =	ssyncset.done $0x0  }
0x5d: {  	[sflag:s6] =	ssyncadd.s32 $0xFFFFD000  }
0x5e: {  	[spmem:s29] =	stream.linear.scatter [tilespmem:s9], [sflag:$0x3], $0x3000, $0x38;
	[tilespmem:$0x1DF00] =	vst v63  }
0x5f: {  	_ =	swait.ge [sflag:s6], $0x3000  }
0x60: {  	[sflag:s6] =	ssyncset.done $0x0  }
0x61: {  	[sflag:s6] =	ssyncadd.s32 $0xFFFFD000  }
0x62: {  	[spmem:s30] =	stream.linear.scatter [tilespmem:s9], [sflag:$0x3], $0x3000, $0x38;
	[tilespmem:$0x1DF00] =	vst v63  }
0x63: {  	_ =	swait.ge [sflag:s6], $0x3000  }
0x64: {  	[sflag:s6] =	ssyncset.done $0x0  }
0x65: {  	[sflag:s6] =	ssyncadd.s32 $0xFFFFD000  }
0x66: {  	[spmem:s31] =	stream.linear.scatter [tilespmem:s9], [sflag:$0x3], $0x1C00, $0x38;
	[tilespmem:$0x1DF00] =	vst v63  }
0x67: {  	_ =	swait.ge [sflag:s6], $0x1C00  }
0x68: {  	[sflag:s6] =	ssyncset.done $0x0  }
0x69: {  	[sflag:s6] =	ssyncadd.s32 $0xFFFFE400  }
0x6a: {  	s21 =	simm.s32 $0xFFFFD600;
	s22 =	simm.s32 $0xC00;
	[bflag:$0x0] =	sbarrier.arrive $0xFFFF  }
0x6b: {  	[tilespmem:s9], [sflag:$0x1] =	stream.indirect.gather [hbm4b:s1+s10], $0x80, s4, s10, $0xb8;
	[tilespmem:$0x1DF00] =	vst v63  }
.LBB2_6:
0x6c: {  	s3 =	sshra.s32 s21, $0x2  }
0x6d: {  	s24 =	sadd.s32 $0xAE0, s3  }
0x6e: {  	[tilespmem:s11], [sflag:$0x2] =	stream.indirect.gather [hbm4b:s1+s10], $0x80, s24, s10, $0xb8;
	[tilespmem:$0x1DF00] =	vst v63  }
0x6f: {  	v3 =	vld [tilespmem:s22+$0xFFFFFF80];
	_ =	sdelay $0x7  }
0x70: {  	[tilespmem:v3+s12+$0x0] =	vst.idx.add.f32.msk $0xffff, v1  }
0x71: {  	v3 =	vld [tilespmem:s22+$0xFFFFFF90];
	_ =	sdelay $0x7  }
0x72: {  	[tilespmem:v3+s12+$0x0] =	vst.idx.add.f32.msk $0xffff, v1  }
0x73: {  	v3 =	vld [tilespmem:s22+$0xFFFFFFA0];
	_ =	sdelay $0x7  }
0x74: {  	[tilespmem:v3+s12+$0x0] =	vst.idx.add.f32.msk $0xffff, v1  }
0x75: {  	v3 =	vld [tilespmem:s22+$0xFFFFFFB0];
	_ =	sdelay $0x7  }
0x76: {  	[tilespmem:v3+s12+$0x0] =	vst.idx.add.f32.msk $0xffff, v1  }
0x77: {  	v3 =	vld [tilespmem:s22+$0xFFFFFFC0];
	_ =	sdelay $0x7  }
0x78: {  	[tilespmem:v3+s12+$0x0] =	vst.idx.add.f32.msk $0xffff, v1  }
0x79: {  	v3 =	vld [tilespmem:s22+$0xFFFFFFD0];
	_ =	sdelay $0x7  }
0x7a: {  	[tilespmem:v3+s12+$0x0] =	vst.idx.add.f32.msk $0xffff, v1  }
0x7b: {  	_ =	swait.ge [sflag:s13], $0x3000  }
0x7c: {  	[sflag:s13] =	ssyncset.done $0x0  }
0x7d: {  	s23 =	sadd.s32 $0xFFFFFF80, s22;
	[sflag:s13] =	ssyncadd.s32 $0xFFFFD000  }
0x7e: {  	[spmem:s2] =	stream.indirect.scatter.add.f32 [tilespmem:s9], [sflag:$0x4], $0x80, s23, s10, $0xb8;
	[tilespmem:$0x1DF00] =	vst v63  }
0x7f: {  	_ =	swait.ge [sflag:s14], $0x3000  }
0x80: {  	[sflag:s14] =	ssyncset.done $0x0  }
0x81: {  	s3 =	sadd.s32 $0xB40, s3;
	[sflag:s14] =	ssyncadd.s32 $0xFFFFD000  }
0x82: {  	[tilespmem:s9], [sflag:$0x1] =	stream.indirect.gather [hbm4b:s1+s10], $0x80, s3, s10, $0xb8;
	[tilespmem:$0x1DF00] =	vst v63  }
0x83: {  	v3 =	vld [tilespmem:s22+$0x0];
	_ =	sdelay $0x7  }
0x84: {  	[tilespmem:v3+s12+$0x0] =	vst.idx.add.f32.msk $0xffff, v1  }
0x85: {  	v3 =	vld [tilespmem:s22+$0x10];
	_ =	sdelay $0x7  }
0x86: {  	[tilespmem:v3+s12+$0x0] =	vst.idx.add.f32.msk $0xffff, v1  }
0x87: {  	v3 =	vld [tilespmem:s22+$0x20];
	_ =	sdelay $0x7  }
0x88: {  	[tilespmem:v3+s12+$0x0] =	vst.idx.add.f32.msk $0xffff, v1  }
0x89: {  	v3 =	vld [tilespmem:s22+$0x30];
	_ =	sdelay $0x7  }
0x8a: {  	[tilespmem:v3+s12+$0x0] =	vst.idx.add.f32.msk $0xffff, v1  }
0x8b: {  	v3 =	vld [tilespmem:s22+$0x40];
	_ =	sdelay $0x7  }
0x8c: {  	[tilespmem:v3+s12+$0x0] =	vst.idx.add.f32.msk $0xffff, v1  }
0x8d: {  	v3 =	vld [tilespmem:s22+$0x50];
	_ =	sdelay $0x7  }
0x8e: {  	[tilespmem:v3+s12+$0x0] =	vst.idx.add.f32.msk $0xffff, v1  }
0x8f: {  	_ =	swait.ge [sflag:s15], $0x3000  }
0x90: {  	p0 =	sne.s32 s21, $0xFFFFFD00;
	[sflag:s15] =	ssyncset.done $0x0  }
.Ltmp2:
0x91: {  	[sflag:s15] =	ssyncadd.s32 $0xFFFFD000;
	(pc) =	sbr.rel @p0 .LBB2_6-.Ltmp2, $4  }
0x92: {  	[spmem:s2] =	stream.indirect.scatter.add.f32 [tilespmem:s11], [sflag:$0x3], $0x80, s22, s10, $0xb8;
	[tilespmem:$0x1DF00] =	vst v63  }
0x93: {  	_ =	swait.ge [sflag:s6], $0x3000  }
0x94: {  	[sflag:s6] =	ssyncset.done $0x0  }
0x95: {  	s21 =	sadd.s32 $0x300, s21;
	s22 =	sadd.s32 $0x100, s22;
	[sflag:s6] =	ssyncadd.s32 $0xFFFFD000  }
0x96: {  	[tilespmem:s11], [sflag:$0x2] =	stream.indirect.gather [hbm4b:s1+s10], $0x80, s16, s10, $0xb8;
	[tilespmem:$0x1DF00] =	vst v63  }
0x97: {  	v3 =	vld [tilespmem:$0x1980];
	_ =	sdelay $0x7  }
0x98: {  	[tilespmem:v3+s12+$0x0] =	vst.idx.add.f32.msk $0xffff, v1  }
0x99: {  	v3 =	vld [tilespmem:$0x1990];
	_ =	sdelay $0x7  }
0x9a: {  	[tilespmem:v3+s12+$0x0] =	vst.idx.add.f32.msk $0xffff, v1  }
0x9b: {  	v3 =	vld [tilespmem:$0x19A0];
	_ =	sdelay $0x7  }
0x9c: {  	[tilespmem:v3+s12+$0x0] =	vst.idx.add.f32.msk $0xffff, v1  }
0x9d: {  	v3 =	vld [tilespmem:$0x19B0];
	_ =	sdelay $0x7  }
0x9e: {  	[tilespmem:v3+s12+$0x0] =	vst.idx.add.f32.msk $0xffff, v1  }
0x9f: {  	v3 =	vld [tilespmem:$0x19C0];
	_ =	sdelay $0x7  }
0xa0: {  	[tilespmem:v3+s12+$0x0] =	vst.idx.add.f32.msk $0xffff, v1  }
0xa1: {  	v3 =	vld [tilespmem:$0x19D0];
	_ =	sdelay $0x7  }
0xa2: {  	[tilespmem:v3+s12+$0x0] =	vst.idx.add.f32.msk $0xffff, v1  }
0xa3: {  	_ =	swait.ge [sflag:s13], $0x3000  }
0xa4: {  	[sflag:s13] =	ssyncset.done $0x0  }
0xa5: {  	[sflag:s13] =	ssyncadd.s32 $0xFFFFD000  }
0xa6: {  	[spmem:s2] =	stream.indirect.scatter.add.f32 [tilespmem:s9], [sflag:$0x4], $0x80, s17, s10, $0xb8;
	[tilespmem:$0x1DF00] =	vst v63  }
0xa7: {  	_ =	swait.ge [sflag:s14], $0x3000  }
0xa8: {  	[sflag:s14] =	ssyncset.done $0x0  }
0xa9: {  	[sflag:s14] =	ssyncadd.s32 $0xFFFFD000  }
0xaa: {  	v3 =	vld [tilespmem:$0x1A00];
	_ =	sdelay $0x7  }
0xab: {  	[tilespmem:v3+s12+$0x0] =	vst.idx.add.f32.msk $0xffff, v1  }
0xac: {  	v3 =	vld [tilespmem:$0x1A10];
	_ =	sdelay $0x7  }
0xad: {  	[tilespmem:v3+s12+$0x0] =	vst.idx.add.f32.msk $0xffff, v1  }
0xae: {  	v3 =	vld [tilespmem:$0x1A20];
	_ =	sdelay $0x7  }
0xaf: {  	[tilespmem:v3+s12+$0x0] =	vst.idx.add.f32.msk $0xffff, v1  }
0xb0: {  	v3 =	vld [tilespmem:$0x1A30];
	_ =	sdelay $0x7  }
0xb1: {  	[tilespmem:v3+s12+$0x0] =	vst.idx.add.f32.msk $0xffff, v1  }
0xb2: {  	v3 =	vld [tilespmem:$0x1A40];
	_ =	sdelay $0x7  }
0xb3: {  	[tilespmem:v3+s12+$0x0] =	vst.idx.add.f32.msk $0xffff, v1  }
0xb4: {  	v3 =	vld [tilespmem:$0x1A50];
	_ =	sdelay $0x7  }
0xb5: {  	[tilespmem:v3+s12+$0x0] =	vst.idx.add.f32.msk $0xffff, v1  }
0xb6: {  	_ =	swait.ge [sflag:s15], $0x3000  }
0xb7: {  	[sflag:s15] =	ssyncset.done $0x0  }
0xb8: {  	[sflag:s15] =	ssyncadd.s32 $0xFFFFD000  }
0xb9: {  	[spmem:s2] =	stream.indirect.scatter.add.f32 [tilespmem:s11], [sflag:$0x3], $0x80, s18, s10, $0xb8;
	[tilespmem:$0x1DF00] =	vst v63  }
0xba: {  	_ =	swait.ge [sflag:s6], $0x3000  }
0xbb: {  	[sflag:s6] =	ssyncset.done $0x0  }
0xbc: {  	[sflag:s6] =	ssyncadd.s32 $0xFFFFD000  }
0xbd: {  	[bflag:$0x0] =	sbarrier.arrive $0xFFFF  }
0xbe: {  	s3 =	simm.s32 $0x0;
	s5 =	rddreg [dreg:$0xb]  }
0xbf: {  	[hbm4b:s5+s3] =	stream.linear.scatter [tilespmem:s12], [sflag:$0x3], $0x2780, $0x38;
	[tilespmem:$0x1DF00] =	vst v63  }
0xc0: {  	_ =	swait.ge [sflag:s6], $0x2780  }
0xc1: {  	[sflag:s6] =	ssyncset.done $0x0  }
0xc2: {  	s21 =	simm.s32 $0x0;
	s3 =	simm.s32 $0x40;
	[sflag:s6] =	ssyncadd.s32 $0xFFFFD880  }
.LBB2_8:
0xc3: {  	p0 =	sne.s32 s3, $0x9DC0;
	[tilespmem:s21+$0x1B80] =	vst v0;
	s21 =	smov.u32 s3;
	s3 =	sadd.s32 $0x40, s3  }
.Ltmp3:
0xc4: {  	(pc) =	sbr.rel @p0 .LBB2_8-.Ltmp3, $2  }
0xc5: {  	_ =	sdelay $0x2  }
0xc6: {  	s21 =	sshra.s32 s21, $0x2  }
0xc7: {  	s3 =	stileid.u32  }
0xc8: {  	s3 =	sshll.u32 s3, $0x6  }
0xc9: {  	[tilespmem:s21+$0x1B80] =	vst v0;
	s22 =	sshrl.u32 s7, $0x3;
	s5 =	rddreg [dreg:$0xc];
	s21 =	sor.u32 $0x1C03, s3  }
0xca: {  	[hbm:s5], [sflag:s21] =	dma.local [spmem:s22], $0x2780  }
0xcb: {  	_ =	swait.ge [sflag:s6], $0x2780  }
0xcc: {  	[sflag:s6] =	ssyncset.done $0x0  }
0xcd: {  	s23 =	simm.s32 $0x0;
	s5 =	rddreg [dreg:$0x7];
	[sflag:s6] =	ssyncadd.s32 $0xFFFFD880  }
0xce: {  	[tilespmem:s23], [sflag:$0x3] =	stream.linear.gather [hbm4b:s5+s23], $0xB40, $0x38;
	[tilespmem:$0x1DF00] =	vst v63  }
0xcf: {  	_ =	swait.ge [sflag:s6], $0xB40  }
0xd0: {  	[sflag:s6] =	ssyncset.done $0x0  }
0xd1: {  	s24 =	rddreg [dreg:$0x8];
	[sflag:s6] =	ssyncadd.s32 $0xFFFFF4C0  }
0xd2: {  	[tilespmem:s8], [sflag:$0x3] =	stream.linear.gather [hbm4b:s24+s23], $0xF00, $0x38;
	[tilespmem:$0x1DF00] =	vst v63  }
0xd3: {  	_ =	swait.ge [sflag:s6], $0xF00  }
0xd4: {  	[sflag:s6] =	ssyncset.done $0x0  }
0xd5: {  	s3 =	simm.s32 $0x0;
	s24 =	simm.s32 $0x200;
	[sflag:s6] =	ssyncadd.s32 $0xFFFFF100  }
.LBB2_10:
0xd6: {  	p0 =	sne.s32 s24, $0xBE00;
	[tilespmem:s3+$0x4370] =	vst v0  }
0xd7: {  	[tilespmem:s3+$0x4300] =	vst v0  }
0xd8: {  	[tilespmem:s3+$0x4310] =	vst v0  }
.Ltmp4:
0xd9: {  	[tilespmem:s3+$0x4320] =	vst v0;
	(pc) =	sbr.rel @p0 .LBB2_10-.Ltmp4, $4  }
0xda: {  	[tilespmem:s3+$0x4330] =	vst v0  }
0xdb: {  	[tilespmem:s3+$0x4340] =	vst v0  }
0xdc: {  	[tilespmem:s3+$0x4350] =	vst v0  }
0xdd: {  	[tilespmem:s3+$0x4360] =	vst v0;
	s3 =	sshra.s32 s24, $0x2;
	s24 =	sadd.s32 $0x200, s24  }
0xde: {  	[tilespmem:s3+$0x4370] =	vst v0  }
0xdf: {  	[tilespmem:s3+$0x4300] =	vst v0  }
0xe0: {  	[tilespmem:s3+$0x4310] =	vst v0  }
0xe1: {  	[tilespmem:s3+$0x4320] =	vst v0  }
0xe2: {  	[tilespmem:s3+$0x4330] =	vst v0  }
0xe3: {  	[tilespmem:s3+$0x4340] =	vst v0  }
0xe4: {  	[tilespmem:s3+$0x4350] =	vst v0  }
0xe5: {  	[tilespmem:s3+$0x4360] =	vst v0  }
0xe6: {  	[spmem:s7] =	stream.linear.scatter [tilespmem:s9], [sflag:$0x3], $0x3000, $0x38;
	[tilespmem:$0x1DF00] =	vst v63  }
0xe7: {  	_ =	swait.ge [sflag:s6], $0x3000  }
0xe8: {  	[sflag:s6] =	ssyncset.done $0x0  }
0xe9: {  	[sflag:s6] =	ssyncadd.s32 $0xFFFFD000  }
0xea: {  	[spmem:s20] =	stream.linear.scatter [tilespmem:s9], [sflag:$0x3], $0x3000, $0x38;
	[tilespmem:$0x1DF00] =	vst v63  }
0xeb: {  	_ =	swait.ge [sflag:s6], $0x3000  }
0xec: {  	[sflag:s6] =	ssyncset.done $0x0  }
0xed: {  	[sflag:s6] =	ssyncadd.s32 $0xFFFFD000  }
0xee: {  	[spmem:s26] =	stream.linear.scatter [tilespmem:s9], [sflag:$0x3], $0x3000, $0x38;
	[tilespmem:$0x1DF00] =	vst v63  }
0xef: {  	_ =	swait.ge [sflag:s6], $0x3000  }
0xf0: {  	[sflag:s6] =	ssyncset.done $0x0  }
0xf1: {  	[sflag:s6] =	ssyncadd.s32 $0xFFFFD000  }
0xf2: {  	[spmem:s28] =	stream.linear.scatter [tilespmem:s9], [sflag:$0x3], $0x3000, $0x38;
	[tilespmem:$0x1DF00] =	vst v63  }
0xf3: {  	_ =	swait.ge [sflag:s6], $0x3000  }
0xf4: {  	[sflag:s6] =	ssyncset.done $0x0  }
0xf5: {  	[sflag:s6] =	ssyncadd.s32 $0xFFFFD000  }
0xf6: {  	[spmem:s29] =	stream.linear.scatter [tilespmem:s9], [sflag:$0x3], $0x3000, $0x38;
	[tilespmem:$0x1DF00] =	vst v63  }
0xf7: {  	_ =	swait.ge [sflag:s6], $0x3000  }
0xf8: {  	[sflag:s6] =	ssyncset.done $0x0  }
0xf9: {  	[sflag:s6] =	ssyncadd.s32 $0xFFFFD000  }
0xfa: {  	[spmem:s30] =	stream.linear.scatter [tilespmem:s9], [sflag:$0x3], $0x3000, $0x38;
	[tilespmem:$0x1DF00] =	vst v63  }
0xfb: {  	_ =	swait.ge [sflag:s6], $0x3000  }
0xfc: {  	[sflag:s6] =	ssyncset.done $0x0  }
0xfd: {  	[sflag:s6] =	ssyncadd.s32 $0xFFFFD000  }
0xfe: {  	[spmem:s31] =	stream.linear.scatter [tilespmem:s9], [sflag:$0x3], $0x1C00, $0x38;
	[tilespmem:$0x1DF00] =	vst v63  }
0xff: {  	_ =	swait.ge [sflag:s6], $0x1C00  }
0x100: {  	[sflag:s6] =	ssyncset.done $0x0  }
0x101: {  	[sflag:s6] =	ssyncadd.s32 $0xFFFFE400  }
0x102: {  	s24 =	simm.s32 $0xFFFFD600;
	s3 =	simm.s32 $0xC00;
	[bflag:$0x0] =	sbarrier.arrive $0xFFFF  }
0x103: {  	[tilespmem:s9], [sflag:$0x1] =	stream.indirect.gather [hbm4b:s1+s10], $0x80, s4, s10, $0xb8;
	[tilespmem:$0x1DF00] =	vst v63  }
.LBB2_12:
0x104: {  	s5 =	sshra.s32 s24, $0x2  }
0x105: {  	s23 =	sadd.s32 $0xAE0, s5  }
0x106: {  	[tilespmem:s11], [sflag:$0x2] =	stream.indirect.gather [hbm4b:s1+s10], $0x80, s23, s10, $0xb8;
	[tilespmem:$0x1DF00] =	vst v63  }
0x107: {  	v3 =	vld [tilespmem:s3+$0xFFFFFF80];
	_ =	sdelay $0x7  }
0x108: {  	[tilespmem:v3+s12+$0x0] =	vst.idx.add.f32.msk $0xffff, v1  }
0x109: {  	v3 =	vld [tilespmem:s3+$0xFFFFFF90];
	_ =	sdelay $0x7  }
0x10a: {  	[tilespmem:v3+s12+$0x0] =	vst.idx.add.f32.msk $0xffff, v1  }
0x10b: {  	v3 =	vld [tilespmem:s3+$0xFFFFFFA0];
	_ =	sdelay $0x7  }
0x10c: {  	[tilespmem:v3+s12+$0x0] =	vst.idx.add.f32.msk $0xffff, v1  }
0x10d: {  	v3 =	vld [tilespmem:s3+$0xFFFFFFB0];
	_ =	sdelay $0x7  }
0x10e: {  	[tilespmem:v3+s12+$0x0] =	vst.idx.add.f32.msk $0xffff, v1  }
0x10f: {  	v3 =	vld [tilespmem:s3+$0xFFFFFFC0];
	_ =	sdelay $0x7  }
0x110: {  	[tilespmem:v3+s12+$0x0] =	vst.idx.add.f32.msk $0xffff, v1  }
0x111: {  	v3 =	vld [tilespmem:s3+$0xFFFFFFD0];
	_ =	sdelay $0x7  }
0x112: {  	[tilespmem:v3+s12+$0x0] =	vst.idx.add.f32.msk $0xffff, v1  }
0x113: {  	_ =	swait.ge [sflag:s13], $0x3000  }
0x114: {  	[sflag:s13] =	ssyncset.done $0x0  }
0x115: {  	s23 =	sadd.s32 $0xFFFFFF80, s3;
	[sflag:s13] =	ssyncadd.s32 $0xFFFFD000  }
0x116: {  	[spmem:s2] =	stream.indirect.scatter.add.f32 [tilespmem:s9], [sflag:$0x4], $0x80, s23, s10, $0xb8;
	[tilespmem:$0x1DF00] =	vst v63  }
0x117: {  	_ =	swait.ge [sflag:s14], $0x3000  }
0x118: {  	[sflag:s14] =	ssyncset.done $0x0  }
0x119: {  	s5 =	sadd.s32 $0xB40, s5;
	[sflag:s14] =	ssyncadd.s32 $0xFFFFD000  }
0x11a: {  	[tilespmem:s9], [sflag:$0x1] =	stream.indirect.gather [hbm4b:s1+s10], $0x80, s5, s10, $0xb8;
	[tilespmem:$0x1DF00] =	vst v63  }
0x11b: {  	v3 =	vld [tilespmem:s3+$0x0];
	_ =	sdelay $0x7  }
0x11c: {  	[tilespmem:v3+s12+$0x0] =	vst.idx.add.f32.msk $0xffff, v1  }
0x11d: {  	v3 =	vld [tilespmem:s3+$0x10];
	_ =	sdelay $0x7  }
0x11e: {  	[tilespmem:v3+s12+$0x0] =	vst.idx.add.f32.msk $0xffff, v1  }
0x11f: {  	v3 =	vld [tilespmem:s3+$0x20];
	_ =	sdelay $0x7  }
0x120: {  	[tilespmem:v3+s12+$0x0] =	vst.idx.add.f32.msk $0xffff, v1  }
0x121: {  	v3 =	vld [tilespmem:s3+$0x30];
	_ =	sdelay $0x7  }
0x122: {  	[tilespmem:v3+s12+$0x0] =	vst.idx.add.f32.msk $0xffff, v1  }
0x123: {  	v3 =	vld [tilespmem:s3+$0x40];
	_ =	sdelay $0x7  }
0x124: {  	[tilespmem:v3+s12+$0x0] =	vst.idx.add.f32.msk $0xffff, v1  }
0x125: {  	v3 =	vld [tilespmem:s3+$0x50];
	_ =	sdelay $0x7  }
0x126: {  	[tilespmem:v3+s12+$0x0] =	vst.idx.add.f32.msk $0xffff, v1  }
0x127: {  	_ =	swait.ge [sflag:s15], $0x3000  }
0x128: {  	p0 =	sne.s32 s24, $0xFFFFFD00;
	[sflag:s15] =	ssyncset.done $0x0  }
.Ltmp5:
0x129: {  	[sflag:s15] =	ssyncadd.s32 $0xFFFFD000;
	(pc) =	sbr.rel @p0 .LBB2_12-.Ltmp5, $4  }
0x12a: {  	[spmem:s2] =	stream.indirect.scatter.add.f32 [tilespmem:s11], [sflag:$0x3], $0x80, s3, s10, $0xb8;
	[tilespmem:$0x1DF00] =	vst v63  }
0x12b: {  	_ =	swait.ge [sflag:s6], $0x3000  }
0x12c: {  	[sflag:s6] =	ssyncset.done $0x0  }
0x12d: {  	s24 =	sadd.s32 $0x300, s24;
	s3 =	sadd.s32 $0x100, s3;
	[sflag:s6] =	ssyncadd.s32 $0xFFFFD000  }
0x12e: {  	[tilespmem:s11], [sflag:$0x2] =	stream.indirect.gather [hbm4b:s1+s10], $0x80, s16, s10, $0xb8;
	[tilespmem:$0x1DF00] =	vst v63  }
0x12f: {  	v3 =	vld [tilespmem:$0x1980];
	_ =	sdelay $0x7  }
0x130: {  	[tilespmem:v3+s12+$0x0] =	vst.idx.add.f32.msk $0xffff, v1  }
0x131: {  	v3 =	vld [tilespmem:$0x1990];
	_ =	sdelay $0x7  }
0x132: {  	[tilespmem:v3+s12+$0x0] =	vst.idx.add.f32.msk $0xffff, v1  }
0x133: {  	v3 =	vld [tilespmem:$0x19A0];
	_ =	sdelay $0x7  }
0x134: {  	[tilespmem:v3+s12+$0x0] =	vst.idx.add.f32.msk $0xffff, v1  }
0x135: {  	v3 =	vld [tilespmem:$0x19B0];
	_ =	sdelay $0x7  }
0x136: {  	[tilespmem:v3+s12+$0x0] =	vst.idx.add.f32.msk $0xffff, v1  }
0x137: {  	v3 =	vld [tilespmem:$0x19C0];
	_ =	sdelay $0x7  }
0x138: {  	[tilespmem:v3+s12+$0x0] =	vst.idx.add.f32.msk $0xffff, v1  }
0x139: {  	v3 =	vld [tilespmem:$0x19D0];
	_ =	sdelay $0x7  }
0x13a: {  	[tilespmem:v3+s12+$0x0] =	vst.idx.add.f32.msk $0xffff, v1  }
0x13b: {  	_ =	swait.ge [sflag:s13], $0x3000  }
0x13c: {  	[sflag:s13] =	ssyncset.done $0x0  }
0x13d: {  	[sflag:s13] =	ssyncadd.s32 $0xFFFFD000  }
0x13e: {  	[spmem:s2] =	stream.indirect.scatter.add.f32 [tilespmem:s9], [sflag:$0x4], $0x80, s17, s10, $0xb8;
	[tilespmem:$0x1DF00] =	vst v63  }
0x13f: {  	_ =	swait.ge [sflag:s14], $0x3000  }
0x140: {  	[sflag:s14] =	ssyncset.done $0x0  }
0x141: {  	[sflag:s14] =	ssyncadd.s32 $0xFFFFD000  }
0x142: {  	v3 =	vld [tilespmem:$0x1A00];
	_ =	sdelay $0x7  }
0x143: {  	[tilespmem:v3+s12+$0x0] =	vst.idx.add.f32.msk $0xffff, v1  }
0x144: {  	v3 =	vld [tilespmem:$0x1A10];
	_ =	sdelay $0x7  }
0x145: {  	[tilespmem:v3+s12+$0x0] =	vst.idx.add.f32.msk $0xffff, v1  }
0x146: {  	v3 =	vld [tilespmem:$0x1A20];
	_ =	sdelay $0x7  }
0x147: {  	[tilespmem:v3+s12+$0x0] =	vst.idx.add.f32.msk $0xffff, v1  }
0x148: {  	v3 =	vld [tilespmem:$0x1A30];
	_ =	sdelay $0x7  }
0x149: {  	[tilespmem:v3+s12+$0x0] =	vst.idx.add.f32.msk $0xffff, v1  }
0x14a: {  	v3 =	vld [tilespmem:$0x1A40];
	_ =	sdelay $0x7  }
0x14b: {  	[tilespmem:v3+s12+$0x0] =	vst.idx.add.f32.msk $0xffff, v1  }
0x14c: {  	v3 =	vld [tilespmem:$0x1A50];
	_ =	sdelay $0x7  }
0x14d: {  	[tilespmem:v3+s12+$0x0] =	vst.idx.add.f32.msk $0xffff, v1  }
0x14e: {  	_ =	swait.ge [sflag:s15], $0x3000  }
0x14f: {  	[sflag:s15] =	ssyncset.done $0x0  }
0x150: {  	[sflag:s15] =	ssyncadd.s32 $0xFFFFD000  }
0x151: {  	[spmem:s2] =	stream.indirect.scatter.add.f32 [tilespmem:s11], [sflag:$0x3], $0x80, s18, s10, $0xb8;
	[tilespmem:$0x1DF00] =	vst v63  }
0x152: {  	_ =	swait.ge [sflag:s6], $0x3000  }
0x153: {  	[sflag:s6] =	ssyncset.done $0x0  }
0x154: {  	[sflag:s6] =	ssyncadd.s32 $0xFFFFD000  }
0x155: {  	[bflag:$0x0] =	sbarrier.arrive $0xFFFF  }
0x156: {  	s3 =	simm.s32 $0x0;
	s5 =	rddreg [dreg:$0xd]  }
0x157: {  	[hbm4b:s5+s3] =	stream.linear.scatter [tilespmem:s12], [sflag:$0x3], $0x2780, $0x38;
	[tilespmem:$0x1DF00] =	vst v63  }
0x158: {  	_ =	swait.ge [sflag:s6], $0x2780  }
0x159: {  	[sflag:s6] =	ssyncset.done $0x0  }
0x15a: {  	s24 =	simm.s32 $0x0;
	s3 =	simm.s32 $0x40;
	[sflag:s6] =	ssyncadd.s32 $0xFFFFD880  }
.LBB2_14:
0x15b: {  	p0 =	sne.s32 s3, $0x9DC0;
	[tilespmem:s24+$0x1B80] =	vst v0;
	s5 =	smov.u32 s3;
	s3 =	sadd.s32 $0x40, s3  }
.Ltmp6:
0x15c: {  	(pc) =	sbr.rel @p0 .LBB2_14-.Ltmp6, $2  }
0x15d: {  	_ =	sdelay $0x2  }
0x15e: {  	s24 =	sshra.s32 s5, $0x2  }
0x15f: {  	[tilespmem:s24+$0x1B80] =	vst v0;
	s3 =	rddreg [dreg:$0xe]  }
0x160: {  	[hbm:s3], [sflag:s21] =	dma.local [spmem:s22], $0x2780  }
0x161: {  	_ =	swait.ge [sflag:s6], $0x2780  }
0x162: {  	[sflag:s6] =	ssyncset.done $0x0  }
0x163: {  	s23 =	simm.s32 $0x0;
	s5 =	rddreg [dreg:$0x9];
	[sflag:s6] =	ssyncadd.s32 $0xFFFFD880  }
0x164: {  	[tilespmem:s23], [sflag:$0x3] =	stream.linear.gather [hbm4b:s5+s23], $0xB40, $0x38;
	[tilespmem:$0x1DF00] =	vst v63  }
0x165: {  	_ =	swait.ge [sflag:s6], $0xB40  }
0x166: {  	[sflag:s6] =	ssyncset.done $0x0  }
0x167: {  	s24 =	rddreg [dreg:$0xa];
	[sflag:s6] =	ssyncadd.s32 $0xFFFFF4C0  }
0x168: {  	[tilespmem:s8], [sflag:$0x3] =	stream.linear.gather [hbm4b:s24+s23], $0xF00, $0x38;
	[tilespmem:$0x1DF00] =	vst v63  }
0x169: {  	_ =	swait.ge [sflag:s6], $0xF00  }
0x16a: {  	[sflag:s6] =	ssyncset.done $0x0  }
0x16b: {  	s3 =	simm.s32 $0x0;
	s24 =	simm.s32 $0x200;
	[sflag:s6] =	ssyncadd.s32 $0xFFFFF100  }
.LBB2_16:
0x16c: {  	p0 =	sne.s32 s24, $0xBE00;
	[tilespmem:s3+$0x4370] =	vst v0  }
0x16d: {  	[tilespmem:s3+$0x4300] =	vst v0  }
0x16e: {  	[tilespmem:s3+$0x4310] =	vst v0  }
.Ltmp7:
0x16f: {  	[tilespmem:s3+$0x4320] =	vst v0;
	(pc) =	sbr.rel @p0 .LBB2_16-.Ltmp7, $4  }
0x170: {  	[tilespmem:s3+$0x4330] =	vst v0  }
0x171: {  	[tilespmem:s3+$0x4340] =	vst v0  }
0x172: {  	[tilespmem:s3+$0x4350] =	vst v0  }
0x173: {  	[tilespmem:s3+$0x4360] =	vst v0;
	s3 =	sshra.s32 s24, $0x2;
	s24 =	sadd.s32 $0x200, s24  }
0x174: {  	[tilespmem:s3+$0x4370] =	vst v0  }
0x175: {  	[tilespmem:s3+$0x4300] =	vst v0  }
0x176: {  	[tilespmem:s3+$0x4310] =	vst v0  }
0x177: {  	[tilespmem:s3+$0x4320] =	vst v0  }
0x178: {  	[tilespmem:s3+$0x4330] =	vst v0  }
0x179: {  	[tilespmem:s3+$0x4340] =	vst v0  }
0x17a: {  	[tilespmem:s3+$0x4350] =	vst v0  }
0x17b: {  	[tilespmem:s3+$0x4360] =	vst v0  }
0x17c: {  	[spmem:s7] =	stream.linear.scatter [tilespmem:s9], [sflag:$0x3], $0x3000, $0x38;
	[tilespmem:$0x1DF00] =	vst v63  }
0x17d: {  	_ =	swait.ge [sflag:s6], $0x3000  }
0x17e: {  	[sflag:s6] =	ssyncset.done $0x0  }
0x17f: {  	[sflag:s6] =	ssyncadd.s32 $0xFFFFD000  }
0x180: {  	[spmem:s20] =	stream.linear.scatter [tilespmem:s9], [sflag:$0x3], $0x3000, $0x38;
	[tilespmem:$0x1DF00] =	vst v63  }
0x181: {  	_ =	swait.ge [sflag:s6], $0x3000  }
0x182: {  	[sflag:s6] =	ssyncset.done $0x0  }
0x183: {  	[sflag:s6] =	ssyncadd.s32 $0xFFFFD000  }
0x184: {  	[spmem:s26] =	stream.linear.scatter [tilespmem:s9], [sflag:$0x3], $0x3000, $0x38;
	[tilespmem:$0x1DF00] =	vst v63  }
0x185: {  	_ =	swait.ge [sflag:s6], $0x3000  }
0x186: {  	[sflag:s6] =	ssyncset.done $0x0  }
0x187: {  	[sflag:s6] =	ssyncadd.s32 $0xFFFFD000  }
0x188: {  	[spmem:s28] =	stream.linear.scatter [tilespmem:s9], [sflag:$0x3], $0x3000, $0x38;
	[tilespmem:$0x1DF00] =	vst v63  }
0x189: {  	_ =	swait.ge [sflag:s6], $0x3000  }
0x18a: {  	[sflag:s6] =	ssyncset.done $0x0  }
0x18b: {  	[sflag:s6] =	ssyncadd.s32 $0xFFFFD000  }
0x18c: {  	[spmem:s29] =	stream.linear.scatter [tilespmem:s9], [sflag:$0x3], $0x3000, $0x38;
	[tilespmem:$0x1DF00] =	vst v63  }
0x18d: {  	_ =	swait.ge [sflag:s6], $0x3000  }
0x18e: {  	[sflag:s6] =	ssyncset.done $0x0  }
0x18f: {  	[sflag:s6] =	ssyncadd.s32 $0xFFFFD000  }
0x190: {  	[spmem:s30] =	stream.linear.scatter [tilespmem:s9], [sflag:$0x3], $0x3000, $0x38;
	[tilespmem:$0x1DF00] =	vst v63  }
0x191: {  	_ =	swait.ge [sflag:s6], $0x3000  }
0x192: {  	[sflag:s6] =	ssyncset.done $0x0  }
0x193: {  	[sflag:s6] =	ssyncadd.s32 $0xFFFFD000  }
0x194: {  	[spmem:s31] =	stream.linear.scatter [tilespmem:s9], [sflag:$0x3], $0x1C00, $0x38;
	[tilespmem:$0x1DF00] =	vst v63  }
0x195: {  	_ =	swait.ge [sflag:s6], $0x1C00  }
0x196: {  	[sflag:s6] =	ssyncset.done $0x0  }
0x197: {  	[sflag:s6] =	ssyncadd.s32 $0xFFFFE400  }
0x198: {  	s24 =	simm.s32 $0xFFFFD600;
	s3 =	simm.s32 $0xC00;
	[bflag:$0x0] =	sbarrier.arrive $0xFFFF  }
0x199: {  	[tilespmem:s9], [sflag:$0x1] =	stream.indirect.gather [hbm4b:s1+s10], $0x80, s4, s10, $0xb8;
	[tilespmem:$0x1DF00] =	vst v63  }
.LBB2_18:
0x19a: {  	s5 =	sshra.s32 s24, $0x2  }
0x19b: {  	s23 =	sadd.s32 $0xAE0, s5  }
0x19c: {  	[tilespmem:s11], [sflag:$0x2] =	stream.indirect.gather [hbm4b:s1+s10], $0x80, s23, s10, $0xb8;
	[tilespmem:$0x1DF00] =	vst v63  }
0x19d: {  	v3 =	vld [tilespmem:s3+$0xFFFFFF80];
	_ =	sdelay $0x7  }
0x19e: {  	[tilespmem:v3+s12+$0x0] =	vst.idx.add.f32.msk $0xffff, v1  }
0x19f: {  	v3 =	vld [tilespmem:s3+$0xFFFFFF90];
	_ =	sdelay $0x7  }
0x1a0: {  	[tilespmem:v3+s12+$0x0] =	vst.idx.add.f32.msk $0xffff, v1  }
0x1a1: {  	v3 =	vld [tilespmem:s3+$0xFFFFFFA0];
	_ =	sdelay $0x7  }
0x1a2: {  	[tilespmem:v3+s12+$0x0] =	vst.idx.add.f32.msk $0xffff, v1  }
0x1a3: {  	v3 =	vld [tilespmem:s3+$0xFFFFFFB0];
	_ =	sdelay $0x7  }
0x1a4: {  	[tilespmem:v3+s12+$0x0] =	vst.idx.add.f32.msk $0xffff, v1  }
0x1a5: {  	v3 =	vld [tilespmem:s3+$0xFFFFFFC0];
	_ =	sdelay $0x7  }
0x1a6: {  	[tilespmem:v3+s12+$0x0] =	vst.idx.add.f32.msk $0xffff, v1  }
0x1a7: {  	v3 =	vld [tilespmem:s3+$0xFFFFFFD0];
	_ =	sdelay $0x7  }
0x1a8: {  	[tilespmem:v3+s12+$0x0] =	vst.idx.add.f32.msk $0xffff, v1  }
0x1a9: {  	_ =	swait.ge [sflag:s13], $0x3000  }
0x1aa: {  	[sflag:s13] =	ssyncset.done $0x0  }
0x1ab: {  	s23 =	sadd.s32 $0xFFFFFF80, s3;
	[sflag:s13] =	ssyncadd.s32 $0xFFFFD000  }
0x1ac: {  	[spmem:s2] =	stream.indirect.scatter.add.f32 [tilespmem:s9], [sflag:$0x4], $0x80, s23, s10, $0xb8;
	[tilespmem:$0x1DF00] =	vst v63  }
0x1ad: {  	_ =	swait.ge [sflag:s14], $0x3000  }
0x1ae: {  	[sflag:s14] =	ssyncset.done $0x0  }
0x1af: {  	s5 =	sadd.s32 $0xB40, s5;
	[sflag:s14] =	ssyncadd.s32 $0xFFFFD000  }
0x1b0: {  	[tilespmem:s9], [sflag:$0x1] =	stream.indirect.gather [hbm4b:s1+s10], $0x80, s5, s10, $0xb8;
	[tilespmem:$0x1DF00] =	vst v63  }
0x1b1: {  	v3 =	vld [tilespmem:s3+$0x0];
	_ =	sdelay $0x7  }
0x1b2: {  	[tilespmem:v3+s12+$0x0] =	vst.idx.add.f32.msk $0xffff, v1  }
0x1b3: {  	v3 =	vld [tilespmem:s3+$0x10];
	_ =	sdelay $0x7  }
0x1b4: {  	[tilespmem:v3+s12+$0x0] =	vst.idx.add.f32.msk $0xffff, v1  }
0x1b5: {  	v3 =	vld [tilespmem:s3+$0x20];
	_ =	sdelay $0x7  }
0x1b6: {  	[tilespmem:v3+s12+$0x0] =	vst.idx.add.f32.msk $0xffff, v1  }
0x1b7: {  	v3 =	vld [tilespmem:s3+$0x30];
	_ =	sdelay $0x7  }
0x1b8: {  	[tilespmem:v3+s12+$0x0] =	vst.idx.add.f32.msk $0xffff, v1  }
0x1b9: {  	v3 =	vld [tilespmem:s3+$0x40];
	_ =	sdelay $0x7  }
0x1ba: {  	[tilespmem:v3+s12+$0x0] =	vst.idx.add.f32.msk $0xffff, v1  }
0x1bb: {  	v3 =	vld [tilespmem:s3+$0x50];
	_ =	sdelay $0x7  }
0x1bc: {  	[tilespmem:v3+s12+$0x0] =	vst.idx.add.f32.msk $0xffff, v1  }
0x1bd: {  	_ =	swait.ge [sflag:s15], $0x3000  }
0x1be: {  	p0 =	sne.s32 s24, $0xFFFFFD00;
	[sflag:s15] =	ssyncset.done $0x0  }
.Ltmp8:
0x1bf: {  	[sflag:s15] =	ssyncadd.s32 $0xFFFFD000;
	(pc) =	sbr.rel @p0 .LBB2_18-.Ltmp8, $4  }
0x1c0: {  	[spmem:s2] =	stream.indirect.scatter.add.f32 [tilespmem:s11], [sflag:$0x3], $0x80, s3, s10, $0xb8;
	[tilespmem:$0x1DF00] =	vst v63  }
0x1c1: {  	_ =	swait.ge [sflag:s6], $0x3000  }
0x1c2: {  	[sflag:s6] =	ssyncset.done $0x0  }
0x1c3: {  	s24 =	sadd.s32 $0x300, s24;
	s3 =	sadd.s32 $0x100, s3;
	[sflag:s6] =	ssyncadd.s32 $0xFFFFD000  }
0x1c4: {  	[tilespmem:s11], [sflag:$0x2] =	stream.indirect.gather [hbm4b:s1+s10], $0x80, s16, s10, $0xb8;
	[tilespmem:$0x1DF00] =	vst v63  }
0x1c5: {  	v3 =	vld [tilespmem:$0x1980];
	_ =	sdelay $0x7  }
0x1c6: {  	[tilespmem:v3+s12+$0x0] =	vst.idx.add.f32.msk $0xffff, v1  }
0x1c7: {  	v3 =	vld [tilespmem:$0x1990];
	_ =	sdelay $0x7  }
0x1c8: {  	[tilespmem:v3+s12+$0x0] =	vst.idx.add.f32.msk $0xffff, v1  }
0x1c9: {  	v3 =	vld [tilespmem:$0x19A0];
	_ =	sdelay $0x7  }
0x1ca: {  	[tilespmem:v3+s12+$0x0] =	vst.idx.add.f32.msk $0xffff, v1  }
0x1cb: {  	v3 =	vld [tilespmem:$0x19B0];
	_ =	sdelay $0x7  }
0x1cc: {  	[tilespmem:v3+s12+$0x0] =	vst.idx.add.f32.msk $0xffff, v1  }
0x1cd: {  	v3 =	vld [tilespmem:$0x19C0];
	_ =	sdelay $0x7  }
0x1ce: {  	[tilespmem:v3+s12+$0x0] =	vst.idx.add.f32.msk $0xffff, v1  }
0x1cf: {  	v3 =	vld [tilespmem:$0x19D0];
	_ =	sdelay $0x7  }
0x1d0: {  	[tilespmem:v3+s12+$0x0] =	vst.idx.add.f32.msk $0xffff, v1  }
0x1d1: {  	_ =	swait.ge [sflag:s13], $0x3000  }
0x1d2: {  	[sflag:s13] =	ssyncset.done $0x0  }
0x1d3: {  	[sflag:s13] =	ssyncadd.s32 $0xFFFFD000  }
0x1d4: {  	[spmem:s2] =	stream.indirect.scatter.add.f32 [tilespmem:s9], [sflag:$0x4], $0x80, s17, s10, $0xb8;
	[tilespmem:$0x1DF00] =	vst v63  }
0x1d5: {  	_ =	swait.ge [sflag:s14], $0x3000  }
0x1d6: {  	[sflag:s14] =	ssyncset.done $0x0  }
0x1d7: {  	[sflag:s14] =	ssyncadd.s32 $0xFFFFD000  }
0x1d8: {  	v3 =	vld [tilespmem:$0x1A00];
	_ =	sdelay $0x7  }
0x1d9: {  	[tilespmem:v3+s12+$0x0] =	vst.idx.add.f32.msk $0xffff, v1  }
0x1da: {  	v3 =	vld [tilespmem:$0x1A10];
	_ =	sdelay $0x7  }
0x1db: {  	[tilespmem:v3+s12+$0x0] =	vst.idx.add.f32.msk $0xffff, v1  }
0x1dc: {  	v3 =	vld [tilespmem:$0x1A20];
	_ =	sdelay $0x7  }
0x1dd: {  	[tilespmem:v3+s12+$0x0] =	vst.idx.add.f32.msk $0xffff, v1  }
0x1de: {  	v3 =	vld [tilespmem:$0x1A30];
	_ =	sdelay $0x7  }
0x1df: {  	[tilespmem:v3+s12+$0x0] =	vst.idx.add.f32.msk $0xffff, v1  }
0x1e0: {  	v3 =	vld [tilespmem:$0x1A40];
	_ =	sdelay $0x7  }
0x1e1: {  	[tilespmem:v3+s12+$0x0] =	vst.idx.add.f32.msk $0xffff, v1  }
0x1e2: {  	v3 =	vld [tilespmem:$0x1A50];
	_ =	sdelay $0x7  }
0x1e3: {  	[tilespmem:v3+s12+$0x0] =	vst.idx.add.f32.msk $0xffff, v1  }
0x1e4: {  	_ =	swait.ge [sflag:s15], $0x3000  }
0x1e5: {  	[sflag:s15] =	ssyncset.done $0x0  }
0x1e6: {  	[sflag:s15] =	ssyncadd.s32 $0xFFFFD000  }
0x1e7: {  	[spmem:s2] =	stream.indirect.scatter.add.f32 [tilespmem:s11], [sflag:$0x3], $0x80, s18, s10, $0xb8;
	[tilespmem:$0x1DF00] =	vst v63  }
0x1e8: {  	_ =	swait.ge [sflag:s6], $0x3000  }
0x1e9: {  	[sflag:s6] =	ssyncset.done $0x0  }
0x1ea: {  	[sflag:s6] =	ssyncadd.s32 $0xFFFFD000  }
0x1eb: {  	[bflag:$0x0] =	sbarrier.arrive $0xFFFF  }
0x1ec: {  	s3 =	simm.s32 $0x0;
	s5 =	rddreg [dreg:$0xf]  }
0x1ed: {  	[hbm4b:s5+s3] =	stream.linear.scatter [tilespmem:s12], [sflag:$0x3], $0x2780, $0x38;
	[tilespmem:$0x1DF00] =	vst v63  }
0x1ee: {  	_ =	swait.ge [sflag:s6], $0x2780  }
0x1ef: {  	[sflag:s6] =	ssyncset.done $0x0  }
0x1f0: {  	s24 =	simm.s32 $0x0;
	s3 =	simm.s32 $0x40;
	[sflag:s6] =	ssyncadd.s32 $0xFFFFD880  }
.LBB2_20:
0x1f1: {  	p0 =	sne.s32 s3, $0x9DC0;
	[tilespmem:s24+$0x1B80] =	vst v0;
	s5 =	smov.u32 s3;
	s3 =	sadd.s32 $0x40, s3  }
.Ltmp9:
0x1f2: {  	(pc) =	sbr.rel @p0 .LBB2_20-.Ltmp9, $2  }
0x1f3: {  	_ =	sdelay $0x2  }
0x1f4: {  	s24 =	sshra.s32 s5, $0x2  }
0x1f5: {  	[tilespmem:s24+$0x1B80] =	vst v0;
	s3 =	rddreg [dreg:$0x11]  }
0x1f6: {  	[hbm:s3], [sflag:s21] =	dma.local [spmem:s22], $0x2780  }
0x1f7: {  	_ =	swait.ge [sflag:s6], $0x2780  }
0x1f8: {  	[sflag:s6] =	ssyncset.done $0x0  }
0x1f9: {  	s23 =	simm.s32 $0x0;
	s5 =	rddreg [dreg:$0x13];
	[sflag:s6] =	ssyncadd.s32 $0xFFFFD880  }
0x1fa: {  	[tilespmem:s23], [sflag:$0x3] =	stream.linear.gather [hbm4b:s5+s23], $0xB40, $0x38;
	[tilespmem:$0x1DF00] =	vst v63  }
0x1fb: {  	_ =	swait.ge [sflag:s6], $0xB40  }
0x1fc: {  	[sflag:s6] =	ssyncset.done $0x0  }
0x1fd: {  	s24 =	rddreg [dreg:$0x14];
	[sflag:s6] =	ssyncadd.s32 $0xFFFFF4C0  }
0x1fe: {  	[tilespmem:s8], [sflag:$0x3] =	stream.linear.gather [hbm4b:s24+s23], $0xF00, $0x38;
	[tilespmem:$0x1DF00] =	vst v63  }
0x1ff: {  	_ =	swait.ge [sflag:s6], $0xF00  }
0x200: {  	[sflag:s6] =	ssyncset.done $0x0  }
0x201: {  	s3 =	simm.s32 $0x0;
	s24 =	simm.s32 $0x200;
	[sflag:s6] =	ssyncadd.s32 $0xFFFFF100  }
.LBB2_22:
0x202: {  	p0 =	sne.s32 s24, $0xBE00;
	[tilespmem:s3+$0x4370] =	vst v0  }
0x203: {  	[tilespmem:s3+$0x4300] =	vst v0  }
0x204: {  	[tilespmem:s3+$0x4310] =	vst v0  }
.Ltmp10:
0x205: {  	[tilespmem:s3+$0x4320] =	vst v0;
	(pc) =	sbr.rel @p0 .LBB2_22-.Ltmp10, $4  }
0x206: {  	[tilespmem:s3+$0x4330] =	vst v0  }
0x207: {  	[tilespmem:s3+$0x4340] =	vst v0  }
0x208: {  	[tilespmem:s3+$0x4350] =	vst v0  }
0x209: {  	[tilespmem:s3+$0x4360] =	vst v0;
	s3 =	sshra.s32 s24, $0x2;
	s24 =	sadd.s32 $0x200, s24  }
0x20a: {  	[tilespmem:s3+$0x4370] =	vst v0  }
0x20b: {  	[tilespmem:s3+$0x4300] =	vst v0  }
0x20c: {  	[tilespmem:s3+$0x4310] =	vst v0  }
0x20d: {  	[tilespmem:s3+$0x4320] =	vst v0  }
0x20e: {  	[tilespmem:s3+$0x4330] =	vst v0  }
0x20f: {  	[tilespmem:s3+$0x4340] =	vst v0  }
0x210: {  	[tilespmem:s3+$0x4350] =	vst v0  }
0x211: {  	[tilespmem:s3+$0x4360] =	vst v0  }
0x212: {  	[spmem:s7] =	stream.linear.scatter [tilespmem:s9], [sflag:$0x3], $0x3000, $0x38;
	[tilespmem:$0x1DF00] =	vst v63  }
0x213: {  	_ =	swait.ge [sflag:s6], $0x3000  }
0x214: {  	[sflag:s6] =	ssyncset.done $0x0  }
0x215: {  	[sflag:s6] =	ssyncadd.s32 $0xFFFFD000  }
0x216: {  	[spmem:s20] =	stream.linear.scatter [tilespmem:s9], [sflag:$0x3], $0x3000, $0x38;
	[tilespmem:$0x1DF00] =	vst v63  }
0x217: {  	_ =	swait.ge [sflag:s6], $0x3000  }
0x218: {  	[sflag:s6] =	ssyncset.done $0x0  }
0x219: {  	[sflag:s6] =	ssyncadd.s32 $0xFFFFD000  }
0x21a: {  	[spmem:s26] =	stream.linear.scatter [tilespmem:s9], [sflag:$0x3], $0x3000, $0x38;
	[tilespmem:$0x1DF00] =	vst v63  }
0x21b: {  	_ =	swait.ge [sflag:s6], $0x3000  }
0x21c: {  	[sflag:s6] =	ssyncset.done $0x0  }
0x21d: {  	[sflag:s6] =	ssyncadd.s32 $0xFFFFD000  }
0x21e: {  	[spmem:s28] =	stream.linear.scatter [tilespmem:s9], [sflag:$0x3], $0x3000, $0x38;
	[tilespmem:$0x1DF00] =	vst v63  }
0x21f: {  	_ =	swait.ge [sflag:s6], $0x3000  }
0x220: {  	[sflag:s6] =	ssyncset.done $0x0  }
0x221: {  	[sflag:s6] =	ssyncadd.s32 $0xFFFFD000  }
0x222: {  	[spmem:s29] =	stream.linear.scatter [tilespmem:s9], [sflag:$0x3], $0x3000, $0x38;
	[tilespmem:$0x1DF00] =	vst v63  }
0x223: {  	_ =	swait.ge [sflag:s6], $0x3000  }
0x224: {  	[sflag:s6] =	ssyncset.done $0x0  }
0x225: {  	[sflag:s6] =	ssyncadd.s32 $0xFFFFD000  }
0x226: {  	[spmem:s30] =	stream.linear.scatter [tilespmem:s9], [sflag:$0x3], $0x3000, $0x38;
	[tilespmem:$0x1DF00] =	vst v63  }
0x227: {  	_ =	swait.ge [sflag:s6], $0x3000  }
0x228: {  	[sflag:s6] =	ssyncset.done $0x0  }
0x229: {  	[sflag:s6] =	ssyncadd.s32 $0xFFFFD000  }
0x22a: {  	[spmem:s31] =	stream.linear.scatter [tilespmem:s9], [sflag:$0x3], $0x1C00, $0x38;
	[tilespmem:$0x1DF00] =	vst v63  }
0x22b: {  	_ =	swait.ge [sflag:s6], $0x1C00  }
0x22c: {  	[sflag:s6] =	ssyncset.done $0x0  }
0x22d: {  	[sflag:s6] =	ssyncadd.s32 $0xFFFFE400  }
0x22e: {  	[bflag:$0x0] =	sbarrier.arrive $0xFFFF  }
0x22f: {  	s24 =	rddreg [dreg:$0x15]  }
0x230: {  	[tilespmem:s9], [sflag:$0x1] =	stream.indirect.gather [hbm4b:s1+s10], $0x80, s24, s10, $0xb8;
	[tilespmem:$0x1DF00] =	vst v63  }
0x231: {  	s3 =	rddreg [dreg:$0x18];
	s24 =	simm.s32 $0x0  }
.LBB2_24:
0x232: {  	s5 =	sadd.s32 $0xFFFFFFA0, s3  }
0x233: {  	[tilespmem:s11], [sflag:$0x2] =	stream.indirect.gather [hbm4b:s1+s10], $0x80, s5, s10, $0xb8;
	[tilespmem:$0x1DF00] =	vst v63  }
0x234: {  	s5 =	sshra.s32 s24, $0x2  }
0x235: {  	v3 =	vld.idx.msk [tilespmem:v2+s5+$0x0 ss:$0x1], $0xffff;
	_ =	sdelay $0x7  }
0x236: {  	[tilespmem:v3+s12+$0x0] =	vst.idx.add.f32.msk $0xffff, v1  }
0x237: {  	v3 =	vld.idx.msk [tilespmem:v2+s5+$0x10 ss:$0x1], $0xffff;
	_ =	sdelay $0x7  }
0x238: {  	[tilespmem:v3+s12+$0x0] =	vst.idx.add.f32.msk $0xffff, v1  }
0x239: {  	v3 =	vld.idx.msk [tilespmem:v2+s5+$0x20 ss:$0x1], $0xffff;
	_ =	sdelay $0x7  }
0x23a: {  	[tilespmem:v3+s12+$0x0] =	vst.idx.add.f32.msk $0xffff, v1  }
0x23b: {  	v3 =	vld.idx.msk [tilespmem:v2+s5+$0x30 ss:$0x1], $0xffff;
	_ =	sdelay $0x7  }
0x23c: {  	[tilespmem:v3+s12+$0x0] =	vst.idx.add.f32.msk $0xffff, v1  }
0x23d: {  	v3 =	vld.idx.msk [tilespmem:v2+s5+$0x40 ss:$0x1], $0xffff;
	_ =	sdelay $0x7  }
0x23e: {  	[tilespmem:v3+s12+$0x0] =	vst.idx.add.f32.msk $0xffff, v1  }
0x23f: {  	v3 =	vld.idx.msk [tilespmem:v2+s5+$0x50 ss:$0x1], $0xffff;
	_ =	sdelay $0x7  }
0x240: {  	[tilespmem:v3+s12+$0x0] =	vst.idx.add.f32.msk $0xffff, v1  }
0x241: {  	_ =	swait.ge [sflag:s13], $0x3000  }
0x242: {  	[sflag:s13] =	ssyncset.done $0x0  }
0x243: {  	s23 =	sadd.s32 s5, s0;
	[sflag:s13] =	ssyncadd.s32 $0xFFFFD000  }
0x244: {  	[spmem:s2] =	stream.indirect.scatter.add.f32 [tilespmem:s9], [sflag:$0x4], $0x80, s23, s10, $0xb8;
	[tilespmem:$0x1DF00] =	vst v63  }
0x245: {  	_ =	swait.ge [sflag:s14], $0x3000  }
0x246: {  	[sflag:s14] =	ssyncset.done $0x0  }
0x247: {  	[sflag:s14] =	ssyncadd.s32 $0xFFFFD000  }
0x248: {  	[tilespmem:s9], [sflag:$0x1] =	stream.indirect.gather [hbm4b:s1+s10], $0x80, s3, s10, $0xb8;
	[tilespmem:$0x1DF00] =	vst v63  }
0x249: {  	v3 =	vld.idx.msk [tilespmem:v2+s5+$0x80 ss:$0x1], $0xffff;
	_ =	sdelay $0x7  }
0x24a: {  	[tilespmem:v3+s12+$0x0] =	vst.idx.add.f32.msk $0xffff, v1  }
0x24b: {  	v3 =	vld.idx.msk [tilespmem:v2+s5+$0x90 ss:$0x1], $0xffff;
	_ =	sdelay $0x7  }
0x24c: {  	[tilespmem:v3+s12+$0x0] =	vst.idx.add.f32.msk $0xffff, v1  }
0x24d: {  	v3 =	vld.idx.msk [tilespmem:v2+s5+$0xA0 ss:$0x1], $0xffff;
	_ =	sdelay $0x7  }
0x24e: {  	[tilespmem:v3+s12+$0x0] =	vst.idx.add.f32.msk $0xffff, v1  }
0x24f: {  	v3 =	vld.idx.msk [tilespmem:v2+s5+$0xB0 ss:$0x1], $0xffff;
	_ =	sdelay $0x7  }
0x250: {  	[tilespmem:v3+s12+$0x0] =	vst.idx.add.f32.msk $0xffff, v1  }
0x251: {  	v3 =	vld.idx.msk [tilespmem:v2+s5+$0xC0 ss:$0x1], $0xffff;
	_ =	sdelay $0x7  }
0x252: {  	[tilespmem:v3+s12+$0x0] =	vst.idx.add.f32.msk $0xffff, v1  }
0x253: {  	v3 =	vld.idx.msk [tilespmem:v2+s5+$0xD0 ss:$0x1], $0xffff;
	_ =	sdelay $0x7  }
0x254: {  	[tilespmem:v3+s12+$0x0] =	vst.idx.add.f32.msk $0xffff, v1  }
0x255: {  	_ =	swait.ge [sflag:s15], $0x3000  }
0x256: {  	p0 =	sne.s32 s24, $0x1800;
	[sflag:s15] =	ssyncset.done $0x0  }
.Ltmp11:
0x257: {  	s23 =	sadd.s32 $0x80, s23;
	[sflag:s15] =	ssyncadd.s32 $0xFFFFD000;
	(pc) =	sbr.rel @p0 .LBB2_24-.Ltmp11, $4  }
0x258: {  	[spmem:s2] =	stream.indirect.scatter.add.f32 [tilespmem:s11], [sflag:$0x3], $0x80, s23, s10, $0xb8;
	[tilespmem:$0x1DF00] =	vst v63  }
0x259: {  	_ =	swait.ge [sflag:s6], $0x3000  }
0x25a: {  	[sflag:s6] =	ssyncset.done $0x0  }
0x25b: {  	s24 =	sadd.s32 $0x400, s24;
	s3 =	sadd.s32 $0xC0, s3;
	[sflag:s6] =	ssyncadd.s32 $0xFFFFD000  }
0x25c: {  	v3 =	vld [tilespmem:s25+$0x1280];
	_ =	sdelay $0x7  }
0x25d: {  	[tilespmem:v3+s12+$0x0] =	vst.idx.add.f32.msk $0xffff, v1  }
0x25e: {  	v3 =	vld [tilespmem:s25+$0x1290];
	_ =	sdelay $0x7  }
0x25f: {  	[tilespmem:v3+s12+$0x0] =	vst.idx.add.f32.msk $0xffff, v1  }
0x260: {  	v3 =	vld [tilespmem:s25+$0x12A0];
	_ =	sdelay $0x7  }
0x261: {  	[tilespmem:v3+s12+$0x0] =	vst.idx.add.f32.msk $0xffff, v1  }
0x262: {  	v3 =	vld [tilespmem:s25+$0x12B0];
	_ =	sdelay $0x7  }
0x263: {  	[tilespmem:v3+s12+$0x0] =	vst.idx.add.f32.msk $0xffff, v1  }
0x264: {  	v3 =	vld [tilespmem:s25+$0x12C0];
	_ =	sdelay $0x7  }
0x265: {  	[tilespmem:v3+s12+$0x0] =	vst.idx.add.f32.msk $0xffff, v1  }
0x266: {  	v3 =	vld [tilespmem:s25+$0x12D0];
	_ =	sdelay $0x7  }
0x267: {  	[tilespmem:v3+s12+$0x0] =	vst.idx.add.f32.msk $0xffff, v1  }
0x268: {  	_ =	swait.ge [sflag:s13], $0x3000  }
0x269: {  	[sflag:s13] =	ssyncset.done $0x0  }
0x26a: {  	s3 =	rddreg [dreg:$0x17];
	[sflag:s13] =	ssyncadd.s32 $0xFFFFD000  }
0x26b: {  	[spmem:s2] =	stream.indirect.scatter.add.f32 [tilespmem:s9], [sflag:$0x4], $0x80, s3, s10, $0xb8;
	[tilespmem:$0x1DF00] =	vst v63  }
0x26c: {  	_ =	swait.ge [sflag:s14], $0x3000  }
0x26d: {  	[sflag:s14] =	ssyncset.done $0x0  }
0x26e: {  	[sflag:s14] =	ssyncadd.s32 $0xFFFFD000  }
0x26f: {  	[bflag:$0x0] =	sbarrier.arrive $0xFFFF  }
0x270: {  	s5 =	rddreg [dreg:$0x10]  }
0x271: {  	[hbm4b:s5+s4] =	stream.linear.scatter [tilespmem:s12], [sflag:$0x3], $0x2780, $0x38;
	[tilespmem:$0x1DF00] =	vst v63  }
0x272: {  	_ =	swait.ge [sflag:s6], $0x2780  }
0x273: {  	[sflag:s6] =	ssyncset.done $0x0  }
0x274: {  	s23 =	rddreg [dreg:$0x12];
	[sflag:s6] =	ssyncadd.s32 $0xFFFFD880  }
0x275: {  	[hbm:s23], [sflag:s21] =	dma.local [spmem:s22], $0x2780  }
0x276: {  	_ =	swait.ge [sflag:s6], $0x2780  }
0x277: {  	s19 =	sadd.s32 $0x1, s19;
	s24 =	rddreg [dreg:$0x16]  }
0x278: {  	p0 =	sne.s32 s19, s24  }
.Ltmp12:
0x279: {  	_ = 	snop;
	(pc) =	sbr.rel @p0 .LBB2_1-.Ltmp12, $3  }
0x27a: {  	_ =	sdelay $0x1  }
0x27b: {  	[sflag:s6] =	ssyncset.done $0x0  }
0x27c: {  	[sflag:s6] =	ssyncadd.s32 $0xFFFFD880  }
0x27d: {  	_ =	sfence.sel $0x180000  }
0x27e: {  	[bflag:$0x0] =	sbarrier.arrive $0xFFFF  }
0x27f: {  	_ =	strace $0x90000047  }
0x280: {  	s0 =	stileid.u32;
	[bflag:$0x2] =	sbarrier.arrive $0xFFFF  }
0x281: {  	p0 =	sne.s32 s0, $0x0;
	s0 =	rddreg [dreg:$0x4]  }
0x282: {  	s0 =	sadd.s32 @!p0 $0x100000, s0  }
0x283: {  	[sflag:s0] =	ssyncadd.tile.s32 @!p0 $0x1;
	_ =	shalt  }
.Lfunc_end2:
_tile_overlayer_lowered:
.L_overlay_start_2:
0x284: {  	(tag) =	ssettag $0x2  }
0x285: {  	s0 =	rddreg [dreg:$0x0];
	s2 =	stileid.u32  }
0x286: {  	s1 =	rddreg [dreg:$0x1];
	p0 =	sne.s32 s2, $0x0  }
0x287: {  	s3 =	rddreg [dreg:$0x2];
	[bflag:$0x3] =	sbarrier.arrive $0xFFFF;
	s2 =	simm.s32 @!p0 $0x1C03  }
0x288: {  	[timem:s3], [sflag:s2] =	dma.local @!p0 [hbm:s0], s1  }
0x289: {  	s0 =	simm.s32 @!p0 $0x3  }
0x28a: {  	_ =	swait.ge @!p0 [sflag:s0], s1  }
0x28b: {  	s1 =	ssub.s32 @!p0 $0x0, s1;
	[sflag:s0] =	ssyncset.done @!p0 $0x0  }
0x28c: {  	[sflag:s0] =	ssyncadd.s32 @!p0 s1  }
0x28d: {  	[bflag:$0x3] =	sbarrier.arrive $0xFFFF  }
0x28e: {  	_ =	shalt  }

</sc_bundles>
